<compile_context>
chip_gen: v7x
topology: tpu7x:2x2x1
jax: 0.10.2.dev20260603
libtpu: 0.0.44.dev20260713+nightly
codegen_flags: <defaults>
</compile_context>

<pallas_src>
import functools

import jax
import jax.numpy as jnp
from jax import lax
from jax.experimental import pallas as pl
from jax.experimental.pallas import tpu as pltpu
from jax.experimental.pallas import tpu_sc as plsc

N_NODES = 10000
N_EDGES = 320000
D = 128

NC = 2
NS = 16
NW = NC * NS
NP = 10240
CHUNK = 128
CPW = 80
AC = 128
A0 = 120
A1 = 40
AGC = 8
EP = NW * CPW * CHUNK
ROWS_PER_TILE = NP // NS

_F32 = jnp.float32


@functools.cache
def _mesh():
    return plsc.VectorSubcoreMesh(
        core_axis_name="c", subcore_axis_name="s", num_cores=NC, num_subcores=NS
    )


def _deg_body(dst_hbm, out_hbm, idx_v, cnt_v):
    c = lax.axis_index("c")
    s = lax.axis_index("s")
    w = c * NS + s
    pltpu.sync_copy(dst_hbm.at[pl.ds(w * CPW, CPW)], idx_v)

    def zero_body(i, carry):
        cnt_v[pl.ds(i * 16, 16)] = jnp.zeros((16,), _F32)
        return carry

    lax.fori_loop(0, NP // 16, zero_body, 0)

    ones = jnp.ones((16,), _F32)

    def scat_body(j, carry):
        for k in range(CHUNK // 16):
            idx16 = idx_v[j, pl.ds(k * 16, 16)]
            plsc.addupdate_scatter(cnt_v, [idx16], ones)
        return carry

    lax.fori_loop(0, CPW, scat_body, 0)
    pltpu.sync_copy(cnt_v, out_hbm.at[w])


@functools.cache
def _deg_call():
    return pl.kernel(
        _deg_body,
        out_type=jax.ShapeDtypeStruct((NW, NP), _F32),
        mesh=_mesh(),
        scratch_types=[
            pltpu.VMEM((CPW, CHUNK), jnp.int32),
            pltpu.VMEM((NP,), _F32),
        ],
        compiler_params=pltpu.CompilerParams(needs_layout_passes=False),
    )


def _agg_body(
    g_hbm, src_hbm, dst_hbm, out_hbm, sidx_v, didx_v, rows_a, rows_b, agg_sh, sem_a, sem_b
):
    c = lax.axis_index("c")
    s = lax.axis_index("s")
    nch = jnp.where(c == 0, A0, A1)
    base_ch = c * NS * A0 + s * nch

    def zrow(i, carry):
        for k in range(D // 16):
            rows_a[i, pl.ds(k * 16, 16)] = jnp.zeros((16,), _F32)
        return carry

    lax.fori_loop(0, AC, zrow, 0)
    base = s * ROWS_PER_TILE
    for k in range(ROWS_PER_TILE // AC):
        pltpu.sync_copy(rows_a, agg_sh.at[pl.ds(base + k * AC, AC)])
    plsc.subcore_barrier()

    def group_body(gi, carry):
        gb = base_ch + gi * AGC
        pltpu.sync_copy(src_hbm.at[pl.ds(gb, AGC)], sidx_v)
        pltpu.sync_copy(dst_hbm.at[pl.ds(gb, AGC)], didx_v)
        pltpu.async_copy(g_hbm.at[sidx_v.at[0]], rows_a, sem_a)

        def chunk_pair(j2, carry2):
            j = j2 * 2
            pltpu.make_async_copy(g_hbm.at[sidx_v.at[j]], rows_a, sem_a).wait()
            pltpu.async_copy(g_hbm.at[sidx_v.at[j + 1]], rows_b, sem_b)
            pltpu.sync_copy(rows_a, agg_sh.at[didx_v.at[j]], add=True)
            pltpu.make_async_copy(g_hbm.at[sidx_v.at[j + 1]], rows_b, sem_b).wait()

            @pl.when(j + 2 < AGC)
            def _():
                pltpu.async_copy(g_hbm.at[sidx_v.at[j + 2]], rows_a, sem_a)

            pltpu.sync_copy(rows_b, agg_sh.at[didx_v.at[j + 1]], add=True)
            return carry2

        lax.fori_loop(0, AGC // 2, chunk_pair, 0)
        return carry

    lax.fori_loop(0, nch // AGC, group_body, 0)
    plsc.subcore_barrier()

    for k in range(ROWS_PER_TILE // AC):
        pltpu.sync_copy(agg_sh.at[pl.ds(base + k * AC, AC)], rows_a)
        pltpu.sync_copy(rows_a, out_hbm.at[c, pl.ds(base + k * AC, AC)])


@functools.cache
def _agg_call():
    return pl.kernel(
        _agg_body,
        out_type=jax.ShapeDtypeStruct((NC, NP, D), _F32),
        mesh=_mesh(),
        scratch_types=[
            pltpu.VMEM((AGC, AC), jnp.int32),
            pltpu.VMEM((AGC, AC), jnp.int32),
            pltpu.VMEM((AC, D), _F32),
            pltpu.VMEM((AC, D), _F32),
            pltpu.VMEM_SHARED((NP, D), _F32),
            pltpu.SemaphoreType.DMA,
            pltpu.SemaphoreType.DMA,
        ],
    )


_R = 1024


def _tc1_body(x_ref, pw_ref, pb_ref, w1_ref, degp_ref, g_ref, dinv_ref):
    h = jnp.dot(x_ref[...], pw_ref[...], preferred_element_type=_F32)
    h = h + pb_ref[...][None, :]
    deg = 1.0 + jnp.sum(degp_ref[...], axis=0)
    dinv = lax.rsqrt(deg)
    g_ref[...] = jnp.dot(h, w1_ref[...], preferred_element_type=_F32) * dinv[:, None]
    dinv_ref[...] = dinv[:, None]


_tc1_call = pl.pallas_call(
    _tc1_body,
    grid=(NP // _R,),
    in_specs=[
        pl.BlockSpec((_R, D), lambda i: (i, 0)),
        pl.BlockSpec((D, D), lambda i: (0, 0)),
        pl.BlockSpec((D,), lambda i: (0,)),
        pl.BlockSpec((D, D), lambda i: (0, 0)),
        pl.BlockSpec((NW, _R), lambda i: (0, i)),
    ],
    out_specs=[
        pl.BlockSpec((_R, D), lambda i: (i, 0)),
        pl.BlockSpec((_R, 1), lambda i: (i, 0)),
    ],
    out_shape=[
        jax.ShapeDtypeStruct((NP, D), _F32),
        jax.ShapeDtypeStruct((NP, 1), _F32),
    ],
)


def _tc_mid_body(p_ref, g_ref, dinv_ref, b_ref, w_ref, gout_ref):
    p = p_ref[...]
    agg = (p[0] + p[1] + g_ref[...]) * dinv_ref[...]
    h = jnp.maximum(agg + b_ref[...][None, :], 0.0)
    gout_ref[...] = jnp.dot(h, w_ref[...], preferred_element_type=_F32) * dinv_ref[...]


_tc_mid_call = pl.pallas_call(
    _tc_mid_body,
    grid=(NP // _R,),
    in_specs=[
        pl.BlockSpec((NC, _R, D), lambda i: (0, i, 0)),
        pl.BlockSpec((_R, D), lambda i: (i, 0)),
        pl.BlockSpec((_R, 1), lambda i: (i, 0)),
        pl.BlockSpec((D,), lambda i: (0,)),
        pl.BlockSpec((D, D), lambda i: (0, 0)),
    ],
    out_specs=pl.BlockSpec((_R, D), lambda i: (i, 0)),
    out_shape=jax.ShapeDtypeStruct((NP, D), _F32),
)


def _tc_out_body(p_ref, g_ref, dinv_ref, b_ref, w_ref, ob_ref, out_ref):
    p = p_ref[...]
    agg = (p[0] + p[1] + g_ref[...]) * dinv_ref[...]
    h = jnp.maximum(agg + b_ref[...][None, :], 0.0)
    out_ref[...] = (
        jnp.dot(h, w_ref[...], preferred_element_type=_F32) + ob_ref[...][None, :]
    )


_tc_out_call = pl.pallas_call(
    _tc_out_body,
    grid=(NP // _R,),
    in_specs=[
        pl.BlockSpec((NC, _R, D), lambda i: (0, i, 0)),
        pl.BlockSpec((_R, D), lambda i: (i, 0)),
        pl.BlockSpec((_R, 1), lambda i: (i, 0)),
        pl.BlockSpec((D,), lambda i: (0,)),
        pl.BlockSpec((D, D), lambda i: (0, 0)),
        pl.BlockSpec((D,), lambda i: (0,)),
    ],
    out_specs=pl.BlockSpec((_R, D), lambda i: (i, 0)),
    out_shape=jax.ShapeDtypeStruct((NP, D), _F32),
)


def kernel(x, edge_index, proj_W, proj_b, W1, b1, W2, b2, out_W, out_b):
    src = edge_index[0].astype(jnp.int32)
    dst = edge_index[1].astype(jnp.int32)
    pad_e = EP - N_EDGES
    pad_idx = jnp.full((pad_e,), N_NODES, jnp.int32)
    src_flat = jnp.concatenate([src, pad_idx])
    dst_flat = jnp.concatenate([dst, pad_idx])
    dstp_deg = dst_flat.reshape(NW * CPW, CHUNK)
    srcp = src_flat.reshape(NW * CPW, AC)
    dstp = dst_flat.reshape(NW * CPW, AC)
    xp = jnp.pad(x, ((0, NP - N_NODES), (0, 0)))

    degp = _deg_call()(dstp_deg)
    g1, dinv = _tc1_call(xp, proj_W, proj_b, W1, degp)
    parts1 = _agg_call()(g1, srcp, dstp)
    g2 = _tc_mid_call(parts1, g1, dinv, b1, W2)
    parts2 = _agg_call()(g2, srcp, dstp)
    out = _tc_out_call(parts2, g2, dinv, b2, out_W, out_b)
    return out[:N_NODES]

# --- scband reference (transcript-rebuilt; emitter-appended) ---
"""Pipeline reference for scband-gcn-40080634806825 (READ-ONLY COPY).

The authoritative reference and input builder live on the scoring server;
editing this copy changes nothing except your own understanding.
"""

import jax, jax.numpy as jnp
import numpy as np

N = 10000
E = 320000
D_IN = 128
D_HID = 128
D_OUT = 128


def setup_inputs(seed: int = 0) -> dict:
    key = jax.random.key(seed)
    ks = jax.random.split(key, 12)
    x = jax.random.normal(ks[0], (N, D_IN), dtype=jnp.float32)
    edge_index = jax.random.randint(ks[1], (2, E), 0, N, dtype=jnp.int32)
    s_in = 1.0 / np.sqrt(D_IN)
    s_hid = 1.0 / np.sqrt(D_HID)
    proj_W = jax.random.normal(ks[2], (D_IN, D_HID), dtype=jnp.float32) * s_in
    proj_b = jax.random.normal(ks[3], (D_HID,), dtype=jnp.float32) * 0.01
    W1 = jax.random.normal(ks[4], (D_HID, D_HID), dtype=jnp.float32) * s_hid
    b1 = jax.random.normal(ks[5], (D_HID,), dtype=jnp.float32) * 0.01
    W2 = jax.random.normal(ks[6], (D_HID, D_HID), dtype=jnp.float32) * s_hid
    b2 = jax.random.normal(ks[7], (D_HID,), dtype=jnp.float32) * 0.01
    out_W = jax.random.normal(ks[8], (D_HID, D_OUT), dtype=jnp.float32) * s_hid
    out_b = jax.random.normal(ks[9], (D_OUT,), dtype=jnp.float32) * 0.01
    return {
        "x": x,
        "edge_index": edge_index,
        "proj_W": proj_W,
        "proj_b": proj_b,
        "W1": W1,
        "b1": b1,
        "W2": W2,
        "b2": b2,
        "out_W": out_W,
        "out_b": out_b,
    }


def reference(x, edge_index, proj_W, proj_b, W1, b1, W2, b2, out_W, out_b):
    n = x.shape[0]
    # add self loops (GCNConv default add_self_loops=True)
    loop = jnp.arange(n, dtype=edge_index.dtype)
    src = jnp.concatenate([edge_index[0], loop])
    dst = jnp.concatenate([edge_index[1], loop])
    # symmetric normalization: deg computed at dst with unit edge weights
    deg = jnp.zeros((n,), dtype=jnp.float32).at[dst].add(1.0)
    dinv = jnp.where(deg > 0, jax.lax.rsqrt(deg), 0.0)
    norm = dinv[src] * dinv[dst]
    # proj linear
    h = x @ proj_W + proj_b
    # GCNConv layers with relu
    for W, b in ((W1, b1), (W2, b2)):
        hw = h @ W
        msg = hw[src] * norm[:, None]
        agg = jnp.zeros_like(hw).at[dst].add(msg)
        h = jax.nn.relu(agg + b)
    return h @ out_W + out_b

if __name__ == "__main__":
    import jax
    _d = setup_inputs()
    print(jax.jit(kernel)(*tuple(_d.values())))

</pallas_src>

<mosaic_0001>
#map = affine_map<(d0, d1) -> (0, 0)>
module attributes {stable_mosaic.version = 14 : i64} {
  func.func @_deg_body(%arg0: i32, %arg1: i32, %arg2: memref<2560x128xi32, #tpu.memory_space<hbm>>, %arg3: memref<32x10240xf32, #tpu.memory_space<hbm>>, %arg4: memref<80x128xi32, #tpu.memory_space<vmem>>, %arg5: memref<10240xf32, #tpu.memory_space<vmem>>) attributes {dimension_semantics = [#tpu.dimension_semantics<core_parallel>, #tpu.dimension_semantics<subcore_parallel>], iteration_bounds = array<i64: 2, 16>, scalar_prefetch = 0 : i64, scratch_operands = 2 : i64, tpu.core_type = #tpu.core_type<sc_vector_subcore>, window_params = [{transform_indices = #map}, {transform_indices = #map}]} {
    %mul3A = arith.constant 16 : i32
    %mul3A_0 = arith.muli %arg0, %mul3A : i32
    %add3A = arith.addi %mul3A_0, %arg1 : i32
    %mul3A_1 = arith.constant 80 : i32
    %mul3A_2 = arith.muli %add3A, %mul3A_1 : i32
    "tpu.region"() ({
      %run_scoped3A = tpu.sem_alloc : memref<!tpu.dma_semaphore, #tpu.memory_space<semaphore_mem>>
      %dma_start3A = arith.constant 0 : i32
      %dma_start3A_15 = tpu.memref_slice %arg2[%mul3A_2, %dma_start3A] : memref<2560x128xi32, #tpu.memory_space<hbm>> -> memref<80x128xi32, #tpu.memory_space<hbm>>
      %dma_start3A_16 = arith.constant 0 : i32
      %dma_start3A_17 = tpu.memref_slice %arg2[%mul3A_2, %dma_start3A_16] : memref<2560x128xi32, #tpu.memory_space<hbm>> -> memref<80x128xi32, #tpu.memory_space<hbm>>
      tpu.enqueue_dma source(%dma_start3A_17 : memref<80x128xi32, #tpu.memory_space<hbm>>) target(%arg4 : memref<80x128xi32, #tpu.memory_space<vmem>>) target_semaphore(%run_scoped3A : memref<!tpu.dma_semaphore, #tpu.memory_space<semaphore_mem>>)
      %dma_wait3A = arith.constant 0 : i32
      %dma_wait3A_18 = tpu.memref_slice %arg2[%mul3A_2, %dma_wait3A] : memref<2560x128xi32, #tpu.memory_space<hbm>> -> memref<80x128xi32, #tpu.memory_space<hbm>>
      %dma_wait3A_19 = arith.constant 0 : i32
      %dma_wait3A_20 = tpu.memref_slice %arg2[%mul3A_2, %dma_wait3A_19] : memref<2560x128xi32, #tpu.memory_space<hbm>> -> memref<80x128xi32, #tpu.memory_space<hbm>>
      tpu.wait_dma2 semaphore(%run_scoped3A : memref<!tpu.dma_semaphore, #tpu.memory_space<semaphore_mem>>) src(%dma_wait3A_20 : memref<80x128xi32, #tpu.memory_space<hbm>>) dst(%arg4 : memref<80x128xi32, #tpu.memory_space<vmem>>)
      tpu.yield
    }) : () -> ()
    %scan3A = arith.constant 0 : i32
    %scan3A_3 = arith.constant 0 : i32
    %scan3A_4 = arith.constant 640 : i32
    %scan3A_5 = arith.addi %scan3A_3, %scan3A_4 : i32
    %scan3A_6 = arith.constant 1 : i32
    scf.for %scan3A_15 = %scan3A_3 to %scan3A_5 step %scan3A_6  : i32 {
      %broadcast_in_dim3A_16 = arith.constant 0.000000e+00 : f32
      %broadcast_in_dim3A_17 = vector.broadcast %broadcast_in_dim3A_16 : f32 to vector<16xf32>
      %mul3A_18 = arith.constant 16 : i32
      %mul3A_19 = arith.muli %scan3A_15, %mul3A_18 : i32
      %swap3A = arith.index_cast %mul3A_19 : i32 to index
      %swap3A_20 = tpu.vector_load %arg5[%swap3A] {strides = array<i32>} : memref<10240xf32, #tpu.memory_space<vmem>>, vector<16xf32>,
      tpu.vector_store %arg5[%swap3A], %broadcast_in_dim3A_17 {strides = array<i32>} : memref<10240xf32, #tpu.memory_space<vmem>>, vector<16xf32>,
    }
    %scan3A_7 = arith.constant 640 : i32
    %broadcast_in_dim3A = arith.constant 1.000000e+00 : f32
    %broadcast_in_dim3A_8 = vector.broadcast %broadcast_in_dim3A : f32 to vector<16xf32>
    %scan3A_9 = arith.constant 0 : i32
    %scan3A_10 = arith.constant 0 : i32
    %scan3A_11 = arith.constant 80 : i32
    %scan3A_12 = arith.addi %scan3A_10, %scan3A_11 : i32
    %scan3A_13 = arith.constant 1 : i32
    scf.for %scan3A_15 = %scan3A_10 to %scan3A_12 step %scan3A_13  : i32 {
      %get3A = arith.index_cast %scan3A_15 : i32 to index
      %get3A_16 = arith.constant 0 : index
      %get3A_17 = tpu.vector_load %arg4[%get3A, %get3A_16] {strides = array<i32>} : memref<80x128xi32, #tpu.memory_space<vmem>>, vector<16xi32>,
      tpu.vector_store_idx %arg5[%get3A_17], %broadcast_in_dim3A_8 {add = true} : memref<10240xf32, #tpu.memory_space<vmem>>[vector<16xi32>], vector<16xf32>,
      %get3A_18 = arith.index_cast %scan3A_15 : i32 to index
      %get3A_19 = arith.constant 16 : index
      %get3A_20 = tpu.vector_load %arg4[%get3A_18, %get3A_19] {strides = array<i32>} : memref<80x128xi32, #tpu.memory_space<vmem>>, vector<16xi32>,
      tpu.vector_store_idx %arg5[%get3A_20], %broadcast_in_dim3A_8 {add = true} : memref<10240xf32, #tpu.memory_space<vmem>>[vector<16xi32>], vector<16xf32>,
      %get3A_21 = arith.index_cast %scan3A_15 : i32 to index
      %get3A_22 = arith.constant 32 : index
      %get3A_23 = tpu.vector_load %arg4[%get3A_21, %get3A_22] {strides = array<i32>} : memref<80x128xi32, #tpu.memory_space<vmem>>, vector<16xi32>,
      tpu.vector_store_idx %arg5[%get3A_23], %broadcast_in_dim3A_8 {add = true} : memref<10240xf32, #tpu.memory_space<vmem>>[vector<16xi32>], vector<16xf32>,
      %get3A_24 = arith.index_cast %scan3A_15 : i32 to index
      %get3A_25 = arith.constant 48 : index
      %get3A_26 = tpu.vector_load %arg4[%get3A_24, %get3A_25] {strides = array<i32>} : memref<80x128xi32, #tpu.memory_space<vmem>>, vector<16xi32>,
      tpu.vector_store_idx %arg5[%get3A_26], %broadcast_in_dim3A_8 {add = true} : memref<10240xf32, #tpu.memory_space<vmem>>[vector<16xi32>], vector<16xf32>,
      %get3A_27 = arith.index_cast %scan3A_15 : i32 to index
      %get3A_28 = arith.constant 64 : index
      %get3A_29 = tpu.vector_load %arg4[%get3A_27, %get3A_28] {strides = array<i32>} : memref<80x128xi32, #tpu.memory_space<vmem>>, vector<16xi32>,
      tpu.vector_store_idx %arg5[%get3A_29], %broadcast_in_dim3A_8 {add = true} : memref<10240xf32, #tpu.memory_space<vmem>>[vector<16xi32>], vector<16xf32>,
      %get3A_30 = arith.index_cast %scan3A_15 : i32 to index
      %get3A_31 = arith.constant 80 : index
      %get3A_32 = tpu.vector_load %arg4[%get3A_30, %get3A_31] {strides = array<i32>} : memref<80x128xi32, #tpu.memory_space<vmem>>, vector<16xi32>,
      tpu.vector_store_idx %arg5[%get3A_32], %broadcast_in_dim3A_8 {add = true} : memref<10240xf32, #tpu.memory_space<vmem>>[vector<16xi32>], vector<16xf32>,
      %get3A_33 = arith.index_cast %scan3A_15 : i32 to index
      %get3A_34 = arith.constant 96 : index
      %get3A_35 = tpu.vector_load %arg4[%get3A_33, %get3A_34] {strides = array<i32>} : memref<80x128xi32, #tpu.memory_space<vmem>>, vector<16xi32>,
      tpu.vector_store_idx %arg5[%get3A_35], %broadcast_in_dim3A_8 {add = true} : memref<10240xf32, #tpu.memory_space<vmem>>[vector<16xi32>], vector<16xf32>,
      %get3A_36 = arith.index_cast %scan3A_15 : i32 to index
      %get3A_37 = arith.constant 112 : index
      %get3A_38 = tpu.vector_load %arg4[%get3A_36, %get3A_37] {strides = array<i32>} : memref<80x128xi32, #tpu.memory_space<vmem>>, vector<16xi32>,
      tpu.vector_store_idx %arg5[%get3A_38], %broadcast_in_dim3A_8 {add = true} : memref<10240xf32, #tpu.memory_space<vmem>>[vector<16xi32>], vector<16xf32>,
    }
    %scan3A_14 = arith.constant 80 : i32
    "tpu.region"() ({
      %run_scoped3A = tpu.sem_alloc : memref<!tpu.dma_semaphore, #tpu.memory_space<semaphore_mem>>
      %dma_start3A = arith.constant 0 : i32
      %dma_start3A_15 = tpu.memref_slice %arg3[%add3A, %dma_start3A] : memref<32x10240xf32, #tpu.memory_space<hbm>> -> memref<1x10240xf32, #tpu.memory_space<hbm>>
      %dma_start3A_16 = tpu.memref_squeeze %dma_start3A_15 : memref<1x10240xf32, #tpu.memory_space<hbm>> -> memref<10240xf32, #tpu.memory_space<hbm>>
      %dma_start3A_17 = arith.constant 0 : i32
      %dma_start3A_18 = tpu.memref_slice %arg3[%add3A, %dma_start3A_17] : memref<32x10240xf32, #tpu.memory_space<hbm>> -> memref<1x10240xf32, #tpu.memory_space<hbm>>
      %dma_start3A_19 = tpu.memref_squeeze %dma_start3A_18 : memref<1x10240xf32, #tpu.memory_space<hbm>> -> memref<10240xf32, #tpu.memory_space<hbm>>
      tpu.enqueue_dma source(%arg5 : memref<10240xf32, #tpu.memory_space<vmem>>) target(%dma_start3A_19 : memref<10240xf32, #tpu.memory_space<hbm>>) target_semaphore(%run_scoped3A : memref<!tpu.dma_semaphore, #tpu.memory_space<semaphore_mem>>)
      %dma_wait3A = arith.constant 0 : i32
      %dma_wait3A_20 = tpu.memref_slice %arg3[%add3A, %dma_wait3A] : memref<32x10240xf32, #tpu.memory_space<hbm>> -> memref<1x10240xf32, #tpu.memory_space<hbm>>
      %dma_wait3A_21 = tpu.memref_squeeze %dma_wait3A_20 : memref<1x10240xf32, #tpu.memory_space<hbm>> -> memref<10240xf32, #tpu.memory_space<hbm>>
      %dma_wait3A_22 = arith.constant 0 : i32
      %dma_wait3A_23 = tpu.memref_slice %arg3[%add3A, %dma_wait3A_22] : memref<32x10240xf32, #tpu.memory_space<hbm>> -> memref<1x10240xf32, #tpu.memory_space<hbm>>
      %dma_wait3A_24 = tpu.memref_squeeze %dma_wait3A_23 : memref<1x10240xf32, #tpu.memory_space<hbm>> -> memref<10240xf32, #tpu.memory_space<hbm>>
      tpu.wait_dma2 semaphore(%run_scoped3A : memref<!tpu.dma_semaphore, #tpu.memory_space<semaphore_mem>>) src(%arg5 : memref<10240xf32, #tpu.memory_space<vmem>>) dst(%dma_wait3A_24 : memref<10240xf32, #tpu.memory_space<hbm>>)
      tpu.yield
    }) : () -> ()
    return
  }
}

#map = affine_map<(d0, d1) -> (0, 0)>
#map1 = affine_map<(d0, d1) -> (0, 0, 0)>
module attributes {stable_mosaic.version = 14 : i64} {
  func.func @_agg_body(%arg0: i32, %arg1: i32, %arg2: memref<10240x128xf32, #tpu.memory_space<hbm>>, %arg3: memref<2560x128xi32, #tpu.memory_space<hbm>>, %arg4: memref<2560x128xi32, #tpu.memory_space<hbm>>, %arg5: memref<2x10240x128xf32, #tpu.memory_space<hbm>>, %arg6: memref<8x128xi32, #tpu.memory_space<vmem>>, %arg7: memref<8x128xi32, #tpu.memory_space<vmem>>, %arg8: memref<128x128xf32, #tpu.memory_space<vmem>>, %arg9: memref<128x128xf32, #tpu.memory_space<vmem>>, %arg10: memref<10240x128xf32, #tpu.memory_space<vmem_shared>>, %arg11: memref<!tpu.dma_semaphore, #tpu.memory_space<semaphore_mem>>, %arg12: memref<!tpu.dma_semaphore, #tpu.memory_space<semaphore_mem>>) attributes {dimension_semantics = [#tpu.dimension_semantics<core_parallel>, #tpu.dimension_semantics<subcore_parallel>], iteration_bounds = array<i64: 2, 16>, scalar_prefetch = 0 : i64, scratch_operands = 7 : i64, tpu.core_type = #tpu.core_type<sc_vector_subcore>, window_params = [{transform_indices = #map}, {transform_indices = #map}, {transform_indices = #map}, {transform_indices = #map1}]} {
    %eq3A = arith.constant 0 : i32
    %eq3A_0 = arith.cmpi eq, %arg0, %eq3A : i32
    %jit3A = arith.constant 120 : i32
    %jit3A_1 = arith.constant 40 : i32
    %select_n3A = arith.select %eq3A_0, %jit3A, %jit3A_1 : i32
    %mul3A = arith.constant 16 : i32
    %mul3A_2 = arith.muli %arg0, %mul3A : i32
    %mul3A_3 = arith.constant 120 : i32
    %mul3A_4 = arith.muli %mul3A_2, %mul3A_3 : i32
    %mul3A_5 = arith.muli %arg1, %select_n3A : i32
    %add3A = arith.addi %mul3A_4, %mul3A_5 : i32
    %scan3A = arith.constant 0 : i32
    %scan3A_6 = arith.constant 0 : i32
    %scan3A_7 = arith.constant 128 : i32
    %scan3A_8 = arith.addi %scan3A_6, %scan3A_7 : i32
    %scan3A_9 = arith.constant 1 : i32
    scf.for %scan3A_71 = %scan3A_6 to %scan3A_8 step %scan3A_9  : i32 {
      %broadcast_in_dim3A = arith.constant 0.000000e+00 : f32
      %broadcast_in_dim3A_72 = vector.broadcast %broadcast_in_dim3A : f32 to vector<16xf32>
      %swap3A = arith.index_cast %scan3A_71 : i32 to index
      %swap3A_73 = arith.constant 0 : index
      %swap3A_74 = tpu.vector_load %arg8[%swap3A, %swap3A_73] {strides = array<i32>} : memref<128x128xf32, #tpu.memory_space<vmem>>, vector<1x16xf32>,
      %swap3A_75 = vector.shape_cast %swap3A_74 : vector<1x16xf32> to vector<16xf32>
      %swap3A_76 = vector.shape_cast %broadcast_in_dim3A_72 : vector<16xf32> to vector<1x16xf32>
      tpu.vector_store %arg8[%swap3A, %swap3A_73], %swap3A_76 {strides = array<i32>} : memref<128x128xf32, #tpu.memory_space<vmem>>, vector<1x16xf32>,
      %broadcast_in_dim3A_77 = arith.constant 0.000000e+00 : f32
      %broadcast_in_dim3A_78 = vector.broadcast %broadcast_in_dim3A_77 : f32 to vector<16xf32>
      %swap3A_79 = arith.index_cast %scan3A_71 : i32 to index
      %swap3A_80 = arith.constant 16 : index
      %swap3A_81 = tpu.vector_load %arg8[%swap3A_79, %swap3A_80] {strides = array<i32>} : memref<128x128xf32, #tpu.memory_space<vmem>>, vector<1x16xf32>,
      %swap3A_82 = vector.shape_cast %swap3A_81 : vector<1x16xf32> to vector<16xf32>
      %swap3A_83 = vector.shape_cast %broadcast_in_dim3A_78 : vector<16xf32> to vector<1x16xf32>
      tpu.vector_store %arg8[%swap3A_79, %swap3A_80], %swap3A_83 {strides = array<i32>} : memref<128x128xf32, #tpu.memory_space<vmem>>, vector<1x16xf32>,
      %broadcast_in_dim3A_84 = arith.constant 0.000000e+00 : f32
      %broadcast_in_dim3A_85 = vector.broadcast %broadcast_in_dim3A_84 : f32 to vector<16xf32>
      %swap3A_86 = arith.index_cast %scan3A_71 : i32 to index
      %swap3A_87 = arith.constant 32 : index
      %swap3A_88 = tpu.vector_load %arg8[%swap3A_86, %swap3A_87] {strides = array<i32>} : memref<128x128xf32, #tpu.memory_space<vmem>>, vector<1x16xf32>,
      %swap3A_89 = vector.shape_cast %swap3A_88 : vector<1x16xf32> to vector<16xf32>
      %swap3A_90 = vector.shape_cast %broadcast_in_dim3A_85 : vector<16xf32> to vector<1x16xf32>
      tpu.vector_store %arg8[%swap3A_86, %swap3A_87], %swap3A_90 {strides = array<i32>} : memref<128x128xf32, #tpu.memory_space<vmem>>, vector<1x16xf32>,
      %broadcast_in_dim3A_91 = arith.constant 0.000000e+00 : f32
      %broadcast_in_dim3A_92 = vector.broadcast %broadcast_in_dim3A_91 : f32 to vector<16xf32>
      %swap3A_93 = arith.index_cast %scan3A_71 : i32 to index
      %swap3A_94 = arith.constant 48 : index
      %swap3A_95 = tpu.vector_load %arg8[%swap3A_93, %swap3A_94] {strides = array<i32>} : memref<128x128xf32, #tpu.memory_space<vmem>>, vector<1x16xf32>,
      %swap3A_96 = vector.shape_cast %swap3A_95 : vector<1x16xf32> to vector<16xf32>
      %swap3A_97 = vector.shape_cast %broadcast_in_dim3A_92 : vector<16xf32> to vector<1x16xf32>
      tpu.vector_store %arg8[%swap3A_93, %swap3A_94], %swap3A_97 {strides = array<i32>} : memref<128x128xf32, #tpu.memory_space<vmem>>, vector<1x16xf32>,
      %broadcast_in_dim3A_98 = arith.constant 0.000000e+00 : f32
      %broadcast_in_dim3A_99 = vector.broadcast %broadcast_in_dim3A_98 : f32 to vector<16xf32>
      %swap3A_100 = arith.index_cast %scan3A_71 : i32 to index
      %swap3A_101 = arith.constant 64 : index
      %swap3A_102 = tpu.vector_load %arg8[%swap3A_100, %swap3A_101] {strides = array<i32>} : memref<128x128xf32, #tpu.memory_space<vmem>>, vector<1x16xf32>,
      %swap3A_103 = vector.shape_cast %swap3A_102 : vector<1x16xf32> to vector<16xf32>
      %swap3A_104 = vector.shape_cast %broadcast_in_dim3A_99 : vector<16xf32> to vector<1x16xf32>
      tpu.vector_store %arg8[%swap3A_100, %swap3A_101], %swap3A_104 {strides = array<i32>} : memref<128x128xf32, #tpu.memory_space<vmem>>, vector<1x16xf32>,
      %broadcast_in_dim3A_105 = arith.constant 0.000000e+00 : f32
      %broadcast_in_dim3A_106 = vector.broadcast %broadcast_in_dim3A_105 : f32 to vector<16xf32>
      %swap3A_107 = arith.index_cast %scan3A_71 : i32 to index
      %swap3A_108 = arith.constant 80 : index
      %swap3A_109 = tpu.vector_load %arg8[%swap3A_107, %swap3A_108] {strides = array<i32>} : memref<128x128xf32, #tpu.memory_space<vmem>>, vector<1x16xf32>,
      %swap3A_110 = vector.shape_cast %swap3A_109 : vector<1x16xf32> to vector<16xf32>
      %swap3A_111 = vector.shape_cast %broadcast_in_dim3A_106 : vector<16xf32> to vector<1x16xf32>
      tpu.vector_store %arg8[%swap3A_107, %swap3A_108], %swap3A_111 {strides = array<i32>} : memref<128x128xf32, #tpu.memory_space<vmem>>, vector<1x16xf32>,
      %broadcast_in_dim3A_112 = arith.constant 0.000000e+00 : f32
      %broadcast_in_dim3A_113 = vector.broadcast %broadcast_in_dim3A_112 : f32 to vector<16xf32>
      %swap3A_114 = arith.index_cast %scan3A_71 : i32 to index
      %swap3A_115 = arith.constant 96 : index
      %swap3A_116 = tpu.vector_load %arg8[%swap3A_114, %swap3A_115] {strides = array<i32>} : memref<128x128xf32, #tpu.memory_space<vmem>>, vector<1x16xf32>,
      %swap3A_117 = vector.shape_cast %swap3A_116 : vector<1x16xf32> to vector<16xf32>
      %swap3A_118 = vector.shape_cast %broadcast_in_dim3A_113 : vector<16xf32> to vector<1x16xf32>
      tpu.vector_store %arg8[%swap3A_114, %swap3A_115], %swap3A_118 {strides = array<i32>} : memref<128x128xf32, #tpu.memory_space<vmem>>, vector<1x16xf32>,
      %broadcast_in_dim3A_119 = arith.constant 0.000000e+00 : f32
      %broadcast_in_dim3A_120 = vector.broadcast %broadcast_in_dim3A_119 : f32 to vector<16xf32>
      %swap3A_121 = arith.index_cast %scan3A_71 : i32 to index
      %swap3A_122 = arith.constant 112 : index
      %swap3A_123 = tpu.vector_load %arg8[%swap3A_121, %swap3A_122] {strides = array<i32>} : memref<128x128xf32, #tpu.memory_space<vmem>>, vector<1x16xf32>,
      %swap3A_124 = vector.shape_cast %swap3A_123 : vector<1x16xf32> to vector<16xf32>
      %swap3A_125 = vector.shape_cast %broadcast_in_dim3A_120 : vector<16xf32> to vector<1x16xf32>
      tpu.vector_store %arg8[%swap3A_121, %swap3A_122], %swap3A_125 {strides = array<i32>} : memref<128x128xf32, #tpu.memory_space<vmem>>, vector<1x16xf32>,
    }
    %scan3A_10 = arith.constant 128 : i32
    %mul3A_11 = arith.constant 640 : i32
    %mul3A_12 = arith.muli %arg1, %mul3A_11 : i32
    %add3A_13 = arith.constant 0 : i32
    %add3A_14 = arith.addi %mul3A_12, %add3A_13 : i32
    "tpu.region"() ({
      %run_scoped3A = tpu.sem_alloc : memref<!tpu.dma_semaphore, #tpu.memory_space<semaphore_mem>>
      %dma_start3A = arith.constant 0 : i32
      %dma_start3A_71 = tpu.memref_slice %arg10[%add3A_14, %dma_start3A] : memref<10240x128xf32, #tpu.memory_space<vmem_shared>> -> memref<128x128xf32, #tpu.memory_space<vmem_shared>>
      %dma_start3A_72 = arith.constant 0 : i32
      %dma_start3A_73 = tpu.memref_slice %arg10[%add3A_14, %dma_start3A_72] : memref<10240x128xf32, #tpu.memory_space<vmem_shared>> -> memref<128x128xf32, #tpu.memory_space<vmem_shared>>
      tpu.enqueue_dma source(%arg8 : memref<128x128xf32, #tpu.memory_space<vmem>>) target(%dma_start3A_73 : memref<128x128xf32, #tpu.memory_space<vmem_shared>>) target_semaphore(%run_scoped3A : memref<!tpu.dma_semaphore, #tpu.memory_space<semaphore_mem>>)
      %dma_wait3A = arith.constant 0 : i32
      %dma_wait3A_74 = tpu.memref_slice %arg10[%add3A_14, %dma_wait3A] : memref<10240x128xf32, #tpu.memory_space<vmem_shared>> -> memref<128x128xf32, #tpu.memory_space<vmem_shared>>
      %dma_wait3A_75 = arith.constant 0 : i32
      %dma_wait3A_76 = tpu.memref_slice %arg10[%add3A_14, %dma_wait3A_75] : memref<10240x128xf32, #tpu.memory_space<vmem_shared>> -> memref<128x128xf32, #tpu.memory_space<vmem_shared>>
      tpu.wait_dma2 semaphore(%run_scoped3A : memref<!tpu.dma_semaphore, #tpu.memory_space<semaphore_mem>>) src(%arg8 : memref<128x128xf32, #tpu.memory_space<vmem>>) dst(%dma_wait3A_76 : memref<128x128xf32, #tpu.memory_space<vmem_shared>>)
      tpu.yield
    }) : () -> ()
    %add3A_15 = arith.constant 128 : i32
    %add3A_16 = arith.addi %mul3A_12, %add3A_15 : i32
    "tpu.region"() ({
      %run_scoped3A = tpu.sem_alloc : memref<!tpu.dma_semaphore, #tpu.memory_space<semaphore_mem>>
      %dma_start3A = arith.constant 0 : i32
      %dma_start3A_71 = tpu.memref_slice %arg10[%add3A_16, %dma_start3A] : memref<10240x128xf32, #tpu.memory_space<vmem_shared>> -> memref<128x128xf32, #tpu.memory_space<vmem_shared>>
      %dma_start3A_72 = arith.constant 0 : i32
      %dma_start3A_73 = tpu.memref_slice %arg10[%add3A_16, %dma_start3A_72] : memref<10240x128xf32, #tpu.memory_space<vmem_shared>> -> memref<128x128xf32, #tpu.memory_space<vmem_shared>>
      tpu.enqueue_dma source(%arg8 : memref<128x128xf32, #tpu.memory_space<vmem>>) target(%dma_start3A_73 : memref<128x128xf32, #tpu.memory_space<vmem_shared>>) target_semaphore(%run_scoped3A : memref<!tpu.dma_semaphore, #tpu.memory_space<semaphore_mem>>)
      %dma_wait3A = arith.constant 0 : i32
      %dma_wait3A_74 = tpu.memref_slice %arg10[%add3A_16, %dma_wait3A] : memref<10240x128xf32, #tpu.memory_space<vmem_shared>> -> memref<128x128xf32, #tpu.memory_space<vmem_shared>>
      %dma_wait3A_75 = arith.constant 0 : i32
      %dma_wait3A_76 = tpu.memref_slice %arg10[%add3A_16, %dma_wait3A_75] : memref<10240x128xf32, #tpu.memory_space<vmem_shared>> -> memref<128x128xf32, #tpu.memory_space<vmem_shared>>
      tpu.wait_dma2 semaphore(%run_scoped3A : memref<!tpu.dma_semaphore, #tpu.memory_space<semaphore_mem>>) src(%arg8 : memref<128x128xf32, #tpu.memory_space<vmem>>) dst(%dma_wait3A_76 : memref<128x128xf32, #tpu.memory_space<vmem_shared>>)
      tpu.yield
    }) : () -> ()
    %add3A_17 = arith.constant 256 : i32
    %add3A_18 = arith.addi %mul3A_12, %add3A_17 : i32
    "tpu.region"() ({
      %run_scoped3A = tpu.sem_alloc : memref<!tpu.dma_semaphore, #tpu.memory_space<semaphore_mem>>
      %dma_start3A = arith.constant 0 : i32
      %dma_start3A_71 = tpu.memref_slice %arg10[%add3A_18, %dma_start3A] : memref<10240x128xf32, #tpu.memory_space<vmem_shared>> -> memref<128x128xf32, #tpu.memory_space<vmem_shared>>
      %dma_start3A_72 = arith.constant 0 : i32
      %dma_start3A_73 = tpu.memref_slice %arg10[%add3A_18, %dma_start3A_72] : memref<10240x128xf32, #tpu.memory_space<vmem_shared>> -> memref<128x128xf32, #tpu.memory_space<vmem_shared>>
      tpu.enqueue_dma source(%arg8 : memref<128x128xf32, #tpu.memory_space<vmem>>) target(%dma_start3A_73 : memref<128x128xf32, #tpu.memory_space<vmem_shared>>) target_semaphore(%run_scoped3A : memref<!tpu.dma_semaphore, #tpu.memory_space<semaphore_mem>>)
      %dma_wait3A = arith.constant 0 : i32
      %dma_wait3A_74 = tpu.memref_slice %arg10[%add3A_18, %dma_wait3A] : memref<10240x128xf32, #tpu.memory_space<vmem_shared>> -> memref<128x128xf32, #tpu.memory_space<vmem_shared>>
      %dma_wait3A_75 = arith.constant 0 : i32
      %dma_wait3A_76 = tpu.memref_slice %arg10[%add3A_18, %dma_wait3A_75] : memref<10240x128xf32, #tpu.memory_space<vmem_shared>> -> memref<128x128xf32, #tpu.memory_space<vmem_shared>>
      tpu.wait_dma2 semaphore(%run_scoped3A : memref<!tpu.dma_semaphore, #tpu.memory_space<semaphore_mem>>) src(%arg8 : memref<128x128xf32, #tpu.memory_space<vmem>>) dst(%dma_wait3A_76 : memref<128x128xf32, #tpu.memory_space<vmem_shared>>)
      tpu.yield
    }) : () -> ()
    %add3A_19 = arith.constant 384 : i32
    %add3A_20 = arith.addi %mul3A_12, %add3A_19 : i32
    "tpu.region"() ({
      %run_scoped3A = tpu.sem_alloc : memref<!tpu.dma_semaphore, #tpu.memory_space<semaphore_mem>>
      %dma_start3A = arith.constant 0 : i32
      %dma_start3A_71 = tpu.memref_slice %arg10[%add3A_20, %dma_start3A] : memref<10240x128xf32, #tpu.memory_space<vmem_shared>> -> memref<128x128xf32, #tpu.memory_space<vmem_shared>>
      %dma_start3A_72 = arith.constant 0 : i32
      %dma_start3A_73 = tpu.memref_slice %arg10[%add3A_20, %dma_start3A_72] : memref<10240x128xf32, #tpu.memory_space<vmem_shared>> -> memref<128x128xf32, #tpu.memory_space<vmem_shared>>
      tpu.enqueue_dma source(%arg8 : memref<128x128xf32, #tpu.memory_space<vmem>>) target(%dma_start3A_73 : memref<128x128xf32, #tpu.memory_space<vmem_shared>>) target_semaphore(%run_scoped3A : memref<!tpu.dma_semaphore, #tpu.memory_space<semaphore_mem>>)
      %dma_wait3A = arith.constant 0 : i32
      %dma_wait3A_74 = tpu.memref_slice %arg10[%add3A_20, %dma_wait3A] : memref<10240x128xf32, #tpu.memory_space<vmem_shared>> -> memref<128x128xf32, #tpu.memory_space<vmem_shared>>
      %dma_wait3A_75 = arith.constant 0 : i32
      %dma_wait3A_76 = tpu.memref_slice %arg10[%add3A_20, %dma_wait3A_75] : memref<10240x128xf32, #tpu.memory_space<vmem_shared>> -> memref<128x128xf32, #tpu.memory_space<vmem_shared>>
      tpu.wait_dma2 semaphore(%run_scoped3A : memref<!tpu.dma_semaphore, #tpu.memory_space<semaphore_mem>>) src(%arg8 : memref<128x128xf32, #tpu.memory_space<vmem>>) dst(%dma_wait3A_76 : memref<128x128xf32, #tpu.memory_space<vmem_shared>>)
      tpu.yield
    }) : () -> ()
    %add3A_21 = arith.constant 512 : i32
    %add3A_22 = arith.addi %mul3A_12, %add3A_21 : i32
    "tpu.region"() ({
      %run_scoped3A = tpu.sem_alloc : memref<!tpu.dma_semaphore, #tpu.memory_space<semaphore_mem>>
      %dma_start3A = arith.constant 0 : i32
      %dma_start3A_71 = tpu.memref_slice %arg10[%add3A_22, %dma_start3A] : memref<10240x128xf32, #tpu.memory_space<vmem_shared>> -> memref<128x128xf32, #tpu.memory_space<vmem_shared>>
      %dma_start3A_72 = arith.constant 0 : i32
      %dma_start3A_73 = tpu.memref_slice %arg10[%add3A_22, %dma_start3A_72] : memref<10240x128xf32, #tpu.memory_space<vmem_shared>> -> memref<128x128xf32, #tpu.memory_space<vmem_shared>>
      tpu.enqueue_dma source(%arg8 : memref<128x128xf32, #tpu.memory_space<vmem>>) target(%dma_start3A_73 : memref<128x128xf32, #tpu.memory_space<vmem_shared>>) target_semaphore(%run_scoped3A : memref<!tpu.dma_semaphore, #tpu.memory_space<semaphore_mem>>)
      %dma_wait3A = arith.constant 0 : i32
      %dma_wait3A_74 = tpu.memref_slice %arg10[%add3A_22, %dma_wait3A] : memref<10240x128xf32, #tpu.memory_space<vmem_shared>> -> memref<128x128xf32, #tpu.memory_space<vmem_shared>>
      %dma_wait3A_75 = arith.constant 0 : i32
      %dma_wait3A_76 = tpu.memref_slice %arg10[%add3A_22, %dma_wait3A_75] : memref<10240x128xf32, #tpu.memory_space<vmem_shared>> -> memref<128x128xf32, #tpu.memory_space<vmem_shared>>
      tpu.wait_dma2 semaphore(%run_scoped3A : memref<!tpu.dma_semaphore, #tpu.memory_space<semaphore_mem>>) src(%arg8 : memref<128x128xf32, #tpu.memory_space<vmem>>) dst(%dma_wait3A_76 : memref<128x128xf32, #tpu.memory_space<vmem_shared>>)
      tpu.yield
    }) : () -> ()
    %barrier3A = arith.constant 0 : index
    tpu.barrier barrier_id(%barrier3A)
    %jit3A_23 = arith.constant 8 : i32
    %div3A = arith.divsi %select_n3A, %jit3A_23 : i32
    %sign3A = arith.constant 0 : i32
    %sign3A_24 = arith.cmpi sgt, %select_n3A, %sign3A : i32
    %sign3A_25 = arith.extui %sign3A_24 : i1 to i32
    %sign3A_26 = arith.constant 0 : i32
    %sign3A_27 = arith.cmpi slt, %select_n3A, %sign3A_26 : i32
    %sign3A_28 = arith.extui %sign3A_27 : i1 to i32
    %sign3A_29 = arith.subi %sign3A_25, %sign3A_28 : i32
    %sign3A_30 = arith.constant 0 : i32
    %sign3A_31 = arith.cmpi sgt, %jit3A_23, %sign3A_30 : i32
    %sign3A_32 = arith.extui %sign3A_31 : i1 to i32
    %sign3A_33 = arith.constant 0 : i32
    %sign3A_34 = arith.cmpi slt, %jit3A_23, %sign3A_33 : i32
    %sign3A_35 = arith.extui %sign3A_34 : i1 to i32
    %sign3A_36 = arith.subi %sign3A_32, %sign3A_35 : i32
    %ne3A = arith.cmpi ne, %sign3A_29, %sign3A_36 : i32
    %rem3A = arith.remsi %select_n3A, %jit3A_23 : i32
    %ne3A_37 = arith.constant 0 : i32
    %ne3A_38 = arith.cmpi ne, %rem3A, %ne3A_37 : i32
    %and3A = arith.andi %ne3A, %ne3A_38 : i1
    %sub3A = arith.constant 1 : i32
    %sub3A_39 = arith.subi %div3A, %sub3A : i32
    %select_n3A_40 = arith.select %and3A, %sub3A_39, %div3A : i32
    %while3A = arith.constant 0 : i32
    %while3A_41 = arith.constant 0 : i32
    %while3A_42 = arith.subi %select_n3A_40, %while3A_41 : i32
    %while3A_43 = arith.addi %while3A_41, %while3A_42 : i32
    %while3A_44 = arith.constant 1 : i32
    %while3A_45 = arith.divsi %while3A_42, %while3A_44 : i32
    %while3A_46 = arith.muli %while3A_45, %while3A_44 : i32
    %while3A_47 = arith.addi %while3A_41, %while3A_46 : i32
    %while3A_48 = arith.constant 1 : i32
    scf.for %while3A_71 = %while3A_41 to %while3A_47 step %while3A_48  : i32 {
      %mul3A_72 = arith.constant 8 : i32
      %mul3A_73 = arith.muli %while3A_71, %mul3A_72 : i32
      %add3A_74 = arith.addi %add3A, %mul3A_73 : i32
      "tpu.region"() ({
        %run_scoped3A = tpu.sem_alloc : memref<!tpu.dma_semaphore, #tpu.memory_space<semaphore_mem>>
        %dma_start3A_87 = arith.constant 0 : i32
        %dma_start3A_88 = tpu.memref_slice %arg3[%add3A_74, %dma_start3A_87] : memref<2560x128xi32, #tpu.memory_space<hbm>> -> memref<8x128xi32, #tpu.memory_space<hbm>>
        %dma_start3A_89 = arith.constant 0 : i32
        %dma_start3A_90 = tpu.memref_slice %arg3[%add3A_74, %dma_start3A_89] : memref<2560x128xi32, #tpu.memory_space<hbm>> -> memref<8x128xi32, #tpu.memory_space<hbm>>
        tpu.enqueue_dma source(%dma_start3A_90 : memref<8x128xi32, #tpu.memory_space<hbm>>) target(%arg6 : memref<8x128xi32, #tpu.memory_space<vmem>>) target_semaphore(%run_scoped3A : memref<!tpu.dma_semaphore, #tpu.memory_space<semaphore_mem>>)
        %dma_wait3A = arith.constant 0 : i32
        %dma_wait3A_91 = tpu.memref_slice %arg3[%add3A_74, %dma_wait3A] : memref<2560x128xi32, #tpu.memory_space<hbm>> -> memref<8x128xi32, #tpu.memory_space<hbm>>
        %dma_wait3A_92 = arith.constant 0 : i32
        %dma_wait3A_93 = tpu.memref_slice %arg3[%add3A_74, %dma_wait3A_92] : memref<2560x128xi32, #tpu.memory_space<hbm>> -> memref<8x128xi32, #tpu.memory_space<hbm>>
        tpu.wait_dma2 semaphore(%run_scoped3A : memref<!tpu.dma_semaphore, #tpu.memory_space<semaphore_mem>>) src(%dma_wait3A_93 : memref<8x128xi32, #tpu.memory_space<hbm>>) dst(%arg6 : memref<8x128xi32, #tpu.memory_space<vmem>>)
        tpu.yield
      }) : () -> ()
      "tpu.region"() ({
        %run_scoped3A = tpu.sem_alloc : memref<!tpu.dma_semaphore, #tpu.memory_space<semaphore_mem>>
        %dma_start3A_87 = arith.constant 0 : i32
        %dma_start3A_88 = tpu.memref_slice %arg4[%add3A_74, %dma_start3A_87] : memref<2560x128xi32, #tpu.memory_space<hbm>> -> memref<8x128xi32, #tpu.memory_space<hbm>>
        %dma_start3A_89 = arith.constant 0 : i32
        %dma_start3A_90 = tpu.memref_slice %arg4[%add3A_74, %dma_start3A_89] : memref<2560x128xi32, #tpu.memory_space<hbm>> -> memref<8x128xi32, #tpu.memory_space<hbm>>
        tpu.enqueue_dma source(%dma_start3A_90 : memref<8x128xi32, #tpu.memory_space<hbm>>) target(%arg7 : memref<8x128xi32, #tpu.memory_space<vmem>>) target_semaphore(%run_scoped3A : memref<!tpu.dma_semaphore, #tpu.memory_space<semaphore_mem>>)
        %dma_wait3A = arith.constant 0 : i32
        %dma_wait3A_91 = tpu.memref_slice %arg4[%add3A_74, %dma_wait3A] : memref<2560x128xi32, #tpu.memory_space<hbm>> -> memref<8x128xi32, #tpu.memory_space<hbm>>
        %dma_wait3A_92 = arith.constant 0 : i32
        %dma_wait3A_93 = tpu.memref_slice %arg4[%add3A_74, %dma_wait3A_92] : memref<2560x128xi32, #tpu.memory_space<hbm>> -> memref<8x128xi32, #tpu.memory_space<hbm>>
        tpu.wait_dma2 semaphore(%run_scoped3A : memref<!tpu.dma_semaphore, #tpu.memory_space<semaphore_mem>>) src(%dma_wait3A_93 : memref<8x128xi32, #tpu.memory_space<hbm>>) dst(%arg7 : memref<8x128xi32, #tpu.memory_space<vmem>>)
        tpu.yield
      }) : () -> ()
      %dma_start3A = arith.constant 0 : i32
      %dma_start3A_75 = arith.constant 0 : i32
      %dma_start3A_76 = tpu.memref_slice %arg6[%dma_start3A, %dma_start3A_75] : memref<8x128xi32, #tpu.memory_space<vmem>> -> memref<1x128xi32, #tpu.memory_space<vmem>>
      %dma_start3A_77 = tpu.memref_squeeze %dma_start3A_76 : memref<1x128xi32, #tpu.memory_space<vmem>> -> memref<128xi32, #tpu.memory_space<vmem>>
      %dma_start3A_78 = arith.constant 0 : i32
      %dma_start3A_79 = arith.constant 0 : i32
      %dma_start3A_80 = tpu.memref_slice %arg2[%dma_start3A_78, %dma_start3A_79] : memref<10240x128xf32, #tpu.memory_space<hbm>> -> memref<10240x128xf32, #tpu.memory_space<hbm>>
      tpu.enqueue_indirect_dma source(%dma_start3A_80 : memref<10240x128xf32, #tpu.memory_space<hbm>>) target(%arg8 : memref<128x128xf32, #tpu.memory_space<vmem>>) offsets(%dma_start3A_77 : memref<128xi32, #tpu.memory_space<vmem>>) semaphore(%arg11 : memref<!tpu.dma_semaphore, #tpu.memory_space<semaphore_mem>>)
      %scan3A_81 = arith.constant 0 : i32
      %scan3A_82 = arith.constant 0 : i32
      %scan3A_83 = arith.constant 4 : i32
      %scan3A_84 = arith.addi %scan3A_82, %scan3A_83 : i32
      %scan3A_85 = arith.constant 1 : i32
      scf.for %scan3A_87 = %scan3A_82 to %scan3A_84 step %scan3A_85  : i32 {
        %mul3A_88 = arith.constant 2 : i32
        %mul3A_89 = arith.muli %scan3A_87, %mul3A_88 : i32
        %dma_wait3A = arith.constant 0 : i32
        %dma_wait3A_90 = tpu.memref_slice %arg6[%mul3A_89, %dma_wait3A] : memref<8x128xi32, #tpu.memory_space<vmem>> -> memref<1x128xi32, #tpu.memory_space<vmem>>
        %dma_wait3A_91 = tpu.memref_squeeze %dma_wait3A_90 : memref<1x128xi32, #tpu.memory_space<vmem>> -> memref<128xi32, #tpu.memory_space<vmem>>
        %dma_wait3A_92 = arith.constant 0 : i32
        %dma_wait3A_93 = arith.constant 0 : i32
        %dma_wait3A_94 = tpu.memref_slice %arg2[%dma_wait3A_92, %dma_wait3A_93] : memref<10240x128xf32, #tpu.memory_space<hbm>> -> memref<10240x128xf32, #tpu.memory_space<hbm>>
        tpu.wait_indirect_dma semaphore(%arg11 : memref<!tpu.dma_semaphore, #tpu.memory_space<semaphore_mem>>) src(%dma_wait3A_94 : memref<10240x128xf32, #tpu.memory_space<hbm>>) dst(%arg8 : memref<128x128xf32, #tpu.memory_space<vmem>>)
        %add3A_95 = arith.constant 1 : i32
        %add3A_96 = arith.addi %mul3A_89, %add3A_95 : i32
        %dma_start3A_97 = arith.constant 0 : i32
        %dma_start3A_98 = tpu.memref_slice %arg6[%add3A_96, %dma_start3A_97] : memref<8x128xi32, #tpu.memory_space<vmem>> -> memref<1x128xi32, #tpu.memory_space<vmem>>
        %dma_start3A_99 = tpu.memref_squeeze %dma_start3A_98 : memref<1x128xi32, #tpu.memory_space<vmem>> -> memref<128xi32, #tpu.memory_space<vmem>>
        %dma_start3A_100 = arith.constant 0 : i32
        %dma_start3A_101 = arith.constant 0 : i32
        %dma_start3A_102 = tpu.memref_slice %arg2[%dma_start3A_100, %dma_start3A_101] : memref<10240x128xf32, #tpu.memory_space<hbm>> -> memref<10240x128xf32, #tpu.memory_space<hbm>>
        tpu.enqueue_indirect_dma source(%dma_start3A_102 : memref<10240x128xf32, #tpu.memory_space<hbm>>) target(%arg9 : memref<128x128xf32, #tpu.memory_space<vmem>>) offsets(%dma_start3A_99 : memref<128xi32, #tpu.memory_space<vmem>>) semaphore(%arg12 : memref<!tpu.dma_semaphore, #tpu.memory_space<semaphore_mem>>)
        "tpu.region"() ({
          %run_scoped3A = tpu.sem_alloc : memref<!tpu.dma_semaphore, #tpu.memory_space<semaphore_mem>>
          %dma_start3A_117 = arith.constant 0 : i32
          %dma_start3A_118 = tpu.memref_slice %arg7[%mul3A_89, %dma_start3A_117] : memref<8x128xi32, #tpu.memory_space<vmem>> -> memref<1x128xi32, #tpu.memory_space<vmem>>
          %dma_start3A_119 = tpu.memref_squeeze %dma_start3A_118 : memref<1x128xi32, #tpu.memory_space<vmem>> -> memref<128xi32, #tpu.memory_space<vmem>>
          %dma_start3A_120 = arith.constant 0 : i32
          %dma_start3A_121 = arith.constant 0 : i32
          %dma_start3A_122 = tpu.memref_slice %arg10[%dma_start3A_120, %dma_start3A_121] : memref<10240x128xf32, #tpu.memory_space<vmem_shared>> -> memref<10240x128xf32, #tpu.memory_space<vmem_shared>>
          tpu.enqueue_indirect_dma source(%arg8 : memref<128x128xf32, #tpu.memory_space<vmem>>) target(%dma_start3A_122 : memref<10240x128xf32, #tpu.memory_space<vmem_shared>>) offsets(%dma_start3A_119 : memref<128xi32, #tpu.memory_space<vmem>>) semaphore(%run_scoped3A : memref<!tpu.dma_semaphore, #tpu.memory_space<semaphore_mem>>) {add = true}
          %dma_wait3A_123 = arith.constant 0 : i32
          %dma_wait3A_124 = tpu.memref_slice %arg7[%mul3A_89, %dma_wait3A_123] : memref<8x128xi32, #tpu.memory_space<vmem>> -> memref<1x128xi32, #tpu.memory_space<vmem>>
          %dma_wait3A_125 = tpu.memref_squeeze %dma_wait3A_124 : memref<1x128xi32, #tpu.memory_space<vmem>> -> memref<128xi32, #tpu.memory_space<vmem>>
          %dma_wait3A_126 = arith.constant 0 : i32
          %dma_wait3A_127 = arith.constant 0 : i32
          %dma_wait3A_128 = tpu.memref_slice %arg10[%dma_wait3A_126, %dma_wait3A_127] : memref<10240x128xf32, #tpu.memory_space<vmem_shared>> -> memref<10240x128xf32, #tpu.memory_space<vmem_shared>>
          tpu.wait_indirect_dma semaphore(%run_scoped3A : memref<!tpu.dma_semaphore, #tpu.memory_space<semaphore_mem>>) src(%arg8 : memref<128x128xf32, #tpu.memory_space<vmem>>) dst(%dma_wait3A_128 : memref<10240x128xf32, #tpu.memory_space<vmem_shared>>)
          tpu.yield
        }) : () -> ()
        %add3A_103 = arith.constant 1 : i32
        %add3A_104 = arith.addi %mul3A_89, %add3A_103 : i32
        %dma_wait3A_105 = arith.constant 0 : i32
        %dma_wait3A_106 = tpu.memref_slice %arg6[%add3A_104, %dma_wait3A_105] : memref<8x128xi32, #tpu.memory_space<vmem>> -> memref<1x128xi32, #tpu.memory_space<vmem>>
        %dma_wait3A_107 = tpu.memref_squeeze %dma_wait3A_106 : memref<1x128xi32, #tpu.memory_space<vmem>> -> memref<128xi32, #tpu.memory_space<vmem>>
        %dma_wait3A_108 = arith.constant 0 : i32
        %dma_wait3A_109 = arith.constant 0 : i32
        %dma_wait3A_110 = tpu.memref_slice %arg2[%dma_wait3A_108, %dma_wait3A_109] : memref<10240x128xf32, #tpu.memory_space<hbm>> -> memref<10240x128xf32, #tpu.memory_space<hbm>>
        tpu.wait_indirect_dma semaphore(%arg12 : memref<!tpu.dma_semaphore, #tpu.memory_space<semaphore_mem>>) src(%dma_wait3A_110 : memref<10240x128xf32, #tpu.memory_space<hbm>>) dst(%arg9 : memref<128x128xf32, #tpu.memory_space<vmem>>)
        %add3A_111 = arith.constant 2 : i32
        %add3A_112 = arith.addi %mul3A_89, %add3A_111 : i32
        %lt3A = arith.constant 8 : i32
        %lt3A_113 = arith.cmpi slt, %add3A_112, %lt3A : i32
        %convert_element_type3A = arith.extui %lt3A_113 : i1 to i32
        %cond3A = arith.constant 0 : i32
        %cond3A_114 = arith.cmpi ne, %convert_element_type3A, %cond3A : i32
        scf.if %cond3A_114 {
          %add3A_117 = arith.constant 2 : i32
          %add3A_118 = arith.addi %mul3A_89, %add3A_117 : i32
          %dma_start3A_119 = arith.constant 0 : i32
          %dma_start3A_120 = tpu.memref_slice %arg6[%add3A_118, %dma_start3A_119] : memref<8x128xi32, #tpu.memory_space<vmem>> -> memref<1x128xi32, #tpu.memory_space<vmem>>
          %dma_start3A_121 = tpu.memref_squeeze %dma_start3A_120 : memref<1x128xi32, #tpu.memory_space<vmem>> -> memref<128xi32, #tpu.memory_space<vmem>>
          %dma_start3A_122 = arith.constant 0 : i32
          %dma_start3A_123 = arith.constant 0 : i32
          %dma_start3A_124 = tpu.memref_slice %arg2[%dma_start3A_122, %dma_start3A_123] : memref<10240x128xf32, #tpu.memory_space<hbm>> -> memref<10240x128xf32, #tpu.memory_space<hbm>>
          tpu.enqueue_indirect_dma source(%dma_start3A_124 : memref<10240x128xf32, #tpu.memory_space<hbm>>) target(%arg8 : memref<128x128xf32, #tpu.memory_space<vmem>>) offsets(%dma_start3A_121 : memref<128xi32, #tpu.memory_space<vmem>>) semaphore(%arg11 : memref<!tpu.dma_semaphore, #tpu.memory_space<semaphore_mem>>)
        } else {
        }
        %add3A_115 = arith.constant 1 : i32
        %add3A_116 = arith.addi %mul3A_89, %add3A_115 : i32
        "tpu.region"() ({
          %run_scoped3A = tpu.sem_alloc : memref<!tpu.dma_semaphore, #tpu.memory_space<semaphore_mem>>
          %dma_start3A_117 = arith.constant 0 : i32
          %dma_start3A_118 = tpu.memref_slice %arg7[%add3A_116, %dma_start3A_117] : memref<8x128xi32, #tpu.memory_space<vmem>> -> memref<1x128xi32, #tpu.memory_space<vmem>>
          %dma_start3A_119 = tpu.memref_squeeze %dma_start3A_118 : memref<1x128xi32, #tpu.memory_space<vmem>> -> memref<128xi32, #tpu.memory_space<vmem>>
          %dma_start3A_120 = arith.constant 0 : i32
          %dma_start3A_121 = arith.constant 0 : i32
          %dma_start3A_122 = tpu.memref_slice %arg10[%dma_start3A_120, %dma_start3A_121] : memref<10240x128xf32, #tpu.memory_space<vmem_shared>> -> memref<10240x128xf32, #tpu.memory_space<vmem_shared>>
          tpu.enqueue_indirect_dma source(%arg9 : memref<128x128xf32, #tpu.memory_space<vmem>>) target(%dma_start3A_122 : memref<10240x128xf32, #tpu.memory_space<vmem_shared>>) offsets(%dma_start3A_119 : memref<128xi32, #tpu.memory_space<vmem>>) semaphore(%run_scoped3A : memref<!tpu.dma_semaphore, #tpu.memory_space<semaphore_mem>>) {add = true}
          %dma_wait3A_123 = arith.constant 0 : i32
          %dma_wait3A_124 = tpu.memref_slice %arg7[%add3A_116, %dma_wait3A_123] : memref<8x128xi32, #tpu.memory_space<vmem>> -> memref<1x128xi32, #tpu.memory_space<vmem>>
          %dma_wait3A_125 = tpu.memref_squeeze %dma_wait3A_124 : memref<1x128xi32, #tpu.memory_space<vmem>> -> memref<128xi32, #tpu.memory_space<vmem>>
          %dma_wait3A_126 = arith.constant 0 : i32
          %dma_wait3A_127 = arith.constant 0 : i32
          %dma_wait3A_128 = tpu.memref_slice %arg10[%dma_wait3A_126, %dma_wait3A_127] : memref<10240x128xf32, #tpu.memory_space<vmem_shared>> -> memref<10240x128xf32, #tpu.memory_space<vmem_shared>>
          tpu.wait_indirect_dma semaphore(%run_scoped3A : memref<!tpu.dma_semaphore, #tpu.memory_space<semaphore_mem>>) src(%arg9 : memref<128x128xf32, #tpu.memory_space<vmem>>) dst(%dma_wait3A_128 : memref<10240x128xf32, #tpu.memory_space<vmem_shared>>)
          tpu.yield
        }) : () -> ()
      }
      %scan3A_86 = arith.constant 4 : i32
    }
    %while3A_49 = arith.constant 1 : i32
    scf.for %while3A_71 = %while3A_47 to %while3A_43 step %while3A_49  : i32 {
      %mul3A_72 = arith.constant 8 : i32
      %mul3A_73 = arith.muli %while3A_71, %mul3A_72 : i32
      %add3A_74 = arith.addi %add3A, %mul3A_73 : i32
      "tpu.region"() ({
        %run_scoped3A = tpu.sem_alloc : memref<!tpu.dma_semaphore, #tpu.memory_space<semaphore_mem>>
        %dma_start3A_87 = arith.constant 0 : i32
        %dma_start3A_88 = tpu.memref_slice %arg3[%add3A_74, %dma_start3A_87] : memref<2560x128xi32, #tpu.memory_space<hbm>> -> memref<8x128xi32, #tpu.memory_space<hbm>>
        %dma_start3A_89 = arith.constant 0 : i32
        %dma_start3A_90 = tpu.memref_slice %arg3[%add3A_74, %dma_start3A_89] : memref<2560x128xi32, #tpu.memory_space<hbm>> -> memref<8x128xi32, #tpu.memory_space<hbm>>
        tpu.enqueue_dma source(%dma_start3A_90 : memref<8x128xi32, #tpu.memory_space<hbm>>) target(%arg6 : memref<8x128xi32, #tpu.memory_space<vmem>>) target_semaphore(%run_scoped3A : memref<!tpu.dma_semaphore, #tpu.memory_space<semaphore_mem>>)
        %dma_wait3A = arith.constant 0 : i32
        %dma_wait3A_91 = tpu.memref_slice %arg3[%add3A_74, %dma_wait3A] : memref<2560x128xi32, #tpu.memory_space<hbm>> -> memref<8x128xi32, #tpu.memory_space<hbm>>
        %dma_wait3A_92 = arith.constant 0 : i32
        %dma_wait3A_93 = tpu.memref_slice %arg3[%add3A_74, %dma_wait3A_92] : memref<2560x128xi32, #tpu.memory_space<hbm>> -> memref<8x128xi32, #tpu.memory_space<hbm>>
        tpu.wait_dma2 semaphore(%run_scoped3A : memref<!tpu.dma_semaphore, #tpu.memory_space<semaphore_mem>>) src(%dma_wait3A_93 : memref<8x128xi32, #tpu.memory_space<hbm>>) dst(%arg6 : memref<8x128xi32, #tpu.memory_space<vmem>>)
        tpu.yield
      }) : () -> ()
      "tpu.region"() ({
        %run_scoped3A = tpu.sem_alloc : memref<!tpu.dma_semaphore, #tpu.memory_space<semaphore_mem>>
        %dma_start3A_87 = arith.constant 0 : i32
        %dma_start3A_88 = tpu.memref_slice %arg4[%add3A_74, %dma_start3A_87] : memref<2560x128xi32, #tpu.memory_space<hbm>> -> memref<8x128xi32, #tpu.memory_space<hbm>>
        %dma_start3A_89 = arith.constant 0 : i32
        %dma_start3A_90 = tpu.memref_slice %arg4[%add3A_74, %dma_start3A_89] : memref<2560x128xi32, #tpu.memory_space<hbm>> -> memref<8x128xi32, #tpu.memory_space<hbm>>
        tpu.enqueue_dma source(%dma_start3A_90 : memref<8x128xi32, #tpu.memory_space<hbm>>) target(%arg7 : memref<8x128xi32, #tpu.memory_space<vmem>>) target_semaphore(%run_scoped3A : memref<!tpu.dma_semaphore, #tpu.memory_space<semaphore_mem>>)
        %dma_wait3A = arith.constant 0 : i32
        %dma_wait3A_91 = tpu.memref_slice %arg4[%add3A_74, %dma_wait3A] : memref<2560x128xi32, #tpu.memory_space<hbm>> -> memref<8x128xi32, #tpu.memory_space<hbm>>
        %dma_wait3A_92 = arith.constant 0 : i32
        %dma_wait3A_93 = tpu.memref_slice %arg4[%add3A_74, %dma_wait3A_92] : memref<2560x128xi32, #tpu.memory_space<hbm>> -> memref<8x128xi32, #tpu.memory_space<hbm>>
        tpu.wait_dma2 semaphore(%run_scoped3A : memref<!tpu.dma_semaphore, #tpu.memory_space<semaphore_mem>>) src(%dma_wait3A_93 : memref<8x128xi32, #tpu.memory_space<hbm>>) dst(%arg7 : memref<8x128xi32, #tpu.memory_space<vmem>>)
        tpu.yield
      }) : () -> ()
      %dma_start3A = arith.constant 0 : i32
      %dma_start3A_75 = arith.constant 0 : i32
      %dma_start3A_76 = tpu.memref_slice %arg6[%dma_start3A, %dma_start3A_75] : memref<8x128xi32, #tpu.memory_space<vmem>> -> memref<1x128xi32, #tpu.memory_space<vmem>>
      %dma_start3A_77 = tpu.memref_squeeze %dma_start3A_76 : memref<1x128xi32, #tpu.memory_space<vmem>> -> memref<128xi32, #tpu.memory_space<vmem>>
      %dma_start3A_78 = arith.constant 0 : i32
      %dma_start3A_79 = arith.constant 0 : i32
      %dma_start3A_80 = tpu.memref_slice %arg2[%dma_start3A_78, %dma_start3A_79] : memref<10240x128xf32, #tpu.memory_space<hbm>> -> memref<10240x128xf32, #tpu.memory_space<hbm>>
      tpu.enqueue_indirect_dma source(%dma_start3A_80 : memref<10240x128xf32, #tpu.memory_space<hbm>>) target(%arg8 : memref<128x128xf32, #tpu.memory_space<vmem>>) offsets(%dma_start3A_77 : memref<128xi32, #tpu.memory_space<vmem>>) semaphore(%arg11 : memref<!tpu.dma_semaphore, #tpu.memory_space<semaphore_mem>>)
      %scan3A_81 = arith.constant 0 : i32
      %scan3A_82 = arith.constant 0 : i32
      %scan3A_83 = arith.constant 4 : i32
      %scan3A_84 = arith.addi %scan3A_82, %scan3A_83 : i32
      %scan3A_85 = arith.constant 1 : i32
      scf.for %scan3A_87 = %scan3A_82 to %scan3A_84 step %scan3A_85  : i32 {
        %mul3A_88 = arith.constant 2 : i32
        %mul3A_89 = arith.muli %scan3A_87, %mul3A_88 : i32
        %dma_wait3A = arith.constant 0 : i32
        %dma_wait3A_90 = tpu.memref_slice %arg6[%mul3A_89, %dma_wait3A] : memref<8x128xi32, #tpu.memory_space<vmem>> -> memref<1x128xi32, #tpu.memory_space<vmem>>
        %dma_wait3A_91 = tpu.memref_squeeze %dma_wait3A_90 : memref<1x128xi32, #tpu.memory_space<vmem>> -> memref<128xi32, #tpu.memory_space<vmem>>
        %dma_wait3A_92 = arith.constant 0 : i32
        %dma_wait3A_93 = arith.constant 0 : i32
        %dma_wait3A_94 = tpu.memref_slice %arg2[%dma_wait3A_92, %dma_wait3A_93] : memref<10240x128xf32, #tpu.memory_space<hbm>> -> memref<10240x128xf32, #tpu.memory_space<hbm>>
        tpu.wait_indirect_dma semaphore(%arg11 : memref<!tpu.dma_semaphore, #tpu.memory_space<semaphore_mem>>) src(%dma_wait3A_94 : memref<10240x128xf32, #tpu.memory_space<hbm>>) dst(%arg8 : memref<128x128xf32, #tpu.memory_space<vmem>>)
        %add3A_95 = arith.constant 1 : i32
        %add3A_96 = arith.addi %mul3A_89, %add3A_95 : i32
        %dma_start3A_97 = arith.constant 0 : i32
        %dma_start3A_98 = tpu.memref_slice %arg6[%add3A_96, %dma_start3A_97] : memref<8x128xi32, #tpu.memory_space<vmem>> -> memref<1x128xi32, #tpu.memory_space<vmem>>
        %dma_start3A_99 = tpu.memref_squeeze %dma_start3A_98 : memref<1x128xi32, #tpu.memory_space<vmem>> -> memref<128xi32, #tpu.memory_space<vmem>>
        %dma_start3A_100 = arith.constant 0 : i32
        %dma_start3A_101 = arith.constant 0 : i32
        %dma_start3A_102 = tpu.memref_slice %arg2[%dma_start3A_100, %dma_start3A_101] : memref<10240x128xf32, #tpu.memory_space<hbm>> -> memref<10240x128xf32, #tpu.memory_space<hbm>>
        tpu.enqueue_indirect_dma source(%dma_start3A_102 : memref<10240x128xf32, #tpu.memory_space<hbm>>) target(%arg9 : memref<128x128xf32, #tpu.memory_space<vmem>>) offsets(%dma_start3A_99 : memref<128xi32, #tpu.memory_space<vmem>>) semaphore(%arg12 : memref<!tpu.dma_semaphore, #tpu.memory_space<semaphore_mem>>)
        "tpu.region"() ({
          %run_scoped3A = tpu.sem_alloc : memref<!tpu.dma_semaphore, #tpu.memory_space<semaphore_mem>>
          %dma_start3A_117 = arith.constant 0 : i32
          %dma_start3A_118 = tpu.memref_slice %arg7[%mul3A_89, %dma_start3A_117] : memref<8x128xi32, #tpu.memory_space<vmem>> -> memref<1x128xi32, #tpu.memory_space<vmem>>
          %dma_start3A_119 = tpu.memref_squeeze %dma_start3A_118 : memref<1x128xi32, #tpu.memory_space<vmem>> -> memref<128xi32, #tpu.memory_space<vmem>>
          %dma_start3A_120 = arith.constant 0 : i32
          %dma_start3A_121 = arith.constant 0 : i32
          %dma_start3A_122 = tpu.memref_slice %arg10[%dma_start3A_120, %dma_start3A_121] : memref<10240x128xf32, #tpu.memory_space<vmem_shared>> -> memref<10240x128xf32, #tpu.memory_space<vmem_shared>>
          tpu.enqueue_indirect_dma source(%arg8 : memref<128x128xf32, #tpu.memory_space<vmem>>) target(%dma_start3A_122 : memref<10240x128xf32, #tpu.memory_space<vmem_shared>>) offsets(%dma_start3A_119 : memref<128xi32, #tpu.memory_space<vmem>>) semaphore(%run_scoped3A : memref<!tpu.dma_semaphore, #tpu.memory_space<semaphore_mem>>) {add = true}
          %dma_wait3A_123 = arith.constant 0 : i32
          %dma_wait3A_124 = tpu.memref_slice %arg7[%mul3A_89, %dma_wait3A_123] : memref<8x128xi32, #tpu.memory_space<vmem>> -> memref<1x128xi32, #tpu.memory_space<vmem>>
          %dma_wait3A_125 = tpu.memref_squeeze %dma_wait3A_124 : memref<1x128xi32, #tpu.memory_space<vmem>> -> memref<128xi32, #tpu.memory_space<vmem>>
          %dma_wait3A_126 = arith.constant 0 : i32
          %dma_wait3A_127 = arith.constant 0 : i32
          %dma_wait3A_128 = tpu.memref_slice %arg10[%dma_wait3A_126, %dma_wait3A_127] : memref<10240x128xf32, #tpu.memory_space<vmem_shared>> -> memref<10240x128xf32, #tpu.memory_space<vmem_shared>>
          tpu.wait_indirect_dma semaphore(%run_scoped3A : memref<!tpu.dma_semaphore, #tpu.memory_space<semaphore_mem>>) src(%arg8 : memref<128x128xf32, #tpu.memory_space<vmem>>) dst(%dma_wait3A_128 : memref<10240x128xf32, #tpu.memory_space<vmem_shared>>)
          tpu.yield
        }) : () -> ()
        %add3A_103 = arith.constant 1 : i32
        %add3A_104 = arith.addi %mul3A_89, %add3A_103 : i32
        %dma_wait3A_105 = arith.constant 0 : i32
        %dma_wait3A_106 = tpu.memref_slice %arg6[%add3A_104, %dma_wait3A_105] : memref<8x128xi32, #tpu.memory_space<vmem>> -> memref<1x128xi32, #tpu.memory_space<vmem>>
        %dma_wait3A_107 = tpu.memref_squeeze %dma_wait3A_106 : memref<1x128xi32, #tpu.memory_space<vmem>> -> memref<128xi32, #tpu.memory_space<vmem>>
        %dma_wait3A_108 = arith.constant 0 : i32
        %dma_wait3A_109 = arith.constant 0 : i32
        %dma_wait3A_110 = tpu.memref_slice %arg2[%dma_wait3A_108, %dma_wait3A_109] : memref<10240x128xf32, #tpu.memory_space<hbm>> -> memref<10240x128xf32, #tpu.memory_space<hbm>>
        tpu.wait_indirect_dma semaphore(%arg12 : memref<!tpu.dma_semaphore, #tpu.memory_space<semaphore_mem>>) src(%dma_wait3A_110 : memref<10240x128xf32, #tpu.memory_space<hbm>>) dst(%arg9 : memref<128x128xf32, #tpu.memory_space<vmem>>)
        %add3A_111 = arith.constant 2 : i32
        %add3A_112 = arith.addi %mul3A_89, %add3A_111 : i32
        %lt3A = arith.constant 8 : i32
        %lt3A_113 = arith.cmpi slt, %add3A_112, %lt3A : i32
        %convert_element_type3A = arith.extui %lt3A_113 : i1 to i32
        %cond3A = arith.constant 0 : i32
        %cond3A_114 = arith.cmpi ne, %convert_element_type3A, %cond3A : i32
        scf.if %cond3A_114 {
          %add3A_117 = arith.constant 2 : i32
          %add3A_118 = arith.addi %mul3A_89, %add3A_117 : i32
          %dma_start3A_119 = arith.constant 0 : i32
          %dma_start3A_120 = tpu.memref_slice %arg6[%add3A_118, %dma_start3A_119] : memref<8x128xi32, #tpu.memory_space<vmem>> -> memref<1x128xi32, #tpu.memory_space<vmem>>
          %dma_start3A_121 = tpu.memref_squeeze %dma_start3A_120 : memref<1x128xi32, #tpu.memory_space<vmem>> -> memref<128xi32, #tpu.memory_space<vmem>>
          %dma_start3A_122 = arith.constant 0 : i32
          %dma_start3A_123 = arith.constant 0 : i32
          %dma_start3A_124 = tpu.memref_slice %arg2[%dma_start3A_122, %dma_start3A_123] : memref<10240x128xf32, #tpu.memory_space<hbm>> -> memref<10240x128xf32, #tpu.memory_space<hbm>>
          tpu.enqueue_indirect_dma source(%dma_start3A_124 : memref<10240x128xf32, #tpu.memory_space<hbm>>) target(%arg8 : memref<128x128xf32, #tpu.memory_space<vmem>>) offsets(%dma_start3A_121 : memref<128xi32, #tpu.memory_space<vmem>>) semaphore(%arg11 : memref<!tpu.dma_semaphore, #tpu.memory_space<semaphore_mem>>)
        } else {
        }
        %add3A_115 = arith.constant 1 : i32
        %add3A_116 = arith.addi %mul3A_89, %add3A_115 : i32
        "tpu.region"() ({
          %run_scoped3A = tpu.sem_alloc : memref<!tpu.dma_semaphore, #tpu.memory_space<semaphore_mem>>
          %dma_start3A_117 = arith.constant 0 : i32
          %dma_start3A_118 = tpu.memref_slice %arg7[%add3A_116, %dma_start3A_117] : memref<8x128xi32, #tpu.memory_space<vmem>> -> memref<1x128xi32, #tpu.memory_space<vmem>>
          %dma_start3A_119 = tpu.memref_squeeze %dma_start3A_118 : memref<1x128xi32, #tpu.memory_space<vmem>> -> memref<128xi32, #tpu.memory_space<vmem>>
          %dma_start3A_120 = arith.constant 0 : i32
          %dma_start3A_121 = arith.constant 0 : i32
          %dma_start3A_122 = tpu.memref_slice %arg10[%dma_start3A_120, %dma_start3A_121] : memref<10240x128xf32, #tpu.memory_space<vmem_shared>> -> memref<10240x128xf32, #tpu.memory_space<vmem_shared>>
          tpu.enqueue_indirect_dma source(%arg9 : memref<128x128xf32, #tpu.memory_space<vmem>>) target(%dma_start3A_122 : memref<10240x128xf32, #tpu.memory_space<vmem_shared>>) offsets(%dma_start3A_119 : memref<128xi32, #tpu.memory_space<vmem>>) semaphore(%run_scoped3A : memref<!tpu.dma_semaphore, #tpu.memory_space<semaphore_mem>>) {add = true}
          %dma_wait3A_123 = arith.constant 0 : i32
          %dma_wait3A_124 = tpu.memref_slice %arg7[%add3A_116, %dma_wait3A_123] : memref<8x128xi32, #tpu.memory_space<vmem>> -> memref<1x128xi32, #tpu.memory_space<vmem>>
          %dma_wait3A_125 = tpu.memref_squeeze %dma_wait3A_124 : memref<1x128xi32, #tpu.memory_space<vmem>> -> memref<128xi32, #tpu.memory_space<vmem>>
          %dma_wait3A_126 = arith.constant 0 : i32
          %dma_wait3A_127 = arith.constant 0 : i32
          %dma_wait3A_128 = tpu.memref_slice %arg10[%dma_wait3A_126, %dma_wait3A_127] : memref<10240x128xf32, #tpu.memory_space<vmem_shared>> -> memref<10240x128xf32, #tpu.memory_space<vmem_shared>>
          tpu.wait_indirect_dma semaphore(%run_scoped3A : memref<!tpu.dma_semaphore, #tpu.memory_space<semaphore_mem>>) src(%arg9 : memref<128x128xf32, #tpu.memory_space<vmem>>) dst(%dma_wait3A_128 : memref<10240x128xf32, #tpu.memory_space<vmem_shared>>)
          tpu.yield
        }) : () -> ()
      }
      %scan3A_86 = arith.constant 4 : i32
    }
    %barrier3A_50 = arith.constant 0 : index
    tpu.barrier barrier_id(%barrier3A_50)
    %add3A_51 = arith.constant 0 : i32
    %add3A_52 = arith.addi %mul3A_12, %add3A_51 : i32
    "tpu.region"() ({
      %run_scoped3A = tpu.sem_alloc : memref<!tpu.dma_semaphore, #tpu.memory_space<semaphore_mem>>
      %dma_start3A = arith.constant 0 : i32
      %dma_start3A_71 = tpu.memref_slice %arg10[%add3A_52, %dma_start3A] : memref<10240x128xf32, #tpu.memory_space<vmem_shared>> -> memref<128x128xf32, #tpu.memory_space<vmem_shared>>
      %dma_start3A_72 = arith.constant 0 : i32
      %dma_start3A_73 = tpu.memref_slice %arg10[%add3A_52, %dma_start3A_72] : memref<10240x128xf32, #tpu.memory_space<vmem_shared>> -> memref<128x128xf32, #tpu.memory_space<vmem_shared>>
      tpu.enqueue_dma source(%dma_start3A_73 : memref<128x128xf32, #tpu.memory_space<vmem_shared>>) target(%arg8 : memref<128x128xf32, #tpu.memory_space<vmem>>) target_semaphore(%run_scoped3A : memref<!tpu.dma_semaphore, #tpu.memory_space<semaphore_mem>>)
      %dma_wait3A = arith.constant 0 : i32
      %dma_wait3A_74 = tpu.memref_slice %arg10[%add3A_52, %dma_wait3A] : memref<10240x128xf32, #tpu.memory_space<vmem_shared>> -> memref<128x128xf32, #tpu.memory_space<vmem_shared>>
      %dma_wait3A_75 = arith.constant 0 : i32
      %dma_wait3A_76 = tpu.memref_slice %arg10[%add3A_52, %dma_wait3A_75] : memref<10240x128xf32, #tpu.memory_space<vmem_shared>> -> memref<128x128xf32, #tpu.memory_space<vmem_shared>>
      tpu.wait_dma2 semaphore(%run_scoped3A : memref<!tpu.dma_semaphore, #tpu.memory_space<semaphore_mem>>) src(%dma_wait3A_76 : memref<128x128xf32, #tpu.memory_space<vmem_shared>>) dst(%arg8 : memref<128x128xf32, #tpu.memory_space<vmem>>)
      tpu.yield
    }) : () -> ()
    %add3A_53 = arith.constant 0 : i32
    %add3A_54 = arith.addi %mul3A_12, %add3A_53 : i32
    "tpu.region"() ({
      %run_scoped3A = tpu.sem_alloc : memref<!tpu.dma_semaphore, #tpu.memory_space<semaphore_mem>>
      %dma_start3A = arith.constant 0 : i32
      %dma_start3A_71 = tpu.memref_slice %arg5[%arg0, %add3A_54, %dma_start3A] : memref<2x10240x128xf32, #tpu.memory_space<hbm>> -> memref<1x128x128xf32, #tpu.memory_space<hbm>>
      %dma_start3A_72 = tpu.memref_squeeze %dma_start3A_71 : memref<1x128x128xf32, #tpu.memory_space<hbm>> -> memref<128x128xf32, #tpu.memory_space<hbm>>
      %dma_start3A_73 = arith.constant 0 : i32
      %dma_start3A_74 = tpu.memref_slice %arg5[%arg0, %add3A_54, %dma_start3A_73] : memref<2x10240x128xf32, #tpu.memory_space<hbm>> -> memref<1x128x128xf32, #tpu.memory_space<hbm>>
      %dma_start3A_75 = tpu.memref_squeeze %dma_start3A_74 : memref<1x128x128xf32, #tpu.memory_space<hbm>> -> memref<128x128xf32, #tpu.memory_space<hbm>>
      tpu.enqueue_dma source(%arg8 : memref<128x128xf32, #tpu.memory_space<vmem>>) target(%dma_start3A_75 : memref<128x128xf32, #tpu.memory_space<hbm>>) target_semaphore(%run_scoped3A : memref<!tpu.dma_semaphore, #tpu.memory_space<semaphore_mem>>)
      %dma_wait3A = arith.constant 0 : i32
      %dma_wait3A_76 = tpu.memref_slice %arg5[%arg0, %add3A_54, %dma_wait3A] : memref<2x10240x128xf32, #tpu.memory_space<hbm>> -> memref<1x128x128xf32, #tpu.memory_space<hbm>>
      %dma_wait3A_77 = tpu.memref_squeeze %dma_wait3A_76 : memref<1x128x128xf32, #tpu.memory_space<hbm>> -> memref<128x128xf32, #tpu.memory_space<hbm>>
      %dma_wait3A_78 = arith.constant 0 : i32
      %dma_wait3A_79 = tpu.memref_slice %arg5[%arg0, %add3A_54, %dma_wait3A_78] : memref<2x10240x128xf32, #tpu.memory_space<hbm>> -> memref<1x128x128xf32, #tpu.memory_space<hbm>>
      %dma_wait3A_80 = tpu.memref_squeeze %dma_wait3A_79 : memref<1x128x128xf32, #tpu.memory_space<hbm>> -> memref<128x128xf32, #tpu.memory_space<hbm>>
      tpu.wait_dma2 semaphore(%run_scoped3A : memref<!tpu.dma_semaphore, #tpu.memory_space<semaphore_mem>>) src(%arg8 : memref<128x128xf32, #tpu.memory_space<vmem>>) dst(%dma_wait3A_80 : memref<128x128xf32, #tpu.memory_space<hbm>>)
      tpu.yield
    }) : () -> ()
    %add3A_55 = arith.constant 128 : i32
    %add3A_56 = arith.addi %mul3A_12, %add3A_55 : i32
    "tpu.region"() ({
      %run_scoped3A = tpu.sem_alloc : memref<!tpu.dma_semaphore, #tpu.memory_space<semaphore_mem>>
      %dma_start3A = arith.constant 0 : i32
      %dma_start3A_71 = tpu.memref_slice %arg10[%add3A_56, %dma_start3A] : memref<10240x128xf32, #tpu.memory_space<vmem_shared>> -> memref<128x128xf32, #tpu.memory_space<vmem_shared>>
      %dma_start3A_72 = arith.constant 0 : i32
      %dma_start3A_73 = tpu.memref_slice %arg10[%add3A_56, %dma_start3A_72] : memref<10240x128xf32, #tpu.memory_space<vmem_shared>> -> memref<128x128xf32, #tpu.memory_space<vmem_shared>>
      tpu.enqueue_dma source(%dma_start3A_73 : memref<128x128xf32, #tpu.memory_space<vmem_shared>>) target(%arg8 : memref<128x128xf32, #tpu.memory_space<vmem>>) target_semaphore(%run_scoped3A : memref<!tpu.dma_semaphore, #tpu.memory_space<semaphore_mem>>)
      %dma_wait3A = arith.constant 0 : i32
      %dma_wait3A_74 = tpu.memref_slice %arg10[%add3A_56, %dma_wait3A] : memref<10240x128xf32, #tpu.memory_space<vmem_shared>> -> memref<128x128xf32, #tpu.memory_space<vmem_shared>>
      %dma_wait3A_75 = arith.constant 0 : i32
      %dma_wait3A_76 = tpu.memref_slice %arg10[%add3A_56, %dma_wait3A_75] : memref<10240x128xf32, #tpu.memory_space<vmem_shared>> -> memref<128x128xf32, #tpu.memory_space<vmem_shared>>
      tpu.wait_dma2 semaphore(%run_scoped3A : memref<!tpu.dma_semaphore, #tpu.memory_space<semaphore_mem>>) src(%dma_wait3A_76 : memref<128x128xf32, #tpu.memory_space<vmem_shared>>) dst(%arg8 : memref<128x128xf32, #tpu.memory_space<vmem>>)
      tpu.yield
    }) : () -> ()
    %add3A_57 = arith.constant 128 : i32
    %add3A_58 = arith.addi %mul3A_12, %add3A_57 : i32
    "tpu.region"() ({
      %run_scoped3A = tpu.sem_alloc : memref<!tpu.dma_semaphore, #tpu.memory_space<semaphore_mem>>
      %dma_start3A = arith.constant 0 : i32
      %dma_start3A_71 = tpu.memref_slice %arg5[%arg0, %add3A_58, %dma_start3A] : memref<2x10240x128xf32, #tpu.memory_space<hbm>> -> memref<1x128x128xf32, #tpu.memory_space<hbm>>
      %dma_start3A_72 = tpu.memref_squeeze %dma_start3A_71 : memref<1x128x128xf32, #tpu.memory_space<hbm>> -> memref<128x128xf32, #tpu.memory_space<hbm>>
      %dma_start3A_73 = arith.constant 0 : i32
      %dma_start3A_74 = tpu.memref_slice %arg5[%arg0, %add3A_58, %dma_start3A_73] : memref<2x10240x128xf32, #tpu.memory_space<hbm>> -> memref<1x128x128xf32, #tpu.memory_space<hbm>>
      %dma_start3A_75 = tpu.memref_squeeze %dma_start3A_74 : memref<1x128x128xf32, #tpu.memory_space<hbm>> -> memref<128x128xf32, #tpu.memory_space<hbm>>
      tpu.enqueue_dma source(%arg8 : memref<128x128xf32, #tpu.memory_space<vmem>>) target(%dma_start3A_75 : memref<128x128xf32, #tpu.memory_space<hbm>>) target_semaphore(%run_scoped3A : memref<!tpu.dma_semaphore, #tpu.memory_space<semaphore_mem>>)
      %dma_wait3A = arith.constant 0 : i32
      %dma_wait3A_76 = tpu.memref_slice %arg5[%arg0, %add3A_58, %dma_wait3A] : memref<2x10240x128xf32, #tpu.memory_space<hbm>> -> memref<1x128x128xf32, #tpu.memory_space<hbm>>
      %dma_wait3A_77 = tpu.memref_squeeze %dma_wait3A_76 : memref<1x128x128xf32, #tpu.memory_space<hbm>> -> memref<128x128xf32, #tpu.memory_space<hbm>>
      %dma_wait3A_78 = arith.constant 0 : i32
      %dma_wait3A_79 = tpu.memref_slice %arg5[%arg0, %add3A_58, %dma_wait3A_78] : memref<2x10240x128xf32, #tpu.memory_space<hbm>> -> memref<1x128x128xf32, #tpu.memory_space<hbm>>
      %dma_wait3A_80 = tpu.memref_squeeze %dma_wait3A_79 : memref<1x128x128xf32, #tpu.memory_space<hbm>> -> memref<128x128xf32, #tpu.memory_space<hbm>>
      tpu.wait_dma2 semaphore(%run_scoped3A : memref<!tpu.dma_semaphore, #tpu.memory_space<semaphore_mem>>) src(%arg8 : memref<128x128xf32, #tpu.memory_space<vmem>>) dst(%dma_wait3A_80 : memref<128x128xf32, #tpu.memory_space<hbm>>)
      tpu.yield
    }) : () -> ()
    %add3A_59 = arith.constant 256 : i32
    %add3A_60 = arith.addi %mul3A_12, %add3A_59 : i32
    "tpu.region"() ({
      %run_scoped3A = tpu.sem_alloc : memref<!tpu.dma_semaphore, #tpu.memory_space<semaphore_mem>>
      %dma_start3A = arith.constant 0 : i32
      %dma_start3A_71 = tpu.memref_slice %arg10[%add3A_60, %dma_start3A] : memref<10240x128xf32, #tpu.memory_space<vmem_shared>> -> memref<128x128xf32, #tpu.memory_space<vmem_shared>>
      %dma_start3A_72 = arith.constant 0 : i32
      %dma_start3A_73 = tpu.memref_slice %arg10[%add3A_60, %dma_start3A_72] : memref<10240x128xf32, #tpu.memory_space<vmem_shared>> -> memref<128x128xf32, #tpu.memory_space<vmem_shared>>
      tpu.enqueue_dma source(%dma_start3A_73 : memref<128x128xf32, #tpu.memory_space<vmem_shared>>) target(%arg8 : memref<128x128xf32, #tpu.memory_space<vmem>>) target_semaphore(%run_scoped3A : memref<!tpu.dma_semaphore, #tpu.memory_space<semaphore_mem>>)
      %dma_wait3A = arith.constant 0 : i32
      %dma_wait3A_74 = tpu.memref_slice %arg10[%add3A_60, %dma_wait3A] : memref<10240x128xf32, #tpu.memory_space<vmem_shared>> -> memref<128x128xf32, #tpu.memory_space<vmem_shared>>
      %dma_wait3A_75 = arith.constant 0 : i32
      %dma_wait3A_76 = tpu.memref_slice %arg10[%add3A_60, %dma_wait3A_75] : memref<10240x128xf32, #tpu.memory_space<vmem_shared>> -> memref<128x128xf32, #tpu.memory_space<vmem_shared>>
      tpu.wait_dma2 semaphore(%run_scoped3A : memref<!tpu.dma_semaphore, #tpu.memory_space<semaphore_mem>>) src(%dma_wait3A_76 : memref<128x128xf32, #tpu.memory_space<vmem_shared>>) dst(%arg8 : memref<128x128xf32, #tpu.memory_space<vmem>>)
      tpu.yield
    }) : () -> ()
    %add3A_61 = arith.constant 256 : i32
    %add3A_62 = arith.addi %mul3A_12, %add3A_61 : i32
    "tpu.region"() ({
      %run_scoped3A = tpu.sem_alloc : memref<!tpu.dma_semaphore, #tpu.memory_space<semaphore_mem>>
      %dma_start3A = arith.constant 0 : i32
      %dma_start3A_71 = tpu.memref_slice %arg5[%arg0, %add3A_62, %dma_start3A] : memref<2x10240x128xf32, #tpu.memory_space<hbm>> -> memref<1x128x128xf32, #tpu.memory_space<hbm>>
      %dma_start3A_72 = tpu.memref_squeeze %dma_start3A_71 : memref<1x128x128xf32, #tpu.memory_space<hbm>> -> memref<128x128xf32, #tpu.memory_space<hbm>>
      %dma_start3A_73 = arith.constant 0 : i32
      %dma_start3A_74 = tpu.memref_slice %arg5[%arg0, %add3A_62, %dma_start3A_73] : memref<2x10240x128xf32, #tpu.memory_space<hbm>> -> memref<1x128x128xf32, #tpu.memory_space<hbm>>
      %dma_start3A_75 = tpu.memref_squeeze %dma_start3A_74 : memref<1x128x128xf32, #tpu.memory_space<hbm>> -> memref<128x128xf32, #tpu.memory_space<hbm>>
      tpu.enqueue_dma source(%arg8 : memref<128x128xf32, #tpu.memory_space<vmem>>) target(%dma_start3A_75 : memref<128x128xf32, #tpu.memory_space<hbm>>) target_semaphore(%run_scoped3A : memref<!tpu.dma_semaphore, #tpu.memory_space<semaphore_mem>>)
      %dma_wait3A = arith.constant 0 : i32
      %dma_wait3A_76 = tpu.memref_slice %arg5[%arg0, %add3A_62, %dma_wait3A] : memref<2x10240x128xf32, #tpu.memory_space<hbm>> -> memref<1x128x128xf32, #tpu.memory_space<hbm>>
      %dma_wait3A_77 = tpu.memref_squeeze %dma_wait3A_76 : memref<1x128x128xf32, #tpu.memory_space<hbm>> -> memref<128x128xf32, #tpu.memory_space<hbm>>
      %dma_wait3A_78 = arith.constant 0 : i32
      %dma_wait3A_79 = tpu.memref_slice %arg5[%arg0, %add3A_62, %dma_wait3A_78] : memref<2x10240x128xf32, #tpu.memory_space<hbm>> -> memref<1x128x128xf32, #tpu.memory_space<hbm>>
      %dma_wait3A_80 = tpu.memref_squeeze %dma_wait3A_79 : memref<1x128x128xf32, #tpu.memory_space<hbm>> -> memref<128x128xf32, #tpu.memory_space<hbm>>
      tpu.wait_dma2 semaphore(%run_scoped3A : memref<!tpu.dma_semaphore, #tpu.memory_space<semaphore_mem>>) src(%arg8 : memref<128x128xf32, #tpu.memory_space<vmem>>) dst(%dma_wait3A_80 : memref<128x128xf32, #tpu.memory_space<hbm>>)
      tpu.yield
    }) : () -> ()
    %add3A_63 = arith.constant 384 : i32
    %add3A_64 = arith.addi %mul3A_12, %add3A_63 : i32
    "tpu.region"() ({
      %run_scoped3A = tpu.sem_alloc : memref<!tpu.dma_semaphore, #tpu.memory_space<semaphore_mem>>
      %dma_start3A = arith.constant 0 : i32
      %dma_start3A_71 = tpu.memref_slice %arg10[%add3A_64, %dma_start3A] : memref<10240x128xf32, #tpu.memory_space<vmem_shared>> -> memref<128x128xf32, #tpu.memory_space<vmem_shared>>
      %dma_start3A_72 = arith.constant 0 : i32
      %dma_start3A_73 = tpu.memref_slice %arg10[%add3A_64, %dma_start3A_72] : memref<10240x128xf32, #tpu.memory_space<vmem_shared>> -> memref<128x128xf32, #tpu.memory_space<vmem_shared>>
      tpu.enqueue_dma source(%dma_start3A_73 : memref<128x128xf32, #tpu.memory_space<vmem_shared>>) target(%arg8 : memref<128x128xf32, #tpu.memory_space<vmem>>) target_semaphore(%run_scoped3A : memref<!tpu.dma_semaphore, #tpu.memory_space<semaphore_mem>>)
      %dma_wait3A = arith.constant 0 : i32
      %dma_wait3A_74 = tpu.memref_slice %arg10[%add3A_64, %dma_wait3A] : memref<10240x128xf32, #tpu.memory_space<vmem_shared>> -> memref<128x128xf32, #tpu.memory_space<vmem_shared>>
      %dma_wait3A_75 = arith.constant 0 : i32
      %dma_wait3A_76 = tpu.memref_slice %arg10[%add3A_64, %dma_wait3A_75] : memref<10240x128xf32, #tpu.memory_space<vmem_shared>> -> memref<128x128xf32, #tpu.memory_space<vmem_shared>>
      tpu.wait_dma2 semaphore(%run_scoped3A : memref<!tpu.dma_semaphore, #tpu.memory_space<semaphore_mem>>) src(%dma_wait3A_76 : memref<128x128xf32, #tpu.memory_space<vmem_shared>>) dst(%arg8 : memref<128x128xf32, #tpu.memory_space<vmem>>)
      tpu.yield
    }) : () -> ()
    %add3A_65 = arith.constant 384 : i32
    %add3A_66 = arith.addi %mul3A_12, %add3A_65 : i32
    "tpu.region"() ({
      %run_scoped3A = tpu.sem_alloc : memref<!tpu.dma_semaphore, #tpu.memory_space<semaphore_mem>>
      %dma_start3A = arith.constant 0 : i32
      %dma_start3A_71 = tpu.memref_slice %arg5[%arg0, %add3A_66, %dma_start3A] : memref<2x10240x128xf32, #tpu.memory_space<hbm>> -> memref<1x128x128xf32, #tpu.memory_space<hbm>>
      %dma_start3A_72 = tpu.memref_squeeze %dma_start3A_71 : memref<1x128x128xf32, #tpu.memory_space<hbm>> -> memref<128x128xf32, #tpu.memory_space<hbm>>
      %dma_start3A_73 = arith.constant 0 : i32
      %dma_start3A_74 = tpu.memref_slice %arg5[%arg0, %add3A_66, %dma_start3A_73] : memref<2x10240x128xf32, #tpu.memory_space<hbm>> -> memref<1x128x128xf32, #tpu.memory_space<hbm>>
      %dma_start3A_75 = tpu.memref_squeeze %dma_start3A_74 : memref<1x128x128xf32, #tpu.memory_space<hbm>> -> memref<128x128xf32, #tpu.memory_space<hbm>>
      tpu.enqueue_dma source(%arg8 : memref<128x128xf32, #tpu.memory_space<vmem>>) target(%dma_start3A_75 : memref<128x128xf32, #tpu.memory_space<hbm>>) target_semaphore(%run_scoped3A : memref<!tpu.dma_semaphore, #tpu.memory_space<semaphore_mem>>)
      %dma_wait3A = arith.constant 0 : i32
      %dma_wait3A_76 = tpu.memref_slice %arg5[%arg0, %add3A_66, %dma_wait3A] : memref<2x10240x128xf32, #tpu.memory_space<hbm>> -> memref<1x128x128xf32, #tpu.memory_space<hbm>>
      %dma_wait3A_77 = tpu.memref_squeeze %dma_wait3A_76 : memref<1x128x128xf32, #tpu.memory_space<hbm>> -> memref<128x128xf32, #tpu.memory_space<hbm>>
      %dma_wait3A_78 = arith.constant 0 : i32
      %dma_wait3A_79 = tpu.memref_slice %arg5[%arg0, %add3A_66, %dma_wait3A_78] : memref<2x10240x128xf32, #tpu.memory_space<hbm>> -> memref<1x128x128xf32, #tpu.memory_space<hbm>>
      %dma_wait3A_80 = tpu.memref_squeeze %dma_wait3A_79 : memref<1x128x128xf32, #tpu.memory_space<hbm>> -> memref<128x128xf32, #tpu.memory_space<hbm>>
      tpu.wait_dma2 semaphore(%run_scoped3A : memref<!tpu.dma_semaphore, #tpu.memory_space<semaphore_mem>>) src(%arg8 : memref<128x128xf32, #tpu.memory_space<vmem>>) dst(%dma_wait3A_80 : memref<128x128xf32, #tpu.memory_space<hbm>>)
      tpu.yield
    }) : () -> ()
    %add3A_67 = arith.constant 512 : i32
    %add3A_68 = arith.addi %mul3A_12, %add3A_67 : i32
    "tpu.region"() ({
      %run_scoped3A = tpu.sem_alloc : memref<!tpu.dma_semaphore, #tpu.memory_space<semaphore_mem>>
      %dma_start3A = arith.constant 0 : i32
      %dma_start3A_71 = tpu.memref_slice %arg10[%add3A_68, %dma_start3A] : memref<10240x128xf32, #tpu.memory_space<vmem_shared>> -> memref<128x128xf32, #tpu.memory_space<vmem_shared>>
      %dma_start3A_72 = arith.constant 0 : i32
      %dma_start3A_73 = tpu.memref_slice %arg10[%add3A_68, %dma_start3A_72] : memref<10240x128xf32, #tpu.memory_space<vmem_shared>> -> memref<128x128xf32, #tpu.memory_space<vmem_shared>>
      tpu.enqueue_dma source(%dma_start3A_73 : memref<128x128xf32, #tpu.memory_space<vmem_shared>>) target(%arg8 : memref<128x128xf32, #tpu.memory_space<vmem>>) target_semaphore(%run_scoped3A : memref<!tpu.dma_semaphore, #tpu.memory_space<semaphore_mem>>)
      %dma_wait3A = arith.constant 0 : i32
      %dma_wait3A_74 = tpu.memref_slice %arg10[%add3A_68, %dma_wait3A] : memref<10240x128xf32, #tpu.memory_space<vmem_shared>> -> memref<128x128xf32, #tpu.memory_space<vmem_shared>>
      %dma_wait3A_75 = arith.constant 0 : i32
      %dma_wait3A_76 = tpu.memref_slice %arg10[%add3A_68, %dma_wait3A_75] : memref<10240x128xf32, #tpu.memory_space<vmem_shared>> -> memref<128x128xf32, #tpu.memory_space<vmem_shared>>
      tpu.wait_dma2 semaphore(%run_scoped3A : memref<!tpu.dma_semaphore, #tpu.memory_space<semaphore_mem>>) src(%dma_wait3A_76 : memref<128x128xf32, #tpu.memory_space<vmem_shared>>) dst(%arg8 : memref<128x128xf32, #tpu.memory_space<vmem>>)
      tpu.yield
    }) : () -> ()
    %add3A_69 = arith.constant 512 : i32
    %add3A_70 = arith.addi %mul3A_12, %add3A_69 : i32
    "tpu.region"() ({
      %run_scoped3A = tpu.sem_alloc : memref<!tpu.dma_semaphore, #tpu.memory_space<semaphore_mem>>
      %dma_start3A = arith.constant 0 : i32
      %dma_start3A_71 = tpu.memref_slice %arg5[%arg0, %add3A_70, %dma_start3A] : memref<2x10240x128xf32, #tpu.memory_space<hbm>> -> memref<1x128x128xf32, #tpu.memory_space<hbm>>
      %dma_start3A_72 = tpu.memref_squeeze %dma_start3A_71 : memref<1x128x128xf32, #tpu.memory_space<hbm>> -> memref<128x128xf32, #tpu.memory_space<hbm>>
      %dma_start3A_73 = arith.constant 0 : i32
      %dma_start3A_74 = tpu.memref_slice %arg5[%arg0, %add3A_70, %dma_start3A_73] : memref<2x10240x128xf32, #tpu.memory_space<hbm>> -> memref<1x128x128xf32, #tpu.memory_space<hbm>>
      %dma_start3A_75 = tpu.memref_squeeze %dma_start3A_74 : memref<1x128x128xf32, #tpu.memory_space<hbm>> -> memref<128x128xf32, #tpu.memory_space<hbm>>
      tpu.enqueue_dma source(%arg8 : memref<128x128xf32, #tpu.memory_space<vmem>>) target(%dma_start3A_75 : memref<128x128xf32, #tpu.memory_space<hbm>>) target_semaphore(%run_scoped3A : memref<!tpu.dma_semaphore, #tpu.memory_space<semaphore_mem>>)
      %dma_wait3A = arith.constant 0 : i32
      %dma_wait3A_76 = tpu.memref_slice %arg5[%arg0, %add3A_70, %dma_wait3A] : memref<2x10240x128xf32, #tpu.memory_space<hbm>> -> memref<1x128x128xf32, #tpu.memory_space<hbm>>
      %dma_wait3A_77 = tpu.memref_squeeze %dma_wait3A_76 : memref<1x128x128xf32, #tpu.memory_space<hbm>> -> memref<128x128xf32, #tpu.memory_space<hbm>>
      %dma_wait3A_78 = arith.constant 0 : i32
      %dma_wait3A_79 = tpu.memref_slice %arg5[%arg0, %add3A_70, %dma_wait3A_78] : memref<2x10240x128xf32, #tpu.memory_space<hbm>> -> memref<1x128x128xf32, #tpu.memory_space<hbm>>
      %dma_wait3A_80 = tpu.memref_squeeze %dma_wait3A_79 : memref<1x128x128xf32, #tpu.memory_space<hbm>> -> memref<128x128xf32, #tpu.memory_space<hbm>>
      tpu.wait_dma2 semaphore(%run_scoped3A : memref<!tpu.dma_semaphore, #tpu.memory_space<semaphore_mem>>) src(%arg8 : memref<128x128xf32, #tpu.memory_space<vmem>>) dst(%dma_wait3A_80 : memref<128x128xf32, #tpu.memory_space<hbm>>)
      tpu.yield
    }) : () -> ()
    return
  }
}

#map = affine_map<(d0, d1) -> (0, 0)>
#map1 = affine_map<(d0, d1) -> (0, 0, 0)>
module attributes {stable_mosaic.version = 14 : i64} {
  func.func @_agg_body(%arg0: i32, %arg1: i32, %arg2: memref<10240x128xf32, #tpu.memory_space<hbm>>, %arg3: memref<2560x128xi32, #tpu.memory_space<hbm>>, %arg4: memref<2560x128xi32, #tpu.memory_space<hbm>>, %arg5: memref<2x10240x128xf32, #tpu.memory_space<hbm>>, %arg6: memref<8x128xi32, #tpu.memory_space<vmem>>, %arg7: memref<8x128xi32, #tpu.memory_space<vmem>>, %arg8: memref<128x128xf32, #tpu.memory_space<vmem>>, %arg9: memref<128x128xf32, #tpu.memory_space<vmem>>, %arg10: memref<10240x128xf32, #tpu.memory_space<vmem_shared>>, %arg11: memref<!tpu.dma_semaphore, #tpu.memory_space<semaphore_mem>>, %arg12: memref<!tpu.dma_semaphore, #tpu.memory_space<semaphore_mem>>) attributes {dimension_semantics = [#tpu.dimension_semantics<core_parallel>, #tpu.dimension_semantics<subcore_parallel>], iteration_bounds = array<i64: 2, 16>, scalar_prefetch = 0 : i64, scratch_operands = 7 : i64, tpu.core_type = #tpu.core_type<sc_vector_subcore>, window_params = [{transform_indices = #map}, {transform_indices = #map}, {transform_indices = #map}, {transform_indices = #map1}]} {
    %eq3A = arith.constant 0 : i32
    %eq3A_0 = arith.cmpi eq, %arg0, %eq3A : i32
    %jit3A = arith.constant 120 : i32
    %jit3A_1 = arith.constant 40 : i32
    %select_n3A = arith.select %eq3A_0, %jit3A, %jit3A_1 : i32
    %mul3A = arith.constant 16 : i32
    %mul3A_2 = arith.muli %arg0, %mul3A : i32
    %mul3A_3 = arith.constant 120 : i32
    %mul3A_4 = arith.muli %mul3A_2, %mul3A_3 : i32
    %mul3A_5 = arith.muli %arg1, %select_n3A : i32
    %add3A = arith.addi %mul3A_4, %mul3A_5 : i32
    %scan3A = arith.constant 0 : i32
    %scan3A_6 = arith.constant 0 : i32
    %scan3A_7 = arith.constant 128 : i32
    %scan3A_8 = arith.addi %scan3A_6, %scan3A_7 : i32
    %scan3A_9 = arith.constant 1 : i32
    scf.for %scan3A_71 = %scan3A_6 to %scan3A_8 step %scan3A_9  : i32 {
      %broadcast_in_dim3A = arith.constant 0.000000e+00 : f32
      %broadcast_in_dim3A_72 = vector.broadcast %broadcast_in_dim3A : f32 to vector<16xf32>
      %swap3A = arith.index_cast %scan3A_71 : i32 to index
      %swap3A_73 = arith.constant 0 : index
      %swap3A_74 = tpu.vector_load %arg8[%swap3A, %swap3A_73] {strides = array<i32>} : memref<128x128xf32, #tpu.memory_space<vmem>>, vector<1x16xf32>,
      %swap3A_75 = vector.shape_cast %swap3A_74 : vector<1x16xf32> to vector<16xf32>
      %swap3A_76 = vector.shape_cast %broadcast_in_dim3A_72 : vector<16xf32> to vector<1x16xf32>
      tpu.vector_store %arg8[%swap3A, %swap3A_73], %swap3A_76 {strides = array<i32>} : memref<128x128xf32, #tpu.memory_space<vmem>>, vector<1x16xf32>,
      %broadcast_in_dim3A_77 = arith.constant 0.000000e+00 : f32
      %broadcast_in_dim3A_78 = vector.broadcast %broadcast_in_dim3A_77 : f32 to vector<16xf32>
      %swap3A_79 = arith.index_cast %scan3A_71 : i32 to index
      %swap3A_80 = arith.constant 16 : index
      %swap3A_81 = tpu.vector_load %arg8[%swap3A_79, %swap3A_80] {strides = array<i32>} : memref<128x128xf32, #tpu.memory_space<vmem>>, vector<1x16xf32>,
      %swap3A_82 = vector.shape_cast %swap3A_81 : vector<1x16xf32> to vector<16xf32>
      %swap3A_83 = vector.shape_cast %broadcast_in_dim3A_78 : vector<16xf32> to vector<1x16xf32>
      tpu.vector_store %arg8[%swap3A_79, %swap3A_80], %swap3A_83 {strides = array<i32>} : memref<128x128xf32, #tpu.memory_space<vmem>>, vector<1x16xf32>,
      %broadcast_in_dim3A_84 = arith.constant 0.000000e+00 : f32
      %broadcast_in_dim3A_85 = vector.broadcast %broadcast_in_dim3A_84 : f32 to vector<16xf32>
      %swap3A_86 = arith.index_cast %scan3A_71 : i32 to index
      %swap3A_87 = arith.constant 32 : index
      %swap3A_88 = tpu.vector_load %arg8[%swap3A_86, %swap3A_87] {strides = array<i32>} : memref<128x128xf32, #tpu.memory_space<vmem>>, vector<1x16xf32>,
      %swap3A_89 = vector.shape_cast %swap3A_88 : vector<1x16xf32> to vector<16xf32>
      %swap3A_90 = vector.shape_cast %broadcast_in_dim3A_85 : vector<16xf32> to vector<1x16xf32>
      tpu.vector_store %arg8[%swap3A_86, %swap3A_87], %swap3A_90 {strides = array<i32>} : memref<128x128xf32, #tpu.memory_space<vmem>>, vector<1x16xf32>,
      %broadcast_in_dim3A_91 = arith.constant 0.000000e+00 : f32
      %broadcast_in_dim3A_92 = vector.broadcast %broadcast_in_dim3A_91 : f32 to vector<16xf32>
      %swap3A_93 = arith.index_cast %scan3A_71 : i32 to index
      %swap3A_94 = arith.constant 48 : index
      %swap3A_95 = tpu.vector_load %arg8[%swap3A_93, %swap3A_94] {strides = array<i32>} : memref<128x128xf32, #tpu.memory_space<vmem>>, vector<1x16xf32>,
      %swap3A_96 = vector.shape_cast %swap3A_95 : vector<1x16xf32> to vector<16xf32>
      %swap3A_97 = vector.shape_cast %broadcast_in_dim3A_92 : vector<16xf32> to vector<1x16xf32>
      tpu.vector_store %arg8[%swap3A_93, %swap3A_94], %swap3A_97 {strides = array<i32>} : memref<128x128xf32, #tpu.memory_space<vmem>>, vector<1x16xf32>,
      %broadcast_in_dim3A_98 = arith.constant 0.000000e+00 : f32
      %broadcast_in_dim3A_99 = vector.broadcast %broadcast_in_dim3A_98 : f32 to vector<16xf32>
      %swap3A_100 = arith.index_cast %scan3A_71 : i32 to index
      %swap3A_101 = arith.constant 64 : index
      %swap3A_102 = tpu.vector_load %arg8[%swap3A_100, %swap3A_101] {strides = array<i32>} : memref<128x128xf32, #tpu.memory_space<vmem>>, vector<1x16xf32>,
      %swap3A_103 = vector.shape_cast %swap3A_102 : vector<1x16xf32> to vector<16xf32>
      %swap3A_104 = vector.shape_cast %broadcast_in_dim3A_99 : vector<16xf32> to vector<1x16xf32>
      tpu.vector_store %arg8[%swap3A_100, %swap3A_101], %swap3A_104 {strides = array<i32>} : memref<128x128xf32, #tpu.memory_space<vmem>>, vector<1x16xf32>,
      %broadcast_in_dim3A_105 = arith.constant 0.000000e+00 : f32
      %broadcast_in_dim3A_106 = vector.broadcast %broadcast_in_dim3A_105 : f32 to vector<16xf32>
      %swap3A_107 = arith.index_cast %scan3A_71 : i32 to index
      %swap3A_108 = arith.constant 80 : index
      %swap3A_109 = tpu.vector_load %arg8[%swap3A_107, %swap3A_108] {strides = array<i32>} : memref<128x128xf32, #tpu.memory_space<vmem>>, vector<1x16xf32>,
      %swap3A_110 = vector.shape_cast %swap3A_109 : vector<1x16xf32> to vector<16xf32>
      %swap3A_111 = vector.shape_cast %broadcast_in_dim3A_106 : vector<16xf32> to vector<1x16xf32>
      tpu.vector_store %arg8[%swap3A_107, %swap3A_108], %swap3A_111 {strides = array<i32>} : memref<128x128xf32, #tpu.memory_space<vmem>>, vector<1x16xf32>,
      %broadcast_in_dim3A_112 = arith.constant 0.000000e+00 : f32
      %broadcast_in_dim3A_113 = vector.broadcast %broadcast_in_dim3A_112 : f32 to vector<16xf32>
      %swap3A_114 = arith.index_cast %scan3A_71 : i32 to index
      %swap3A_115 = arith.constant 96 : index
      %swap3A_116 = tpu.vector_load %arg8[%swap3A_114, %swap3A_115] {strides = array<i32>} : memref<128x128xf32, #tpu.memory_space<vmem>>, vector<1x16xf32>,
      %swap3A_117 = vector.shape_cast %swap3A_116 : vector<1x16xf32> to vector<16xf32>
      %swap3A_118 = vector.shape_cast %broadcast_in_dim3A_113 : vector<16xf32> to vector<1x16xf32>
      tpu.vector_store %arg8[%swap3A_114, %swap3A_115], %swap3A_118 {strides = array<i32>} : memref<128x128xf32, #tpu.memory_space<vmem>>, vector<1x16xf32>,
      %broadcast_in_dim3A_119 = arith.constant 0.000000e+00 : f32
      %broadcast_in_dim3A_120 = vector.broadcast %broadcast_in_dim3A_119 : f32 to vector<16xf32>
      %swap3A_121 = arith.index_cast %scan3A_71 : i32 to index
      %swap3A_122 = arith.constant 112 : index
      %swap3A_123 = tpu.vector_load %arg8[%swap3A_121, %swap3A_122] {strides = array<i32>} : memref<128x128xf32, #tpu.memory_space<vmem>>, vector<1x16xf32>,
      %swap3A_124 = vector.shape_cast %swap3A_123 : vector<1x16xf32> to vector<16xf32>
      %swap3A_125 = vector.shape_cast %broadcast_in_dim3A_120 : vector<16xf32> to vector<1x16xf32>
      tpu.vector_store %arg8[%swap3A_121, %swap3A_122], %swap3A_125 {strides = array<i32>} : memref<128x128xf32, #tpu.memory_space<vmem>>, vector<1x16xf32>,
    }
    %scan3A_10 = arith.constant 128 : i32
    %mul3A_11 = arith.constant 640 : i32
    %mul3A_12 = arith.muli %arg1, %mul3A_11 : i32
    %add3A_13 = arith.constant 0 : i32
    %add3A_14 = arith.addi %mul3A_12, %add3A_13 : i32
    "tpu.region"() ({
      %run_scoped3A = tpu.sem_alloc : memref<!tpu.dma_semaphore, #tpu.memory_space<semaphore_mem>>
      %dma_start3A = arith.constant 0 : i32
      %dma_start3A_71 = tpu.memref_slice %arg10[%add3A_14, %dma_start3A] : memref<10240x128xf32, #tpu.memory_space<vmem_shared>> -> memref<128x128xf32, #tpu.memory_space<vmem_shared>>
      %dma_start3A_72 = arith.constant 0 : i32
      %dma_start3A_73 = tpu.memref_slice %arg10[%add3A_14, %dma_start3A_72] : memref<10240x128xf32, #tpu.memory_space<vmem_shared>> -> memref<128x128xf32, #tpu.memory_space<vmem_shared>>
      tpu.enqueue_dma source(%arg8 : memref<128x128xf32, #tpu.memory_space<vmem>>) target(%dma_start3A_73 : memref<128x128xf32, #tpu.memory_space<vmem_shared>>) target_semaphore(%run_scoped3A : memref<!tpu.dma_semaphore, #tpu.memory_space<semaphore_mem>>)
      %dma_wait3A = arith.constant 0 : i32
      %dma_wait3A_74 = tpu.memref_slice %arg10[%add3A_14, %dma_wait3A] : memref<10240x128xf32, #tpu.memory_space<vmem_shared>> -> memref<128x128xf32, #tpu.memory_space<vmem_shared>>
      %dma_wait3A_75 = arith.constant 0 : i32
      %dma_wait3A_76 = tpu.memref_slice %arg10[%add3A_14, %dma_wait3A_75] : memref<10240x128xf32, #tpu.memory_space<vmem_shared>> -> memref<128x128xf32, #tpu.memory_space<vmem_shared>>
      tpu.wait_dma2 semaphore(%run_scoped3A : memref<!tpu.dma_semaphore, #tpu.memory_space<semaphore_mem>>) src(%arg8 : memref<128x128xf32, #tpu.memory_space<vmem>>) dst(%dma_wait3A_76 : memref<128x128xf32, #tpu.memory_space<vmem_shared>>)
      tpu.yield
    }) : () -> ()
    %add3A_15 = arith.constant 128 : i32
    %add3A_16 = arith.addi %mul3A_12, %add3A_15 : i32
    "tpu.region"() ({
      %run_scoped3A = tpu.sem_alloc : memref<!tpu.dma_semaphore, #tpu.memory_space<semaphore_mem>>
      %dma_start3A = arith.constant 0 : i32
      %dma_start3A_71 = tpu.memref_slice %arg10[%add3A_16, %dma_start3A] : memref<10240x128xf32, #tpu.memory_space<vmem_shared>> -> memref<128x128xf32, #tpu.memory_space<vmem_shared>>
      %dma_start3A_72 = arith.constant 0 : i32
      %dma_start3A_73 = tpu.memref_slice %arg10[%add3A_16, %dma_start3A_72] : memref<10240x128xf32, #tpu.memory_space<vmem_shared>> -> memref<128x128xf32, #tpu.memory_space<vmem_shared>>
      tpu.enqueue_dma source(%arg8 : memref<128x128xf32, #tpu.memory_space<vmem>>) target(%dma_start3A_73 : memref<128x128xf32, #tpu.memory_space<vmem_shared>>) target_semaphore(%run_scoped3A : memref<!tpu.dma_semaphore, #tpu.memory_space<semaphore_mem>>)
      %dma_wait3A = arith.constant 0 : i32
      %dma_wait3A_74 = tpu.memref_slice %arg10[%add3A_16, %dma_wait3A] : memref<10240x128xf32, #tpu.memory_space<vmem_shared>> -> memref<128x128xf32, #tpu.memory_space<vmem_shared>>
      %dma_wait3A_75 = arith.constant 0 : i32
      %dma_wait3A_76 = tpu.memref_slice %arg10[%add3A_16, %dma_wait3A_75] : memref<10240x128xf32, #tpu.memory_space<vmem_shared>> -> memref<128x128xf32, #tpu.memory_space<vmem_shared>>
      tpu.wait_dma2 semaphore(%run_scoped3A : memref<!tpu.dma_semaphore, #tpu.memory_space<semaphore_mem>>) src(%arg8 : memref<128x128xf32, #tpu.memory_space<vmem>>) dst(%dma_wait3A_76 : memref<128x128xf32, #tpu.memory_space<vmem_shared>>)
      tpu.yield
    }) : () -> ()
    %add3A_17 = arith.constant 256 : i32
    %add3A_18 = arith.addi %mul3A_12, %add3A_17 : i32
    "tpu.region"() ({
      %run_scoped3A = tpu.sem_alloc : memref<!tpu.dma_semaphore, #tpu.memory_space<semaphore_mem>>
      %dma_start3A = arith.constant 0 : i32
      %dma_start3A_71 = tpu.memref_slice %arg10[%add3A_18, %dma_start3A] : memref<10240x128xf32, #tpu.memory_space<vmem_shared>> -> memref<128x128xf32, #tpu.memory_space<vmem_shared>>
      %dma_start3A_72 = arith.constant 0 : i32
      %dma_start3A_73 = tpu.memref_slice %arg10[%add3A_18, %dma_start3A_72] : memref<10240x128xf32, #tpu.memory_space<vmem_shared>> -> memref<128x128xf32, #tpu.memory_space<vmem_shared>>
      tpu.enqueue_dma source(%arg8 : memref<128x128xf32, #tpu.memory_space<vmem>>) target(%dma_start3A_73 : memref<128x128xf32, #tpu.memory_space<vmem_shared>>) target_semaphore(%run_scoped3A : memref<!tpu.dma_semaphore, #tpu.memory_space<semaphore_mem>>)
      %dma_wait3A = arith.constant 0 : i32
      %dma_wait3A_74 = tpu.memref_slice %arg10[%add3A_18, %dma_wait3A] : memref<10240x128xf32, #tpu.memory_space<vmem_shared>> -> memref<128x128xf32, #tpu.memory_space<vmem_shared>>
      %dma_wait3A_75 = arith.constant 0 : i32
      %dma_wait3A_76 = tpu.memref_slice %arg10[%add3A_18, %dma_wait3A_75] : memref<10240x128xf32, #tpu.memory_space<vmem_shared>> -> memref<128x128xf32, #tpu.memory_space<vmem_shared>>
      tpu.wait_dma2 semaphore(%run_scoped3A : memref<!tpu.dma_semaphore, #tpu.memory_space<semaphore_mem>>) src(%arg8 : memref<128x128xf32, #tpu.memory_space<vmem>>) dst(%dma_wait3A_76 : memref<128x128xf32, #tpu.memory_space<vmem_shared>>)
      tpu.yield
    }) : () -> ()
    %add3A_19 = arith.constant 384 : i32
    %add3A_20 = arith.addi %mul3A_12, %add3A_19 : i32
    "tpu.region"() ({
      %run_scoped3A = tpu.sem_alloc : memref<!tpu.dma_semaphore, #tpu.memory_space<semaphore_mem>>
      %dma_start3A = arith.constant 0 : i32
      %dma_start3A_71 = tpu.memref_slice %arg10[%add3A_20, %dma_start3A] : memref<10240x128xf32, #tpu.memory_space<vmem_shared>> -> memref<128x128xf32, #tpu.memory_space<vmem_shared>>
      %dma_start3A_72 = arith.constant 0 : i32
      %dma_start3A_73 = tpu.memref_slice %arg10[%add3A_20, %dma_start3A_72] : memref<10240x128xf32, #tpu.memory_space<vmem_shared>> -> memref<128x128xf32, #tpu.memory_space<vmem_shared>>
      tpu.enqueue_dma source(%arg8 : memref<128x128xf32, #tpu.memory_space<vmem>>) target(%dma_start3A_73 : memref<128x128xf32, #tpu.memory_space<vmem_shared>>) target_semaphore(%run_scoped3A : memref<!tpu.dma_semaphore, #tpu.memory_space<semaphore_mem>>)
      %dma_wait3A = arith.constant 0 : i32
      %dma_wait3A_74 = tpu.memref_slice %arg10[%add3A_20, %dma_wait3A] : memref<10240x128xf32, #tpu.memory_space<vmem_shared>> -> memref<128x128xf32, #tpu.memory_space<vmem_shared>>
      %dma_wait3A_75 = arith.constant 0 : i32
      %dma_wait3A_76 = tpu.memref_slice %arg10[%add3A_20, %dma_wait3A_75] : memref<10240x128xf32, #tpu.memory_space<vmem_shared>> -> memref<128x128xf32, #tpu.memory_space<vmem_shared>>
      tpu.wait_dma2 semaphore(%run_scoped3A : memref<!tpu.dma_semaphore, #tpu.memory_space<semaphore_mem>>) src(%arg8 : memref<128x128xf32, #tpu.memory_space<vmem>>) dst(%dma_wait3A_76 : memref<128x128xf32, #tpu.memory_space<vmem_shared>>)
      tpu.yield
    }) : () -> ()
    %add3A_21 = arith.constant 512 : i32
    %add3A_22 = arith.addi %mul3A_12, %add3A_21 : i32
    "tpu.region"() ({
      %run_scoped3A = tpu.sem_alloc : memref<!tpu.dma_semaphore, #tpu.memory_space<semaphore_mem>>
      %dma_start3A = arith.constant 0 : i32
      %dma_start3A_71 = tpu.memref_slice %arg10[%add3A_22, %dma_start3A] : memref<10240x128xf32, #tpu.memory_space<vmem_shared>> -> memref<128x128xf32, #tpu.memory_space<vmem_shared>>
      %dma_start3A_72 = arith.constant 0 : i32
      %dma_start3A_73 = tpu.memref_slice %arg10[%add3A_22, %dma_start3A_72] : memref<10240x128xf32, #tpu.memory_space<vmem_shared>> -> memref<128x128xf32, #tpu.memory_space<vmem_shared>>
      tpu.enqueue_dma source(%arg8 : memref<128x128xf32, #tpu.memory_space<vmem>>) target(%dma_start3A_73 : memref<128x128xf32, #tpu.memory_space<vmem_shared>>) target_semaphore(%run_scoped3A : memref<!tpu.dma_semaphore, #tpu.memory_space<semaphore_mem>>)
      %dma_wait3A = arith.constant 0 : i32
      %dma_wait3A_74 = tpu.memref_slice %arg10[%add3A_22, %dma_wait3A] : memref<10240x128xf32, #tpu.memory_space<vmem_shared>> -> memref<128x128xf32, #tpu.memory_space<vmem_shared>>
      %dma_wait3A_75 = arith.constant 0 : i32
      %dma_wait3A_76 = tpu.memref_slice %arg10[%add3A_22, %dma_wait3A_75] : memref<10240x128xf32, #tpu.memory_space<vmem_shared>> -> memref<128x128xf32, #tpu.memory_space<vmem_shared>>
      tpu.wait_dma2 semaphore(%run_scoped3A : memref<!tpu.dma_semaphore, #tpu.memory_space<semaphore_mem>>) src(%arg8 : memref<128x128xf32, #tpu.memory_space<vmem>>) dst(%dma_wait3A_76 : memref<128x128xf32, #tpu.memory_space<vmem_shared>>)
      tpu.yield
    }) : () -> ()
    %barrier3A = arith.constant 0 : index
    tpu.barrier barrier_id(%barrier3A)
    %jit3A_23 = arith.constant 8 : i32
    %div3A = arith.divsi %select_n3A, %jit3A_23 : i32
    %sign3A = arith.constant 0 : i32
    %sign3A_24 = arith.cmpi sgt, %select_n3A, %sign3A : i32
    %sign3A_25 = arith.extui %sign3A_24 : i1 to i32
    %sign3A_26 = arith.constant 0 : i32
    %sign3A_27 = arith.cmpi slt, %select_n3A, %sign3A_26 : i32
    %sign3A_28 = arith.extui %sign3A_27 : i1 to i32
    %sign3A_29 = arith.subi %sign3A_25, %sign3A_28 : i32
    %sign3A_30 = arith.constant 0 : i32
    %sign3A_31 = arith.cmpi sgt, %jit3A_23, %sign3A_30 : i32
    %sign3A_32 = arith.extui %sign3A_31 : i1 to i32
    %sign3A_33 = arith.constant 0 : i32
    %sign3A_34 = arith.cmpi slt, %jit3A_23, %sign3A_33 : i32
    %sign3A_35 = arith.extui %sign3A_34 : i1 to i32
    %sign3A_36 = arith.subi %sign3A_32, %sign3A_35 : i32
    %ne3A = arith.cmpi ne, %sign3A_29, %sign3A_36 : i32
    %rem3A = arith.remsi %select_n3A, %jit3A_23 : i32
    %ne3A_37 = arith.constant 0 : i32
    %ne3A_38 = arith.cmpi ne, %rem3A, %ne3A_37 : i32
    %and3A = arith.andi %ne3A, %ne3A_38 : i1
    %sub3A = arith.constant 1 : i32
    %sub3A_39 = arith.subi %div3A, %sub3A : i32
    %select_n3A_40 = arith.select %and3A, %sub3A_39, %div3A : i32
    %while3A = arith.constant 0 : i32
    %while3A_41 = arith.constant 0 : i32
    %while3A_42 = arith.subi %select_n3A_40, %while3A_41 : i32
    %while3A_43 = arith.addi %while3A_41, %while3A_42 : i32
    %while3A_44 = arith.constant 1 : i32
    %while3A_45 = arith.divsi %while3A_42, %while3A_44 : i32
    %while3A_46 = arith.muli %while3A_45, %while3A_44 : i32
    %while3A_47 = arith.addi %while3A_41, %while3A_46 : i32
    %while3A_48 = arith.constant 1 : i32
    scf.for %while3A_71 = %while3A_41 to %while3A_47 step %while3A_48  : i32 {
      %mul3A_72 = arith.constant 8 : i32
      %mul3A_73 = arith.muli %while3A_71, %mul3A_72 : i32
      %add3A_74 = arith.addi %add3A, %mul3A_73 : i32
      "tpu.region"() ({
        %run_scoped3A = tpu.sem_alloc : memref<!tpu.dma_semaphore, #tpu.memory_space<semaphore_mem>>
        %dma_start3A_87 = arith.constant 0 : i32
        %dma_start3A_88 = tpu.memref_slice %arg3[%add3A_74, %dma_start3A_87] : memref<2560x128xi32, #tpu.memory_space<hbm>> -> memref<8x128xi32, #tpu.memory_space<hbm>>
        %dma_start3A_89 = arith.constant 0 : i32
        %dma_start3A_90 = tpu.memref_slice %arg3[%add3A_74, %dma_start3A_89] : memref<2560x128xi32, #tpu.memory_space<hbm>> -> memref<8x128xi32, #tpu.memory_space<hbm>>
        tpu.enqueue_dma source(%dma_start3A_90 : memref<8x128xi32, #tpu.memory_space<hbm>>) target(%arg6 : memref<8x128xi32, #tpu.memory_space<vmem>>) target_semaphore(%run_scoped3A : memref<!tpu.dma_semaphore, #tpu.memory_space<semaphore_mem>>)
        %dma_wait3A = arith.constant 0 : i32
        %dma_wait3A_91 = tpu.memref_slice %arg3[%add3A_74, %dma_wait3A] : memref<2560x128xi32, #tpu.memory_space<hbm>> -> memref<8x128xi32, #tpu.memory_space<hbm>>
        %dma_wait3A_92 = arith.constant 0 : i32
        %dma_wait3A_93 = tpu.memref_slice %arg3[%add3A_74, %dma_wait3A_92] : memref<2560x128xi32, #tpu.memory_space<hbm>> -> memref<8x128xi32, #tpu.memory_space<hbm>>
        tpu.wait_dma2 semaphore(%run_scoped3A : memref<!tpu.dma_semaphore, #tpu.memory_space<semaphore_mem>>) src(%dma_wait3A_93 : memref<8x128xi32, #tpu.memory_space<hbm>>) dst(%arg6 : memref<8x128xi32, #tpu.memory_space<vmem>>)
        tpu.yield
      }) : () -> ()
      "tpu.region"() ({
        %run_scoped3A = tpu.sem_alloc : memref<!tpu.dma_semaphore, #tpu.memory_space<semaphore_mem>>
        %dma_start3A_87 = arith.constant 0 : i32
        %dma_start3A_88 = tpu.memref_slice %arg4[%add3A_74, %dma_start3A_87] : memref<2560x128xi32, #tpu.memory_space<hbm>> -> memref<8x128xi32, #tpu.memory_space<hbm>>
        %dma_start3A_89 = arith.constant 0 : i32
        %dma_start3A_90 = tpu.memref_slice %arg4[%add3A_74, %dma_start3A_89] : memref<2560x128xi32, #tpu.memory_space<hbm>> -> memref<8x128xi32, #tpu.memory_space<hbm>>
        tpu.enqueue_dma source(%dma_start3A_90 : memref<8x128xi32, #tpu.memory_space<hbm>>) target(%arg7 : memref<8x128xi32, #tpu.memory_space<vmem>>) target_semaphore(%run_scoped3A : memref<!tpu.dma_semaphore, #tpu.memory_space<semaphore_mem>>)
        %dma_wait3A = arith.constant 0 : i32
        %dma_wait3A_91 = tpu.memref_slice %arg4[%add3A_74, %dma_wait3A] : memref<2560x128xi32, #tpu.memory_space<hbm>> -> memref<8x128xi32, #tpu.memory_space<hbm>>
        %dma_wait3A_92 = arith.constant 0 : i32
        %dma_wait3A_93 = tpu.memref_slice %arg4[%add3A_74, %dma_wait3A_92] : memref<2560x128xi32, #tpu.memory_space<hbm>> -> memref<8x128xi32, #tpu.memory_space<hbm>>
        tpu.wait_dma2 semaphore(%run_scoped3A : memref<!tpu.dma_semaphore, #tpu.memory_space<semaphore_mem>>) src(%dma_wait3A_93 : memref<8x128xi32, #tpu.memory_space<hbm>>) dst(%arg7 : memref<8x128xi32, #tpu.memory_space<vmem>>)
        tpu.yield
      }) : () -> ()
      %dma_start3A = arith.constant 0 : i32
      %dma_start3A_75 = arith.constant 0 : i32
      %dma_start3A_76 = tpu.memref_slice %arg6[%dma_start3A, %dma_start3A_75] : memref<8x128xi32, #tpu.memory_space<vmem>> -> memref<1x128xi32, #tpu.memory_space<vmem>>
      %dma_start3A_77 = tpu.memref_squeeze %dma_start3A_76 : memref<1x128xi32, #tpu.memory_space<vmem>> -> memref<128xi32, #tpu.memory_space<vmem>>
      %dma_start3A_78 = arith.constant 0 : i32
      %dma_start3A_79 = arith.constant 0 : i32
      %dma_start3A_80 = tpu.memref_slice %arg2[%dma_start3A_78, %dma_start3A_79] : memref<10240x128xf32, #tpu.memory_space<hbm>> -> memref<10240x128xf32, #tpu.memory_space<hbm>>
      tpu.enqueue_indirect_dma source(%dma_start3A_80 : memref<10240x128xf32, #tpu.memory_space<hbm>>) target(%arg8 : memref<128x128xf32, #tpu.memory_space<vmem>>) offsets(%dma_start3A_77 : memref<128xi32, #tpu.memory_space<vmem>>) semaphore(%arg11 : memref<!tpu.dma_semaphore, #tpu.memory_space<semaphore_mem>>)
      %scan3A_81 = arith.constant 0 : i32
      %scan3A_82 = arith.constant 0 : i32
      %scan3A_83 = arith.constant 4 : i32
      %scan3A_84 = arith.addi %scan3A_82, %scan3A_83 : i32
      %scan3A_85 = arith.constant 1 : i32
      scf.for %scan3A_87 = %scan3A_82 to %scan3A_84 step %scan3A_85  : i32 {
        %mul3A_88 = arith.constant 2 : i32
        %mul3A_89 = arith.muli %scan3A_87, %mul3A_88 : i32
        %dma_wait3A = arith.constant 0 : i32
        %dma_wait3A_90 = tpu.memref_slice %arg6[%mul3A_89, %dma_wait3A] : memref<8x128xi32, #tpu.memory_space<vmem>> -> memref<1x128xi32, #tpu.memory_space<vmem>>
        %dma_wait3A_91 = tpu.memref_squeeze %dma_wait3A_90 : memref<1x128xi32, #tpu.memory_space<vmem>> -> memref<128xi32, #tpu.memory_space<vmem>>
        %dma_wait3A_92 = arith.constant 0 : i32
        %dma_wait3A_93 = arith.constant 0 : i32
        %dma_wait3A_94 = tpu.memref_slice %arg2[%dma_wait3A_92, %dma_wait3A_93] : memref<10240x128xf32, #tpu.memory_space<hbm>> -> memref<10240x128xf32, #tpu.memory_space<hbm>>
        tpu.wait_indirect_dma semaphore(%arg11 : memref<!tpu.dma_semaphore, #tpu.memory_space<semaphore_mem>>) src(%dma_wait3A_94 : memref<10240x128xf32, #tpu.memory_space<hbm>>) dst(%arg8 : memref<128x128xf32, #tpu.memory_space<vmem>>)
        %add3A_95 = arith.constant 1 : i32
        %add3A_96 = arith.addi %mul3A_89, %add3A_95 : i32
        %dma_start3A_97 = arith.constant 0 : i32
        %dma_start3A_98 = tpu.memref_slice %arg6[%add3A_96, %dma_start3A_97] : memref<8x128xi32, #tpu.memory_space<vmem>> -> memref<1x128xi32, #tpu.memory_space<vmem>>
        %dma_start3A_99 = tpu.memref_squeeze %dma_start3A_98 : memref<1x128xi32, #tpu.memory_space<vmem>> -> memref<128xi32, #tpu.memory_space<vmem>>
        %dma_start3A_100 = arith.constant 0 : i32
        %dma_start3A_101 = arith.constant 0 : i32
        %dma_start3A_102 = tpu.memref_slice %arg2[%dma_start3A_100, %dma_start3A_101] : memref<10240x128xf32, #tpu.memory_space<hbm>> -> memref<10240x128xf32, #tpu.memory_space<hbm>>
        tpu.enqueue_indirect_dma source(%dma_start3A_102 : memref<10240x128xf32, #tpu.memory_space<hbm>>) target(%arg9 : memref<128x128xf32, #tpu.memory_space<vmem>>) offsets(%dma_start3A_99 : memref<128xi32, #tpu.memory_space<vmem>>) semaphore(%arg12 : memref<!tpu.dma_semaphore, #tpu.memory_space<semaphore_mem>>)
        "tpu.region"() ({
          %run_scoped3A = tpu.sem_alloc : memref<!tpu.dma_semaphore, #tpu.memory_space<semaphore_mem>>
          %dma_start3A_117 = arith.constant 0 : i32
          %dma_start3A_118 = tpu.memref_slice %arg7[%mul3A_89, %dma_start3A_117] : memref<8x128xi32, #tpu.memory_space<vmem>> -> memref<1x128xi32, #tpu.memory_space<vmem>>
          %dma_start3A_119 = tpu.memref_squeeze %dma_start3A_118 : memref<1x128xi32, #tpu.memory_space<vmem>> -> memref<128xi32, #tpu.memory_space<vmem>>
          %dma_start3A_120 = arith.constant 0 : i32
          %dma_start3A_121 = arith.constant 0 : i32
          %dma_start3A_122 = tpu.memref_slice %arg10[%dma_start3A_120, %dma_start3A_121] : memref<10240x128xf32, #tpu.memory_space<vmem_shared>> -> memref<10240x128xf32, #tpu.memory_space<vmem_shared>>
          tpu.enqueue_indirect_dma source(%arg8 : memref<128x128xf32, #tpu.memory_space<vmem>>) target(%dma_start3A_122 : memref<10240x128xf32, #tpu.memory_space<vmem_shared>>) offsets(%dma_start3A_119 : memref<128xi32, #tpu.memory_space<vmem>>) semaphore(%run_scoped3A : memref<!tpu.dma_semaphore, #tpu.memory_space<semaphore_mem>>) {add = true}
          %dma_wait3A_123 = arith.constant 0 : i32
          %dma_wait3A_124 = tpu.memref_slice %arg7[%mul3A_89, %dma_wait3A_123] : memref<8x128xi32, #tpu.memory_space<vmem>> -> memref<1x128xi32, #tpu.memory_space<vmem>>
          %dma_wait3A_125 = tpu.memref_squeeze %dma_wait3A_124 : memref<1x128xi32, #tpu.memory_space<vmem>> -> memref<128xi32, #tpu.memory_space<vmem>>
          %dma_wait3A_126 = arith.constant 0 : i32
          %dma_wait3A_127 = arith.constant 0 : i32
          %dma_wait3A_128 = tpu.memref_slice %arg10[%dma_wait3A_126, %dma_wait3A_127] : memref<10240x128xf32, #tpu.memory_space<vmem_shared>> -> memref<10240x128xf32, #tpu.memory_space<vmem_shared>>
          tpu.wait_indirect_dma semaphore(%run_scoped3A : memref<!tpu.dma_semaphore, #tpu.memory_space<semaphore_mem>>) src(%arg8 : memref<128x128xf32, #tpu.memory_space<vmem>>) dst(%dma_wait3A_128 : memref<10240x128xf32, #tpu.memory_space<vmem_shared>>)
          tpu.yield
        }) : () -> ()
        %add3A_103 = arith.constant 1 : i32
        %add3A_104 = arith.addi %mul3A_89, %add3A_103 : i32
        %dma_wait3A_105 = arith.constant 0 : i32
        %dma_wait3A_106 = tpu.memref_slice %arg6[%add3A_104, %dma_wait3A_105] : memref<8x128xi32, #tpu.memory_space<vmem>> -> memref<1x128xi32, #tpu.memory_space<vmem>>
        %dma_wait3A_107 = tpu.memref_squeeze %dma_wait3A_106 : memref<1x128xi32, #tpu.memory_space<vmem>> -> memref<128xi32, #tpu.memory_space<vmem>>
        %dma_wait3A_108 = arith.constant 0 : i32
        %dma_wait3A_109 = arith.constant 0 : i32
        %dma_wait3A_110 = tpu.memref_slice %arg2[%dma_wait3A_108, %dma_wait3A_109] : memref<10240x128xf32, #tpu.memory_space<hbm>> -> memref<10240x128xf32, #tpu.memory_space<hbm>>
        tpu.wait_indirect_dma semaphore(%arg12 : memref<!tpu.dma_semaphore, #tpu.memory_space<semaphore_mem>>) src(%dma_wait3A_110 : memref<10240x128xf32, #tpu.memory_space<hbm>>) dst(%arg9 : memref<128x128xf32, #tpu.memory_space<vmem>>)
        %add3A_111 = arith.constant 2 : i32
        %add3A_112 = arith.addi %mul3A_89, %add3A_111 : i32
        %lt3A = arith.constant 8 : i32
        %lt3A_113 = arith.cmpi slt, %add3A_112, %lt3A : i32
        %convert_element_type3A = arith.extui %lt3A_113 : i1 to i32
        %cond3A = arith.constant 0 : i32
        %cond3A_114 = arith.cmpi ne, %convert_element_type3A, %cond3A : i32
        scf.if %cond3A_114 {
          %add3A_117 = arith.constant 2 : i32
          %add3A_118 = arith.addi %mul3A_89, %add3A_117 : i32
          %dma_start3A_119 = arith.constant 0 : i32
          %dma_start3A_120 = tpu.memref_slice %arg6[%add3A_118, %dma_start3A_119] : memref<8x128xi32, #tpu.memory_space<vmem>> -> memref<1x128xi32, #tpu.memory_space<vmem>>
          %dma_start3A_121 = tpu.memref_squeeze %dma_start3A_120 : memref<1x128xi32, #tpu.memory_space<vmem>> -> memref<128xi32, #tpu.memory_space<vmem>>
          %dma_start3A_122 = arith.constant 0 : i32
          %dma_start3A_123 = arith.constant 0 : i32
          %dma_start3A_124 = tpu.memref_slice %arg2[%dma_start3A_122, %dma_start3A_123] : memref<10240x128xf32, #tpu.memory_space<hbm>> -> memref<10240x128xf32, #tpu.memory_space<hbm>>
          tpu.enqueue_indirect_dma source(%dma_start3A_124 : memref<10240x128xf32, #tpu.memory_space<hbm>>) target(%arg8 : memref<128x128xf32, #tpu.memory_space<vmem>>) offsets(%dma_start3A_121 : memref<128xi32, #tpu.memory_space<vmem>>) semaphore(%arg11 : memref<!tpu.dma_semaphore, #tpu.memory_space<semaphore_mem>>)
        } else {
        }
        %add3A_115 = arith.constant 1 : i32
        %add3A_116 = arith.addi %mul3A_89, %add3A_115 : i32
        "tpu.region"() ({
          %run_scoped3A = tpu.sem_alloc : memref<!tpu.dma_semaphore, #tpu.memory_space<semaphore_mem>>
          %dma_start3A_117 = arith.constant 0 : i32
          %dma_start3A_118 = tpu.memref_slice %arg7[%add3A_116, %dma_start3A_117] : memref<8x128xi32, #tpu.memory_space<vmem>> -> memref<1x128xi32, #tpu.memory_space<vmem>>
          %dma_start3A_119 = tpu.memref_squeeze %dma_start3A_118 : memref<1x128xi32, #tpu.memory_space<vmem>> -> memref<128xi32, #tpu.memory_space<vmem>>
          %dma_start3A_120 = arith.constant 0 : i32
          %dma_start3A_121 = arith.constant 0 : i32
          %dma_start3A_122 = tpu.memref_slice %arg10[%dma_start3A_120, %dma_start3A_121] : memref<10240x128xf32, #tpu.memory_space<vmem_shared>> -> memref<10240x128xf32, #tpu.memory_space<vmem_shared>>
          tpu.enqueue_indirect_dma source(%arg9 : memref<128x128xf32, #tpu.memory_space<vmem>>) target(%dma_start3A_122 : memref<10240x128xf32, #tpu.memory_space<vmem_shared>>) offsets(%dma_start3A_119 : memref<128xi32, #tpu.memory_space<vmem>>) semaphore(%run_scoped3A : memref<!tpu.dma_semaphore, #tpu.memory_space<semaphore_mem>>) {add = true}
          %dma_wait3A_123 = arith.constant 0 : i32
          %dma_wait3A_124 = tpu.memref_slice %arg7[%add3A_116, %dma_wait3A_123] : memref<8x128xi32, #tpu.memory_space<vmem>> -> memref<1x128xi32, #tpu.memory_space<vmem>>
          %dma_wait3A_125 = tpu.memref_squeeze %dma_wait3A_124 : memref<1x128xi32, #tpu.memory_space<vmem>> -> memref<128xi32, #tpu.memory_space<vmem>>
          %dma_wait3A_126 = arith.constant 0 : i32
          %dma_wait3A_127 = arith.constant 0 : i32
          %dma_wait3A_128 = tpu.memref_slice %arg10[%dma_wait3A_126, %dma_wait3A_127] : memref<10240x128xf32, #tpu.memory_space<vmem_shared>> -> memref<10240x128xf32, #tpu.memory_space<vmem_shared>>
          tpu.wait_indirect_dma semaphore(%run_scoped3A : memref<!tpu.dma_semaphore, #tpu.memory_space<semaphore_mem>>) src(%arg9 : memref<128x128xf32, #tpu.memory_space<vmem>>) dst(%dma_wait3A_128 : memref<10240x128xf32, #tpu.memory_space<vmem_shared>>)
          tpu.yield
        }) : () -> ()
      }
      %scan3A_86 = arith.constant 4 : i32
    }
    %while3A_49 = arith.constant 1 : i32
    scf.for %while3A_71 = %while3A_47 to %while3A_43 step %while3A_49  : i32 {
      %mul3A_72 = arith.constant 8 : i32
      %mul3A_73 = arith.muli %while3A_71, %mul3A_72 : i32
      %add3A_74 = arith.addi %add3A, %mul3A_73 : i32
      "tpu.region"() ({
        %run_scoped3A = tpu.sem_alloc : memref<!tpu.dma_semaphore, #tpu.memory_space<semaphore_mem>>
        %dma_start3A_87 = arith.constant 0 : i32
        %dma_start3A_88 = tpu.memref_slice %arg3[%add3A_74, %dma_start3A_87] : memref<2560x128xi32, #tpu.memory_space<hbm>> -> memref<8x128xi32, #tpu.memory_space<hbm>>
        %dma_start3A_89 = arith.constant 0 : i32
        %dma_start3A_90 = tpu.memref_slice %arg3[%add3A_74, %dma_start3A_89] : memref<2560x128xi32, #tpu.memory_space<hbm>> -> memref<8x128xi32, #tpu.memory_space<hbm>>
        tpu.enqueue_dma source(%dma_start3A_90 : memref<8x128xi32, #tpu.memory_space<hbm>>) target(%arg6 : memref<8x128xi32, #tpu.memory_space<vmem>>) target_semaphore(%run_scoped3A : memref<!tpu.dma_semaphore, #tpu.memory_space<semaphore_mem>>)
        %dma_wait3A = arith.constant 0 : i32
        %dma_wait3A_91 = tpu.memref_slice %arg3[%add3A_74, %dma_wait3A] : memref<2560x128xi32, #tpu.memory_space<hbm>> -> memref<8x128xi32, #tpu.memory_space<hbm>>
        %dma_wait3A_92 = arith.constant 0 : i32
        %dma_wait3A_93 = tpu.memref_slice %arg3[%add3A_74, %dma_wait3A_92] : memref<2560x128xi32, #tpu.memory_space<hbm>> -> memref<8x128xi32, #tpu.memory_space<hbm>>
        tpu.wait_dma2 semaphore(%run_scoped3A : memref<!tpu.dma_semaphore, #tpu.memory_space<semaphore_mem>>) src(%dma_wait3A_93 : memref<8x128xi32, #tpu.memory_space<hbm>>) dst(%arg6 : memref<8x128xi32, #tpu.memory_space<vmem>>)
        tpu.yield
      }) : () -> ()
      "tpu.region"() ({
        %run_scoped3A = tpu.sem_alloc : memref<!tpu.dma_semaphore, #tpu.memory_space<semaphore_mem>>
        %dma_start3A_87 = arith.constant 0 : i32
        %dma_start3A_88 = tpu.memref_slice %arg4[%add3A_74, %dma_start3A_87] : memref<2560x128xi32, #tpu.memory_space<hbm>> -> memref<8x128xi32, #tpu.memory_space<hbm>>
        %dma_start3A_89 = arith.constant 0 : i32
        %dma_start3A_90 = tpu.memref_slice %arg4[%add3A_74, %dma_start3A_89] : memref<2560x128xi32, #tpu.memory_space<hbm>> -> memref<8x128xi32, #tpu.memory_space<hbm>>
        tpu.enqueue_dma source(%dma_start3A_90 : memref<8x128xi32, #tpu.memory_space<hbm>>) target(%arg7 : memref<8x128xi32, #tpu.memory_space<vmem>>) target_semaphore(%run_scoped3A : memref<!tpu.dma_semaphore, #tpu.memory_space<semaphore_mem>>)
        %dma_wait3A = arith.constant 0 : i32
        %dma_wait3A_91 = tpu.memref_slice %arg4[%add3A_74, %dma_wait3A] : memref<2560x128xi32, #tpu.memory_space<hbm>> -> memref<8x128xi32, #tpu.memory_space<hbm>>
        %dma_wait3A_92 = arith.constant 0 : i32
        %dma_wait3A_93 = tpu.memref_slice %arg4[%add3A_74, %dma_wait3A_92] : memref<2560x128xi32, #tpu.memory_space<hbm>> -> memref<8x128xi32, #tpu.memory_space<hbm>>
        tpu.wait_dma2 semaphore(%run_scoped3A : memref<!tpu.dma_semaphore, #tpu.memory_space<semaphore_mem>>) src(%dma_wait3A_93 : memref<8x128xi32, #tpu.memory_space<hbm>>) dst(%arg7 : memref<8x128xi32, #tpu.memory_space<vmem>>)
        tpu.yield
      }) : () -> ()
      %dma_start3A = arith.constant 0 : i32
      %dma_start3A_75 = arith.constant 0 : i32
      %dma_start3A_76 = tpu.memref_slice %arg6[%dma_start3A, %dma_start3A_75] : memref<8x128xi32, #tpu.memory_space<vmem>> -> memref<1x128xi32, #tpu.memory_space<vmem>>
      %dma_start3A_77 = tpu.memref_squeeze %dma_start3A_76 : memref<1x128xi32, #tpu.memory_space<vmem>> -> memref<128xi32, #tpu.memory_space<vmem>>
      %dma_start3A_78 = arith.constant 0 : i32
      %dma_start3A_79 = arith.constant 0 : i32
      %dma_start3A_80 = tpu.memref_slice %arg2[%dma_start3A_78, %dma_start3A_79] : memref<10240x128xf32, #tpu.memory_space<hbm>> -> memref<10240x128xf32, #tpu.memory_space<hbm>>
      tpu.enqueue_indirect_dma source(%dma_start3A_80 : memref<10240x128xf32, #tpu.memory_space<hbm>>) target(%arg8 : memref<128x128xf32, #tpu.memory_space<vmem>>) offsets(%dma_start3A_77 : memref<128xi32, #tpu.memory_space<vmem>>) semaphore(%arg11 : memref<!tpu.dma_semaphore, #tpu.memory_space<semaphore_mem>>)
      %scan3A_81 = arith.constant 0 : i32
      %scan3A_82 = arith.constant 0 : i32
      %scan3A_83 = arith.constant 4 : i32
      %scan3A_84 = arith.addi %scan3A_82, %scan3A_83 : i32
      %scan3A_85 = arith.constant 1 : i32
      scf.for %scan3A_87 = %scan3A_82 to %scan3A_84 step %scan3A_85  : i32 {
        %mul3A_88 = arith.constant 2 : i32
        %mul3A_89 = arith.muli %scan3A_87, %mul3A_88 : i32
        %dma_wait3A = arith.constant 0 : i32
        %dma_wait3A_90 = tpu.memref_slice %arg6[%mul3A_89, %dma_wait3A] : memref<8x128xi32, #tpu.memory_space<vmem>> -> memref<1x128xi32, #tpu.memory_space<vmem>>
        %dma_wait3A_91 = tpu.memref_squeeze %dma_wait3A_90 : memref<1x128xi32, #tpu.memory_space<vmem>> -> memref<128xi32, #tpu.memory_space<vmem>>
        %dma_wait3A_92 = arith.constant 0 : i32
        %dma_wait3A_93 = arith.constant 0 : i32
        %dma_wait3A_94 = tpu.memref_slice %arg2[%dma_wait3A_92, %dma_wait3A_93] : memref<10240x128xf32, #tpu.memory_space<hbm>> -> memref<10240x128xf32, #tpu.memory_space<hbm>>
        tpu.wait_indirect_dma semaphore(%arg11 : memref<!tpu.dma_semaphore, #tpu.memory_space<semaphore_mem>>) src(%dma_wait3A_94 : memref<10240x128xf32, #tpu.memory_space<hbm>>) dst(%arg8 : memref<128x128xf32, #tpu.memory_space<vmem>>)
        %add3A_95 = arith.constant 1 : i32
        %add3A_96 = arith.addi %mul3A_89, %add3A_95 : i32
        %dma_start3A_97 = arith.constant 0 : i32
        %dma_start3A_98 = tpu.memref_slice %arg6[%add3A_96, %dma_start3A_97] : memref<8x128xi32, #tpu.memory_space<vmem>> -> memref<1x128xi32, #tpu.memory_space<vmem>>
        %dma_start3A_99 = tpu.memref_squeeze %dma_start3A_98 : memref<1x128xi32, #tpu.memory_space<vmem>> -> memref<128xi32, #tpu.memory_space<vmem>>
        %dma_start3A_100 = arith.constant 0 : i32
        %dma_start3A_101 = arith.constant 0 : i32
        %dma_start3A_102 = tpu.memref_slice %arg2[%dma_start3A_100, %dma_start3A_101] : memref<10240x128xf32, #tpu.memory_space<hbm>> -> memref<10240x128xf32, #tpu.memory_space<hbm>>
        tpu.enqueue_indirect_dma source(%dma_start3A_102 : memref<10240x128xf32, #tpu.memory_space<hbm>>) target(%arg9 : memref<128x128xf32, #tpu.memory_space<vmem>>) offsets(%dma_start3A_99 : memref<128xi32, #tpu.memory_space<vmem>>) semaphore(%arg12 : memref<!tpu.dma_semaphore, #tpu.memory_space<semaphore_mem>>)
        "tpu.region"() ({
          %run_scoped3A = tpu.sem_alloc : memref<!tpu.dma_semaphore, #tpu.memory_space<semaphore_mem>>
          %dma_start3A_117 = arith.constant 0 : i32
          %dma_start3A_118 = tpu.memref_slice %arg7[%mul3A_89, %dma_start3A_117] : memref<8x128xi32, #tpu.memory_space<vmem>> -> memref<1x128xi32, #tpu.memory_space<vmem>>
          %dma_start3A_119 = tpu.memref_squeeze %dma_start3A_118 : memref<1x128xi32, #tpu.memory_space<vmem>> -> memref<128xi32, #tpu.memory_space<vmem>>
          %dma_start3A_120 = arith.constant 0 : i32
          %dma_start3A_121 = arith.constant 0 : i32
          %dma_start3A_122 = tpu.memref_slice %arg10[%dma_start3A_120, %dma_start3A_121] : memref<10240x128xf32, #tpu.memory_space<vmem_shared>> -> memref<10240x128xf32, #tpu.memory_space<vmem_shared>>
          tpu.enqueue_indirect_dma source(%arg8 : memref<128x128xf32, #tpu.memory_space<vmem>>) target(%dma_start3A_122 : memref<10240x128xf32, #tpu.memory_space<vmem_shared>>) offsets(%dma_start3A_119 : memref<128xi32, #tpu.memory_space<vmem>>) semaphore(%run_scoped3A : memref<!tpu.dma_semaphore, #tpu.memory_space<semaphore_mem>>) {add = true}
          %dma_wait3A_123 = arith.constant 0 : i32
          %dma_wait3A_124 = tpu.memref_slice %arg7[%mul3A_89, %dma_wait3A_123] : memref<8x128xi32, #tpu.memory_space<vmem>> -> memref<1x128xi32, #tpu.memory_space<vmem>>
          %dma_wait3A_125 = tpu.memref_squeeze %dma_wait3A_124 : memref<1x128xi32, #tpu.memory_space<vmem>> -> memref<128xi32, #tpu.memory_space<vmem>>
          %dma_wait3A_126 = arith.constant 0 : i32
          %dma_wait3A_127 = arith.constant 0 : i32
          %dma_wait3A_128 = tpu.memref_slice %arg10[%dma_wait3A_126, %dma_wait3A_127] : memref<10240x128xf32, #tpu.memory_space<vmem_shared>> -> memref<10240x128xf32, #tpu.memory_space<vmem_shared>>
          tpu.wait_indirect_dma semaphore(%run_scoped3A : memref<!tpu.dma_semaphore, #tpu.memory_space<semaphore_mem>>) src(%arg8 : memref<128x128xf32, #tpu.memory_space<vmem>>) dst(%dma_wait3A_128 : memref<10240x128xf32, #tpu.memory_space<vmem_shared>>)
          tpu.yield
        }) : () -> ()
        %add3A_103 = arith.constant 1 : i32
        %add3A_104 = arith.addi %mul3A_89, %add3A_103 : i32
        %dma_wait3A_105 = arith.constant 0 : i32
        %dma_wait3A_106 = tpu.memref_slice %arg6[%add3A_104, %dma_wait3A_105] : memref<8x128xi32, #tpu.memory_space<vmem>> -> memref<1x128xi32, #tpu.memory_space<vmem>>
        %dma_wait3A_107 = tpu.memref_squeeze %dma_wait3A_106 : memref<1x128xi32, #tpu.memory_space<vmem>> -> memref<128xi32, #tpu.memory_space<vmem>>
        %dma_wait3A_108 = arith.constant 0 : i32
        %dma_wait3A_109 = arith.constant 0 : i32
        %dma_wait3A_110 = tpu.memref_slice %arg2[%dma_wait3A_108, %dma_wait3A_109] : memref<10240x128xf32, #tpu.memory_space<hbm>> -> memref<10240x128xf32, #tpu.memory_space<hbm>>
        tpu.wait_indirect_dma semaphore(%arg12 : memref<!tpu.dma_semaphore, #tpu.memory_space<semaphore_mem>>) src(%dma_wait3A_110 : memref<10240x128xf32, #tpu.memory_space<hbm>>) dst(%arg9 : memref<128x128xf32, #tpu.memory_space<vmem>>)
        %add3A_111 = arith.constant 2 : i32
        %add3A_112 = arith.addi %mul3A_89, %add3A_111 : i32
        %lt3A = arith.constant 8 : i32
        %lt3A_113 = arith.cmpi slt, %add3A_112, %lt3A : i32
        %convert_element_type3A = arith.extui %lt3A_113 : i1 to i32
        %cond3A = arith.constant 0 : i32
        %cond3A_114 = arith.cmpi ne, %convert_element_type3A, %cond3A : i32
        scf.if %cond3A_114 {
          %add3A_117 = arith.constant 2 : i32
          %add3A_118 = arith.addi %mul3A_89, %add3A_117 : i32
          %dma_start3A_119 = arith.constant 0 : i32
          %dma_start3A_120 = tpu.memref_slice %arg6[%add3A_118, %dma_start3A_119] : memref<8x128xi32, #tpu.memory_space<vmem>> -> memref<1x128xi32, #tpu.memory_space<vmem>>
          %dma_start3A_121 = tpu.memref_squeeze %dma_start3A_120 : memref<1x128xi32, #tpu.memory_space<vmem>> -> memref<128xi32, #tpu.memory_space<vmem>>
          %dma_start3A_122 = arith.constant 0 : i32
          %dma_start3A_123 = arith.constant 0 : i32
          %dma_start3A_124 = tpu.memref_slice %arg2[%dma_start3A_122, %dma_start3A_123] : memref<10240x128xf32, #tpu.memory_space<hbm>> -> memref<10240x128xf32, #tpu.memory_space<hbm>>
          tpu.enqueue_indirect_dma source(%dma_start3A_124 : memref<10240x128xf32, #tpu.memory_space<hbm>>) target(%arg8 : memref<128x128xf32, #tpu.memory_space<vmem>>) offsets(%dma_start3A_121 : memref<128xi32, #tpu.memory_space<vmem>>) semaphore(%arg11 : memref<!tpu.dma_semaphore, #tpu.memory_space<semaphore_mem>>)
        } else {
        }
        %add3A_115 = arith.constant 1 : i32
        %add3A_116 = arith.addi %mul3A_89, %add3A_115 : i32
        "tpu.region"() ({
          %run_scoped3A = tpu.sem_alloc : memref<!tpu.dma_semaphore, #tpu.memory_space<semaphore_mem>>
          %dma_start3A_117 = arith.constant 0 : i32
          %dma_start3A_118 = tpu.memref_slice %arg7[%add3A_116, %dma_start3A_117] : memref<8x128xi32, #tpu.memory_space<vmem>> -> memref<1x128xi32, #tpu.memory_space<vmem>>
          %dma_start3A_119 = tpu.memref_squeeze %dma_start3A_118 : memref<1x128xi32, #tpu.memory_space<vmem>> -> memref<128xi32, #tpu.memory_space<vmem>>
          %dma_start3A_120 = arith.constant 0 : i32
          %dma_start3A_121 = arith.constant 0 : i32
          %dma_start3A_122 = tpu.memref_slice %arg10[%dma_start3A_120, %dma_start3A_121] : memref<10240x128xf32, #tpu.memory_space<vmem_shared>> -> memref<10240x128xf32, #tpu.memory_space<vmem_shared>>
          tpu.enqueue_indirect_dma source(%arg9 : memref<128x128xf32, #tpu.memory_space<vmem>>) target(%dma_start3A_122 : memref<10240x128xf32, #tpu.memory_space<vmem_shared>>) offsets(%dma_start3A_119 : memref<128xi32, #tpu.memory_space<vmem>>) semaphore(%run_scoped3A : memref<!tpu.dma_semaphore, #tpu.memory_space<semaphore_mem>>) {add = true}
          %dma_wait3A_123 = arith.constant 0 : i32
          %dma_wait3A_124 = tpu.memref_slice %arg7[%add3A_116, %dma_wait3A_123] : memref<8x128xi32, #tpu.memory_space<vmem>> -> memref<1x128xi32, #tpu.memory_space<vmem>>
          %dma_wait3A_125 = tpu.memref_squeeze %dma_wait3A_124 : memref<1x128xi32, #tpu.memory_space<vmem>> -> memref<128xi32, #tpu.memory_space<vmem>>
          %dma_wait3A_126 = arith.constant 0 : i32
          %dma_wait3A_127 = arith.constant 0 : i32
          %dma_wait3A_128 = tpu.memref_slice %arg10[%dma_wait3A_126, %dma_wait3A_127] : memref<10240x128xf32, #tpu.memory_space<vmem_shared>> -> memref<10240x128xf32, #tpu.memory_space<vmem_shared>>
          tpu.wait_indirect_dma semaphore(%run_scoped3A : memref<!tpu.dma_semaphore, #tpu.memory_space<semaphore_mem>>) src(%arg9 : memref<128x128xf32, #tpu.memory_space<vmem>>) dst(%dma_wait3A_128 : memref<10240x128xf32, #tpu.memory_space<vmem_shared>>)
          tpu.yield
        }) : () -> ()
      }
      %scan3A_86 = arith.constant 4 : i32
    }
    %barrier3A_50 = arith.constant 0 : index
    tpu.barrier barrier_id(%barrier3A_50)
    %add3A_51 = arith.constant 0 : i32
    %add3A_52 = arith.addi %mul3A_12, %add3A_51 : i32
    "tpu.region"() ({
      %run_scoped3A = tpu.sem_alloc : memref<!tpu.dma_semaphore, #tpu.memory_space<semaphore_mem>>
      %dma_start3A = arith.constant 0 : i32
      %dma_start3A_71 = tpu.memref_slice %arg10[%add3A_52, %dma_start3A] : memref<10240x128xf32, #tpu.memory_space<vmem_shared>> -> memref<128x128xf32, #tpu.memory_space<vmem_shared>>
      %dma_start3A_72 = arith.constant 0 : i32
      %dma_start3A_73 = tpu.memref_slice %arg10[%add3A_52, %dma_start3A_72] : memref<10240x128xf32, #tpu.memory_space<vmem_shared>> -> memref<128x128xf32, #tpu.memory_space<vmem_shared>>
      tpu.enqueue_dma source(%dma_start3A_73 : memref<128x128xf32, #tpu.memory_space<vmem_shared>>) target(%arg8 : memref<128x128xf32, #tpu.memory_space<vmem>>) target_semaphore(%run_scoped3A : memref<!tpu.dma_semaphore, #tpu.memory_space<semaphore_mem>>)
      %dma_wait3A = arith.constant 0 : i32
      %dma_wait3A_74 = tpu.memref_slice %arg10[%add3A_52, %dma_wait3A] : memref<10240x128xf32, #tpu.memory_space<vmem_shared>> -> memref<128x128xf32, #tpu.memory_space<vmem_shared>>
      %dma_wait3A_75 = arith.constant 0 : i32
      %dma_wait3A_76 = tpu.memref_slice %arg10[%add3A_52, %dma_wait3A_75] : memref<10240x128xf32, #tpu.memory_space<vmem_shared>> -> memref<128x128xf32, #tpu.memory_space<vmem_shared>>
      tpu.wait_dma2 semaphore(%run_scoped3A : memref<!tpu.dma_semaphore, #tpu.memory_space<semaphore_mem>>) src(%dma_wait3A_76 : memref<128x128xf32, #tpu.memory_space<vmem_shared>>) dst(%arg8 : memref<128x128xf32, #tpu.memory_space<vmem>>)
      tpu.yield
    }) : () -> ()
    %add3A_53 = arith.constant 0 : i32
    %add3A_54 = arith.addi %mul3A_12, %add3A_53 : i32
    "tpu.region"() ({
      %run_scoped3A = tpu.sem_alloc : memref<!tpu.dma_semaphore, #tpu.memory_space<semaphore_mem>>
      %dma_start3A = arith.constant 0 : i32
      %dma_start3A_71 = tpu.memref_slice %arg5[%arg0, %add3A_54, %dma_start3A] : memref<2x10240x128xf32, #tpu.memory_space<hbm>> -> memref<1x128x128xf32, #tpu.memory_space<hbm>>
      %dma_start3A_72 = tpu.memref_squeeze %dma_start3A_71 : memref<1x128x128xf32, #tpu.memory_space<hbm>> -> memref<128x128xf32, #tpu.memory_space<hbm>>
      %dma_start3A_73 = arith.constant 0 : i32
      %dma_start3A_74 = tpu.memref_slice %arg5[%arg0, %add3A_54, %dma_start3A_73] : memref<2x10240x128xf32, #tpu.memory_space<hbm>> -> memref<1x128x128xf32, #tpu.memory_space<hbm>>
      %dma_start3A_75 = tpu.memref_squeeze %dma_start3A_74 : memref<1x128x128xf32, #tpu.memory_space<hbm>> -> memref<128x128xf32, #tpu.memory_space<hbm>>
      tpu.enqueue_dma source(%arg8 : memref<128x128xf32, #tpu.memory_space<vmem>>) target(%dma_start3A_75 : memref<128x128xf32, #tpu.memory_space<hbm>>) target_semaphore(%run_scoped3A : memref<!tpu.dma_semaphore, #tpu.memory_space<semaphore_mem>>)
      %dma_wait3A = arith.constant 0 : i32
      %dma_wait3A_76 = tpu.memref_slice %arg5[%arg0, %add3A_54, %dma_wait3A] : memref<2x10240x128xf32, #tpu.memory_space<hbm>> -> memref<1x128x128xf32, #tpu.memory_space<hbm>>
      %dma_wait3A_77 = tpu.memref_squeeze %dma_wait3A_76 : memref<1x128x128xf32, #tpu.memory_space<hbm>> -> memref<128x128xf32, #tpu.memory_space<hbm>>
      %dma_wait3A_78 = arith.constant 0 : i32
      %dma_wait3A_79 = tpu.memref_slice %arg5[%arg0, %add3A_54, %dma_wait3A_78] : memref<2x10240x128xf32, #tpu.memory_space<hbm>> -> memref<1x128x128xf32, #tpu.memory_space<hbm>>
      %dma_wait3A_80 = tpu.memref_squeeze %dma_wait3A_79 : memref<1x128x128xf32, #tpu.memory_space<hbm>> -> memref<128x128xf32, #tpu.memory_space<hbm>>
      tpu.wait_dma2 semaphore(%run_scoped3A : memref<!tpu.dma_semaphore, #tpu.memory_space<semaphore_mem>>) src(%arg8 : memref<128x128xf32, #tpu.memory_space<vmem>>) dst(%dma_wait3A_80 : memref<128x128xf32, #tpu.memory_space<hbm>>)
      tpu.yield
    }) : () -> ()
    %add3A_55 = arith.constant 128 : i32
    %add3A_56 = arith.addi %mul3A_12, %add3A_55 : i32
    "tpu.region"() ({
      %run_scoped3A = tpu.sem_alloc : memref<!tpu.dma_semaphore, #tpu.memory_space<semaphore_mem>>
      %dma_start3A = arith.constant 0 : i32
      %dma_start3A_71 = tpu.memref_slice %arg10[%add3A_56, %dma_start3A] : memref<10240x128xf32, #tpu.memory_space<vmem_shared>> -> memref<128x128xf32, #tpu.memory_space<vmem_shared>>
      %dma_start3A_72 = arith.constant 0 : i32
      %dma_start3A_73 = tpu.memref_slice %arg10[%add3A_56, %dma_start3A_72] : memref<10240x128xf32, #tpu.memory_space<vmem_shared>> -> memref<128x128xf32, #tpu.memory_space<vmem_shared>>
      tpu.enqueue_dma source(%dma_start3A_73 : memref<128x128xf32, #tpu.memory_space<vmem_shared>>) target(%arg8 : memref<128x128xf32, #tpu.memory_space<vmem>>) target_semaphore(%run_scoped3A : memref<!tpu.dma_semaphore, #tpu.memory_space<semaphore_mem>>)
      %dma_wait3A = arith.constant 0 : i32
      %dma_wait3A_74 = tpu.memref_slice %arg10[%add3A_56, %dma_wait3A] : memref<10240x128xf32, #tpu.memory_space<vmem_shared>> -> memref<128x128xf32, #tpu.memory_space<vmem_shared>>
      %dma_wait3A_75 = arith.constant 0 : i32
      %dma_wait3A_76 = tpu.memref_slice %arg10[%add3A_56, %dma_wait3A_75] : memref<10240x128xf32, #tpu.memory_space<vmem_shared>> -> memref<128x128xf32, #tpu.memory_space<vmem_shared>>
      tpu.wait_dma2 semaphore(%run_scoped3A : memref<!tpu.dma_semaphore, #tpu.memory_space<semaphore_mem>>) src(%dma_wait3A_76 : memref<128x128xf32, #tpu.memory_space<vmem_shared>>) dst(%arg8 : memref<128x128xf32, #tpu.memory_space<vmem>>)
      tpu.yield
    }) : () -> ()
    %add3A_57 = arith.constant 128 : i32
    %add3A_58 = arith.addi %mul3A_12, %add3A_57 : i32
    "tpu.region"() ({
      %run_scoped3A = tpu.sem_alloc : memref<!tpu.dma_semaphore, #tpu.memory_space<semaphore_mem>>
      %dma_start3A = arith.constant 0 : i32
      %dma_start3A_71 = tpu.memref_slice %arg5[%arg0, %add3A_58, %dma_start3A] : memref<2x10240x128xf32, #tpu.memory_space<hbm>> -> memref<1x128x128xf32, #tpu.memory_space<hbm>>
      %dma_start3A_72 = tpu.memref_squeeze %dma_start3A_71 : memref<1x128x128xf32, #tpu.memory_space<hbm>> -> memref<128x128xf32, #tpu.memory_space<hbm>>
      %dma_start3A_73 = arith.constant 0 : i32
      %dma_start3A_74 = tpu.memref_slice %arg5[%arg0, %add3A_58, %dma_start3A_73] : memref<2x10240x128xf32, #tpu.memory_space<hbm>> -> memref<1x128x128xf32, #tpu.memory_space<hbm>>
      %dma_start3A_75 = tpu.memref_squeeze %dma_start3A_74 : memref<1x128x128xf32, #tpu.memory_space<hbm>> -> memref<128x128xf32, #tpu.memory_space<hbm>>
      tpu.enqueue_dma source(%arg8 : memref<128x128xf32, #tpu.memory_space<vmem>>) target(%dma_start3A_75 : memref<128x128xf32, #tpu.memory_space<hbm>>) target_semaphore(%run_scoped3A : memref<!tpu.dma_semaphore, #tpu.memory_space<semaphore_mem>>)
      %dma_wait3A = arith.constant 0 : i32
      %dma_wait3A_76 = tpu.memref_slice %arg5[%arg0, %add3A_58, %dma_wait3A] : memref<2x10240x128xf32, #tpu.memory_space<hbm>> -> memref<1x128x128xf32, #tpu.memory_space<hbm>>
      %dma_wait3A_77 = tpu.memref_squeeze %dma_wait3A_76 : memref<1x128x128xf32, #tpu.memory_space<hbm>> -> memref<128x128xf32, #tpu.memory_space<hbm>>
      %dma_wait3A_78 = arith.constant 0 : i32
      %dma_wait3A_79 = tpu.memref_slice %arg5[%arg0, %add3A_58, %dma_wait3A_78] : memref<2x10240x128xf32, #tpu.memory_space<hbm>> -> memref<1x128x128xf32, #tpu.memory_space<hbm>>
      %dma_wait3A_80 = tpu.memref_squeeze %dma_wait3A_79 : memref<1x128x128xf32, #tpu.memory_space<hbm>> -> memref<128x128xf32, #tpu.memory_space<hbm>>
      tpu.wait_dma2 semaphore(%run_scoped3A : memref<!tpu.dma_semaphore, #tpu.memory_space<semaphore_mem>>) src(%arg8 : memref<128x128xf32, #tpu.memory_space<vmem>>) dst(%dma_wait3A_80 : memref<128x128xf32, #tpu.memory_space<hbm>>)
      tpu.yield
    }) : () -> ()
    %add3A_59 = arith.constant 256 : i32
    %add3A_60 = arith.addi %mul3A_12, %add3A_59 : i32
    "tpu.region"() ({
      %run_scoped3A = tpu.sem_alloc : memref<!tpu.dma_semaphore, #tpu.memory_space<semaphore_mem>>
      %dma_start3A = arith.constant 0 : i32
      %dma_start3A_71 = tpu.memref_slice %arg10[%add3A_60, %dma_start3A] : memref<10240x128xf32, #tpu.memory_space<vmem_shared>> -> memref<128x128xf32, #tpu.memory_space<vmem_shared>>
      %dma_start3A_72 = arith.constant 0 : i32
      %dma_start3A_73 = tpu.memref_slice %arg10[%add3A_60, %dma_start3A_72] : memref<10240x128xf32, #tpu.memory_space<vmem_shared>> -> memref<128x128xf32, #tpu.memory_space<vmem_shared>>
      tpu.enqueue_dma source(%dma_start3A_73 : memref<128x128xf32, #tpu.memory_space<vmem_shared>>) target(%arg8 : memref<128x128xf32, #tpu.memory_space<vmem>>) target_semaphore(%run_scoped3A : memref<!tpu.dma_semaphore, #tpu.memory_space<semaphore_mem>>)
      %dma_wait3A = arith.constant 0 : i32
      %dma_wait3A_74 = tpu.memref_slice %arg10[%add3A_60, %dma_wait3A] : memref<10240x128xf32, #tpu.memory_space<vmem_shared>> -> memref<128x128xf32, #tpu.memory_space<vmem_shared>>
      %dma_wait3A_75 = arith.constant 0 : i32
      %dma_wait3A_76 = tpu.memref_slice %arg10[%add3A_60, %dma_wait3A_75] : memref<10240x128xf32, #tpu.memory_space<vmem_shared>> -> memref<128x128xf32, #tpu.memory_space<vmem_shared>>
      tpu.wait_dma2 semaphore(%run_scoped3A : memref<!tpu.dma_semaphore, #tpu.memory_space<semaphore_mem>>) src(%dma_wait3A_76 : memref<128x128xf32, #tpu.memory_space<vmem_shared>>) dst(%arg8 : memref<128x128xf32, #tpu.memory_space<vmem>>)
      tpu.yield
    }) : () -> ()
    %add3A_61 = arith.constant 256 : i32
    %add3A_62 = arith.addi %mul3A_12, %add3A_61 : i32
    "tpu.region"() ({
      %run_scoped3A = tpu.sem_alloc : memref<!tpu.dma_semaphore, #tpu.memory_space<semaphore_mem>>
      %dma_start3A = arith.constant 0 : i32
      %dma_start3A_71 = tpu.memref_slice %arg5[%arg0, %add3A_62, %dma_start3A] : memref<2x10240x128xf32, #tpu.memory_space<hbm>> -> memref<1x128x128xf32, #tpu.memory_space<hbm>>
      %dma_start3A_72 = tpu.memref_squeeze %dma_start3A_71 : memref<1x128x128xf32, #tpu.memory_space<hbm>> -> memref<128x128xf32, #tpu.memory_space<hbm>>
      %dma_start3A_73 = arith.constant 0 : i32
      %dma_start3A_74 = tpu.memref_slice %arg5[%arg0, %add3A_62, %dma_start3A_73] : memref<2x10240x128xf32, #tpu.memory_space<hbm>> -> memref<1x128x128xf32, #tpu.memory_space<hbm>>
      %dma_start3A_75 = tpu.memref_squeeze %dma_start3A_74 : memref<1x128x128xf32, #tpu.memory_space<hbm>> -> memref<128x128xf32, #tpu.memory_space<hbm>>
      tpu.enqueue_dma source(%arg8 : memref<128x128xf32, #tpu.memory_space<vmem>>) target(%dma_start3A_75 : memref<128x128xf32, #tpu.memory_space<hbm>>) target_semaphore(%run_scoped3A : memref<!tpu.dma_semaphore, #tpu.memory_space<semaphore_mem>>)
      %dma_wait3A = arith.constant 0 : i32
      %dma_wait3A_76 = tpu.memref_slice %arg5[%arg0, %add3A_62, %dma_wait3A] : memref<2x10240x128xf32, #tpu.memory_space<hbm>> -> memref<1x128x128xf32, #tpu.memory_space<hbm>>
      %dma_wait3A_77 = tpu.memref_squeeze %dma_wait3A_76 : memref<1x128x128xf32, #tpu.memory_space<hbm>> -> memref<128x128xf32, #tpu.memory_space<hbm>>
      %dma_wait3A_78 = arith.constant 0 : i32
      %dma_wait3A_79 = tpu.memref_slice %arg5[%arg0, %add3A_62, %dma_wait3A_78] : memref<2x10240x128xf32, #tpu.memory_space<hbm>> -> memref<1x128x128xf32, #tpu.memory_space<hbm>>
      %dma_wait3A_80 = tpu.memref_squeeze %dma_wait3A_79 : memref<1x128x128xf32, #tpu.memory_space<hbm>> -> memref<128x128xf32, #tpu.memory_space<hbm>>
      tpu.wait_dma2 semaphore(%run_scoped3A : memref<!tpu.dma_semaphore, #tpu.memory_space<semaphore_mem>>) src(%arg8 : memref<128x128xf32, #tpu.memory_space<vmem>>) dst(%dma_wait3A_80 : memref<128x128xf32, #tpu.memory_space<hbm>>)
      tpu.yield
    }) : () -> ()
    %add3A_63 = arith.constant 384 : i32
    %add3A_64 = arith.addi %mul3A_12, %add3A_63 : i32
    "tpu.region"() ({
      %run_scoped3A = tpu.sem_alloc : memref<!tpu.dma_semaphore, #tpu.memory_space<semaphore_mem>>
      %dma_start3A = arith.constant 0 : i32
      %dma_start3A_71 = tpu.memref_slice %arg10[%add3A_64, %dma_start3A] : memref<10240x128xf32, #tpu.memory_space<vmem_shared>> -> memref<128x128xf32, #tpu.memory_space<vmem_shared>>
      %dma_start3A_72 = arith.constant 0 : i32
      %dma_start3A_73 = tpu.memref_slice %arg10[%add3A_64, %dma_start3A_72] : memref<10240x128xf32, #tpu.memory_space<vmem_shared>> -> memref<128x128xf32, #tpu.memory_space<vmem_shared>>
      tpu.enqueue_dma source(%dma_start3A_73 : memref<128x128xf32, #tpu.memory_space<vmem_shared>>) target(%arg8 : memref<128x128xf32, #tpu.memory_space<vmem>>) target_semaphore(%run_scoped3A : memref<!tpu.dma_semaphore, #tpu.memory_space<semaphore_mem>>)
      %dma_wait3A = arith.constant 0 : i32
      %dma_wait3A_74 = tpu.memref_slice %arg10[%add3A_64, %dma_wait3A] : memref<10240x128xf32, #tpu.memory_space<vmem_shared>> -> memref<128x128xf32, #tpu.memory_space<vmem_shared>>
      %dma_wait3A_75 = arith.constant 0 : i32
      %dma_wait3A_76 = tpu.memref_slice %arg10[%add3A_64, %dma_wait3A_75] : memref<10240x128xf32, #tpu.memory_space<vmem_shared>> -> memref<128x128xf32, #tpu.memory_space<vmem_shared>>
      tpu.wait_dma2 semaphore(%run_scoped3A : memref<!tpu.dma_semaphore, #tpu.memory_space<semaphore_mem>>) src(%dma_wait3A_76 : memref<128x128xf32, #tpu.memory_space<vmem_shared>>) dst(%arg8 : memref<128x128xf32, #tpu.memory_space<vmem>>)
      tpu.yield
    }) : () -> ()
    %add3A_65 = arith.constant 384 : i32
    %add3A_66 = arith.addi %mul3A_12, %add3A_65 : i32
    "tpu.region"() ({
      %run_scoped3A = tpu.sem_alloc : memref<!tpu.dma_semaphore, #tpu.memory_space<semaphore_mem>>
      %dma_start3A = arith.constant 0 : i32
      %dma_start3A_71 = tpu.memref_slice %arg5[%arg0, %add3A_66, %dma_start3A] : memref<2x10240x128xf32, #tpu.memory_space<hbm>> -> memref<1x128x128xf32, #tpu.memory_space<hbm>>
      %dma_start3A_72 = tpu.memref_squeeze %dma_start3A_71 : memref<1x128x128xf32, #tpu.memory_space<hbm>> -> memref<128x128xf32, #tpu.memory_space<hbm>>
      %dma_start3A_73 = arith.constant 0 : i32
      %dma_start3A_74 = tpu.memref_slice %arg5[%arg0, %add3A_66, %dma_start3A_73] : memref<2x10240x128xf32, #tpu.memory_space<hbm>> -> memref<1x128x128xf32, #tpu.memory_space<hbm>>
      %dma_start3A_75 = tpu.memref_squeeze %dma_start3A_74 : memref<1x128x128xf32, #tpu.memory_space<hbm>> -> memref<128x128xf32, #tpu.memory_space<hbm>>
      tpu.enqueue_dma source(%arg8 : memref<128x128xf32, #tpu.memory_space<vmem>>) target(%dma_start3A_75 : memref<128x128xf32, #tpu.memory_space<hbm>>) target_semaphore(%run_scoped3A : memref<!tpu.dma_semaphore, #tpu.memory_space<semaphore_mem>>)
      %dma_wait3A = arith.constant 0 : i32
      %dma_wait3A_76 = tpu.memref_slice %arg5[%arg0, %add3A_66, %dma_wait3A] : memref<2x10240x128xf32, #tpu.memory_space<hbm>> -> memref<1x128x128xf32, #tpu.memory_space<hbm>>
      %dma_wait3A_77 = tpu.memref_squeeze %dma_wait3A_76 : memref<1x128x128xf32, #tpu.memory_space<hbm>> -> memref<128x128xf32, #tpu.memory_space<hbm>>
      %dma_wait3A_78 = arith.constant 0 : i32
      %dma_wait3A_79 = tpu.memref_slice %arg5[%arg0, %add3A_66, %dma_wait3A_78] : memref<2x10240x128xf32, #tpu.memory_space<hbm>> -> memref<1x128x128xf32, #tpu.memory_space<hbm>>
      %dma_wait3A_80 = tpu.memref_squeeze %dma_wait3A_79 : memref<1x128x128xf32, #tpu.memory_space<hbm>> -> memref<128x128xf32, #tpu.memory_space<hbm>>
      tpu.wait_dma2 semaphore(%run_scoped3A : memref<!tpu.dma_semaphore, #tpu.memory_space<semaphore_mem>>) src(%arg8 : memref<128x128xf32, #tpu.memory_space<vmem>>) dst(%dma_wait3A_80 : memref<128x128xf32, #tpu.memory_space<hbm>>)
      tpu.yield
    }) : () -> ()
    %add3A_67 = arith.constant 512 : i32
    %add3A_68 = arith.addi %mul3A_12, %add3A_67 : i32
    "tpu.region"() ({
      %run_scoped3A = tpu.sem_alloc : memref<!tpu.dma_semaphore, #tpu.memory_space<semaphore_mem>>
      %dma_start3A = arith.constant 0 : i32
      %dma_start3A_71 = tpu.memref_slice %arg10[%add3A_68, %dma_start3A] : memref<10240x128xf32, #tpu.memory_space<vmem_shared>> -> memref<128x128xf32, #tpu.memory_space<vmem_shared>>
      %dma_start3A_72 = arith.constant 0 : i32
      %dma_start3A_73 = tpu.memref_slice %arg10[%add3A_68, %dma_start3A_72] : memref<10240x128xf32, #tpu.memory_space<vmem_shared>> -> memref<128x128xf32, #tpu.memory_space<vmem_shared>>
      tpu.enqueue_dma source(%dma_start3A_73 : memref<128x128xf32, #tpu.memory_space<vmem_shared>>) target(%arg8 : memref<128x128xf32, #tpu.memory_space<vmem>>) target_semaphore(%run_scoped3A : memref<!tpu.dma_semaphore, #tpu.memory_space<semaphore_mem>>)
      %dma_wait3A = arith.constant 0 : i32
      %dma_wait3A_74 = tpu.memref_slice %arg10[%add3A_68, %dma_wait3A] : memref<10240x128xf32, #tpu.memory_space<vmem_shared>> -> memref<128x128xf32, #tpu.memory_space<vmem_shared>>
      %dma_wait3A_75 = arith.constant 0 : i32
      %dma_wait3A_76 = tpu.memref_slice %arg10[%add3A_68, %dma_wait3A_75] : memref<10240x128xf32, #tpu.memory_space<vmem_shared>> -> memref<128x128xf32, #tpu.memory_space<vmem_shared>>
      tpu.wait_dma2 semaphore(%run_scoped3A : memref<!tpu.dma_semaphore, #tpu.memory_space<semaphore_mem>>) src(%dma_wait3A_76 : memref<128x128xf32, #tpu.memory_space<vmem_shared>>) dst(%arg8 : memref<128x128xf32, #tpu.memory_space<vmem>>)
      tpu.yield
    }) : () -> ()
    %add3A_69 = arith.constant 512 : i32
    %add3A_70 = arith.addi %mul3A_12, %add3A_69 : i32
    "tpu.region"() ({
      %run_scoped3A = tpu.sem_alloc : memref<!tpu.dma_semaphore, #tpu.memory_space<semaphore_mem>>
      %dma_start3A = arith.constant 0 : i32
      %dma_start3A_71 = tpu.memref_slice %arg5[%arg0, %add3A_70, %dma_start3A] : memref<2x10240x128xf32, #tpu.memory_space<hbm>> -> memref<1x128x128xf32, #tpu.memory_space<hbm>>
      %dma_start3A_72 = tpu.memref_squeeze %dma_start3A_71 : memref<1x128x128xf32, #tpu.memory_space<hbm>> -> memref<128x128xf32, #tpu.memory_space<hbm>>
      %dma_start3A_73 = arith.constant 0 : i32
      %dma_start3A_74 = tpu.memref_slice %arg5[%arg0, %add3A_70, %dma_start3A_73] : memref<2x10240x128xf32, #tpu.memory_space<hbm>> -> memref<1x128x128xf32, #tpu.memory_space<hbm>>
      %dma_start3A_75 = tpu.memref_squeeze %dma_start3A_74 : memref<1x128x128xf32, #tpu.memory_space<hbm>> -> memref<128x128xf32, #tpu.memory_space<hbm>>
      tpu.enqueue_dma source(%arg8 : memref<128x128xf32, #tpu.memory_space<vmem>>) target(%dma_start3A_75 : memref<128x128xf32, #tpu.memory_space<hbm>>) target_semaphore(%run_scoped3A : memref<!tpu.dma_semaphore, #tpu.memory_space<semaphore_mem>>)
      %dma_wait3A = arith.constant 0 : i32
      %dma_wait3A_76 = tpu.memref_slice %arg5[%arg0, %add3A_70, %dma_wait3A] : memref<2x10240x128xf32, #tpu.memory_space<hbm>> -> memref<1x128x128xf32, #tpu.memory_space<hbm>>
      %dma_wait3A_77 = tpu.memref_squeeze %dma_wait3A_76 : memref<1x128x128xf32, #tpu.memory_space<hbm>> -> memref<128x128xf32, #tpu.memory_space<hbm>>
      %dma_wait3A_78 = arith.constant 0 : i32
      %dma_wait3A_79 = tpu.memref_slice %arg5[%arg0, %add3A_70, %dma_wait3A_78] : memref<2x10240x128xf32, #tpu.memory_space<hbm>> -> memref<1x128x128xf32, #tpu.memory_space<hbm>>
      %dma_wait3A_80 = tpu.memref_squeeze %dma_wait3A_79 : memref<1x128x128xf32, #tpu.memory_space<hbm>> -> memref<128x128xf32, #tpu.memory_space<hbm>>
      tpu.wait_dma2 semaphore(%run_scoped3A : memref<!tpu.dma_semaphore, #tpu.memory_space<semaphore_mem>>) src(%arg8 : memref<128x128xf32, #tpu.memory_space<vmem>>) dst(%dma_wait3A_80 : memref<128x128xf32, #tpu.memory_space<hbm>>)
      tpu.yield
    }) : () -> ()
    return
  }
}

module attributes {stable_mosaic.version = 14 : i64} {
  func.func @_tc1_body(%arg0: i32, %arg1: memref<1024x128xf32, #tpu.memory_space<vmem>>, %arg2: memref<128x128xf32, #tpu.memory_space<vmem>>, %arg3: memref<128xf32, #tpu.memory_space<vmem>>, %arg4: memref<128x128xf32, #tpu.memory_space<vmem>>, %arg5: memref<32x1024xf32, #tpu.memory_space<vmem>>, %arg6: memref<1024x128xf32, #tpu.memory_space<vmem>>, %arg7: memref<1024x1xf32, #tpu.memory_space<vmem>>) attributes {dimension_semantics = [#tpu.dimension_semantics<arbitrary>], iteration_bounds = array<i64: 10>, scalar_prefetch = 0 : i64, scratch_operands = 0 : i64, tpu.core_type = #tpu.core_type<tc>, window_params = [{transform_indices = @transform_0, window_bounds = array<i64: 1024, 128>}, {pipeline_mode = #tpu.pipeline_mode<synchronous>, transform_indices = @transform_1, window_bounds = array<i64: 128, 128>}, {pipeline_mode = #tpu.pipeline_mode<synchronous>, transform_indices = @transform_2, window_bounds = array<i64: 128>}, {pipeline_mode = #tpu.pipeline_mode<synchronous>, transform_indices = @transform_3, window_bounds = array<i64: 128, 128>}, {transform_indices = @transform_4, window_bounds = array<i64: 32, 1024>}, {transform_indices = @transform_5, window_bounds = array<i64: 1024, 128>}, {transform_indices = @transform_6, window_bounds = array<i64: 1024, 1>}]} {
    %get3A = arith.constant 0 : index
    %get3A_0 = arith.constant 0 : index
    %get3A_1 = vector.load %arg1[%get3A, %get3A_0] : memref<1024x128xf32, #tpu.memory_space<vmem>>, vector<1024x128xf32>
    %get3A_2 = arith.constant 0 : index
    %get3A_3 = arith.constant 0 : index
    %get3A_4 = vector.load %arg2[%get3A_2, %get3A_3] : memref<128x128xf32, #tpu.memory_space<vmem>>, vector<128x128xf32>
    %dot_general3A = arith.constant dense<0.000000e+00> : vector<1024x128xf32>
    %dot_general3A_5 = tpu.matmul %get3A_1, %get3A_4, %dot_general3A {dimension_numbers = #tpu.dot_dimension_numbers<[1], [0], [0], [1], [0, 0, 1, 1], [], []>, transpose_lhs_hint = false} : vector<1024x128xf32>, vector<128x128xf32>, vector<1024x128xf32> -> vector<1024x128xf32>
    %get3A_6 = arith.constant 0 : index
    %get3A_7 = vector.load %arg3[%get3A_6] : memref<128xf32, #tpu.memory_space<vmem>>, vector<128xf32>
    %broadcast_in_dim3A = vector.shape_cast %get3A_7 : vector<128xf32> to vector<1x128xf32>
    %add3A = vector.broadcast %broadcast_in_dim3A : vector<1x128xf32> to vector<1024x128xf32>
    %add3A_8 = arith.addf %dot_general3A_5, %add3A : vector<1024x128xf32>
    %get3A_9 = arith.constant 0 : index
    %get3A_10 = arith.constant 0 : index
    %get3A_11 = vector.load %arg5[%get3A_9, %get3A_10] : memref<32x1024xf32, #tpu.memory_space<vmem>>, vector<32x1024xf32>
    %reduce_sum3A = arith.constant dense<0.000000e+00> : vector<1024xf32>
    %reduce_sum3A_12 = vector.multi_reduction <add>, %get3A_11, %reduce_sum3A [0] : vector<32x1024xf32> to vector<1024xf32>
    %add3A_13 = arith.constant 1.000000e+00 : f32
    %add3A_14 = vector.broadcast %add3A_13 : f32 to vector<1024xf32>
    %add3A_15 = arith.addf %add3A_14, %reduce_sum3A_12 : vector<1024xf32>
    %rsqrt3A = math.rsqrt %add3A_15 : vector<1024xf32>
    %get3A_16 = arith.constant 0 : index
    %get3A_17 = arith.constant 0 : index
    %get3A_18 = vector.load %arg4[%get3A_16, %get3A_17] : memref<128x128xf32, #tpu.memory_space<vmem>>, vector<128x128xf32>
    %dot_general3A_19 = arith.constant dense<0.000000e+00> : vector<1024x128xf32>
    %dot_general3A_20 = tpu.matmul %add3A_8, %get3A_18, %dot_general3A_19 {dimension_numbers = #tpu.dot_dimension_numbers<[1], [0], [0], [1], [0, 0, 1, 1], [], []>, transpose_lhs_hint = false} : vector<1024x128xf32>, vector<128x128xf32>, vector<1024x128xf32> -> vector<1024x128xf32>
    %broadcast_in_dim3A_21 = vector.shape_cast %rsqrt3A : vector<1024xf32> to vector<1024x1xf32>
    %mul3A = vector.broadcast %broadcast_in_dim3A_21 : vector<1024x1xf32> to vector<1024x128xf32>
    %mul3A_22 = arith.mulf %dot_general3A_20, %mul3A : vector<1024x128xf32>
    %swap3A = arith.constant 0 : index
    %swap3A_23 = arith.constant 0 : index
    %swap3A_24 = vector.load %arg6[%swap3A, %swap3A_23] : memref<1024x128xf32, #tpu.memory_space<vmem>>, vector<1024x128xf32>
    tpu.vector_store %arg6[%swap3A, %swap3A_23], %mul3A_22 {strides = array<i32>} : memref<1024x128xf32, #tpu.memory_space<vmem>>, vector<1024x128xf32>,
    %broadcast_in_dim3A_25 = vector.shape_cast %rsqrt3A : vector<1024xf32> to vector<1024x1xf32>
    %swap3A_26 = arith.constant 0 : index
    %swap3A_27 = arith.constant 0 : index
    %swap3A_28 = vector.load %arg7[%swap3A_26, %swap3A_27] : memref<1024x1xf32, #tpu.memory_space<vmem>>, vector<1024x1xf32>
    tpu.vector_store %arg7[%swap3A_26, %swap3A_27], %broadcast_in_dim3A_25 {strides = array<i32>} : memref<1024x1xf32, #tpu.memory_space<vmem>>, vector<1024x1xf32>,
    return
  }
  func.func @transform_0(%arg0: i32) -> (i32, i32) {
    %c0_i32 = arith.constant 0 : i32
    %c0_i32_0 = arith.constant 0 : i32
    return %arg0, %c0_i32 : i32, i32
  }
  func.func @transform_1(%arg0: i32) -> (i32, i32) {
    %c0_i32 = arith.constant 0 : i32
    %c0_i32_0 = arith.constant 0 : i32
    %c0_i32_1 = arith.constant 0 : i32
    return %c0_i32, %c0_i32_0 : i32, i32
  }
  func.func @transform_2(%arg0: i32) -> i32 {
    %c0_i32 = arith.constant 0 : i32
    %c0_i32_0 = arith.constant 0 : i32
    return %c0_i32 : i32
  }
  func.func @transform_3(%arg0: i32) -> (i32, i32) {
    %c0_i32 = arith.constant 0 : i32
    %c0_i32_0 = arith.constant 0 : i32
    %c0_i32_1 = arith.constant 0 : i32
    return %c0_i32, %c0_i32_0 : i32, i32
  }
  func.func @transform_4(%arg0: i32) -> (i32, i32) {
    %c0_i32 = arith.constant 0 : i32
    %c0_i32_0 = arith.constant 0 : i32
    return %c0_i32, %arg0 : i32, i32
  }
  func.func @transform_5(%arg0: i32) -> (i32, i32) {
    %c0_i32 = arith.constant 0 : i32
    %c0_i32_0 = arith.constant 0 : i32
    return %arg0, %c0_i32 : i32, i32
  }
  func.func @transform_6(%arg0: i32) -> (i32, i32) {
    %c0_i32 = arith.constant 0 : i32
    %c0_i32_0 = arith.constant 0 : i32
    return %arg0, %c0_i32 : i32, i32
  }
}

module attributes {stable_mosaic.version = 14 : i64} {
  func.func @_tc_mid_body(%arg0: i32, %arg1: memref<2x1024x128xf32, #tpu.memory_space<vmem>>, %arg2: memref<1024x128xf32, #tpu.memory_space<vmem>>, %arg3: memref<1024x1xf32, #tpu.memory_space<vmem>>, %arg4: memref<128xf32, #tpu.memory_space<vmem>>, %arg5: memref<128x128xf32, #tpu.memory_space<vmem>>, %arg6: memref<1024x128xf32, #tpu.memory_space<vmem>>) attributes {dimension_semantics = [#tpu.dimension_semantics<arbitrary>], iteration_bounds = array<i64: 10>, scalar_prefetch = 0 : i64, scratch_operands = 0 : i64, tpu.core_type = #tpu.core_type<tc>, window_params = [{transform_indices = @transform_0, window_bounds = array<i64: 2, 1024, 128>}, {transform_indices = @transform_1, window_bounds = array<i64: 1024, 128>}, {transform_indices = @transform_2, window_bounds = array<i64: 1024, 1>}, {pipeline_mode = #tpu.pipeline_mode<synchronous>, transform_indices = @transform_3, window_bounds = array<i64: 128>}, {pipeline_mode = #tpu.pipeline_mode<synchronous>, transform_indices = @transform_4, window_bounds = array<i64: 128, 128>}, {transform_indices = @transform_5, window_bounds = array<i64: 1024, 128>}]} {
    %get3A = arith.constant 0 : index
    %get3A_0 = arith.constant 0 : index
    %get3A_1 = arith.constant 0 : index
    %get3A_2 = vector.load %arg1[%get3A, %get3A_0, %get3A_1] : memref<2x1024x128xf32, #tpu.memory_space<vmem>>, vector<2x1024x128xf32>
    %slice3A = vector.extract_strided_slice %get3A_2 {offsets = [0, 0, 0], sizes = [1, 1024, 128], strides = [1, 1, 1]} : vector<2x1024x128xf32> to vector<1x1024x128xf32>
    %squeeze3A = vector.shape_cast %slice3A : vector<1x1024x128xf32> to vector<1024x128xf32>
    %slice3A_3 = vector.extract_strided_slice %get3A_2 {offsets = [1, 0, 0], sizes = [1, 1024, 128], strides = [1, 1, 1]} : vector<2x1024x128xf32> to vector<1x1024x128xf32>
    %squeeze3A_4 = vector.shape_cast %slice3A_3 : vector<1x1024x128xf32> to vector<1024x128xf32>
    %add3A = arith.addf %squeeze3A, %squeeze3A_4 : vector<1024x128xf32>
    %get3A_5 = arith.constant 0 : index
    %get3A_6 = arith.constant 0 : index
    %get3A_7 = vector.load %arg2[%get3A_5, %get3A_6] : memref<1024x128xf32, #tpu.memory_space<vmem>>, vector<1024x128xf32>
    %add3A_8 = arith.addf %add3A, %get3A_7 : vector<1024x128xf32>
    %get3A_9 = arith.constant 0 : index
    %get3A_10 = arith.constant 0 : index
    %get3A_11 = vector.load %arg3[%get3A_9, %get3A_10] : memref<1024x1xf32, #tpu.memory_space<vmem>>, vector<1024x1xf32>
    %mul3A = vector.broadcast %get3A_11 : vector<1024x1xf32> to vector<1024x128xf32>
    %mul3A_12 = arith.mulf %add3A_8, %mul3A : vector<1024x128xf32>
    %get3A_13 = arith.constant 0 : index
    %get3A_14 = vector.load %arg4[%get3A_13] : memref<128xf32, #tpu.memory_space<vmem>>, vector<128xf32>
    %broadcast_in_dim3A = vector.shape_cast %get3A_14 : vector<128xf32> to vector<1x128xf32>
    %add3A_15 = vector.broadcast %broadcast_in_dim3A : vector<1x128xf32> to vector<1024x128xf32>
    %add3A_16 = arith.addf %mul3A_12, %add3A_15 : vector<1024x128xf32>
    %max3A = arith.constant 0.000000e+00 : f32
    %max3A_17 = vector.broadcast %max3A : f32 to vector<1024x128xf32>
    %max3A_18 = arith.maximumf %add3A_16, %max3A_17 : vector<1024x128xf32>
    %get3A_19 = arith.constant 0 : index
    %get3A_20 = arith.constant 0 : index
    %get3A_21 = vector.load %arg5[%get3A_19, %get3A_20] : memref<128x128xf32, #tpu.memory_space<vmem>>, vector<128x128xf32>
    %dot_general3A = arith.constant dense<0.000000e+00> : vector<1024x128xf32>
    %dot_general3A_22 = tpu.matmul %max3A_18, %get3A_21, %dot_general3A {dimension_numbers = #tpu.dot_dimension_numbers<[1], [0], [0], [1], [0, 0, 1, 1], [], []>, transpose_lhs_hint = false} : vector<1024x128xf32>, vector<128x128xf32>, vector<1024x128xf32> -> vector<1024x128xf32>
    %get3A_23 = arith.constant 0 : index
    %get3A_24 = arith.constant 0 : index
    %get3A_25 = vector.load %arg3[%get3A_23, %get3A_24] : memref<1024x1xf32, #tpu.memory_space<vmem>>, vector<1024x1xf32>
    %mul3A_26 = vector.broadcast %get3A_25 : vector<1024x1xf32> to vector<1024x128xf32>
    %mul3A_27 = arith.mulf %dot_general3A_22, %mul3A_26 : vector<1024x128xf32>
    %swap3A = arith.constant 0 : index
    %swap3A_28 = arith.constant 0 : index
    %swap3A_29 = vector.load %arg6[%swap3A, %swap3A_28] : memref<1024x128xf32, #tpu.memory_space<vmem>>, vector<1024x128xf32>
    tpu.vector_store %arg6[%swap3A, %swap3A_28], %mul3A_27 {strides = array<i32>} : memref<1024x128xf32, #tpu.memory_space<vmem>>, vector<1024x128xf32>,
    return
  }
  func.func @transform_0(%arg0: i32) -> (i32, i32, i32) {
    %c0_i32 = arith.constant 0 : i32
    %c0_i32_0 = arith.constant 0 : i32
    %c0_i32_1 = arith.constant 0 : i32
    return %c0_i32, %arg0, %c0_i32_0 : i32, i32, i32
  }
  func.func @transform_1(%arg0: i32) -> (i32, i32) {
    %c0_i32 = arith.constant 0 : i32
    %c0_i32_0 = arith.constant 0 : i32
    return %arg0, %c0_i32 : i32, i32
  }
  func.func @transform_2(%arg0: i32) -> (i32, i32) {
    %c0_i32 = arith.constant 0 : i32
    %c0_i32_0 = arith.constant 0 : i32
    return %arg0, %c0_i32 : i32, i32
  }
  func.func @transform_3(%arg0: i32) -> i32 {
    %c0_i32 = arith.constant 0 : i32
    %c0_i32_0 = arith.constant 0 : i32
    return %c0_i32 : i32
  }
  func.func @transform_4(%arg0: i32) -> (i32, i32) {
    %c0_i32 = arith.constant 0 : i32
    %c0_i32_0 = arith.constant 0 : i32
    %c0_i32_1 = arith.constant 0 : i32
    return %c0_i32, %c0_i32_0 : i32, i32
  }
  func.func @transform_5(%arg0: i32) -> (i32, i32) {
    %c0_i32 = arith.constant 0 : i32
    %c0_i32_0 = arith.constant 0 : i32
    return %arg0, %c0_i32 : i32, i32
  }
}

module attributes {stable_mosaic.version = 14 : i64} {
  func.func @_tc_out_body(%arg0: i32, %arg1: memref<2x1024x128xf32, #tpu.memory_space<vmem>>, %arg2: memref<1024x128xf32, #tpu.memory_space<vmem>>, %arg3: memref<1024x1xf32, #tpu.memory_space<vmem>>, %arg4: memref<128xf32, #tpu.memory_space<vmem>>, %arg5: memref<128x128xf32, #tpu.memory_space<vmem>>, %arg6: memref<128xf32, #tpu.memory_space<vmem>>, %arg7: memref<1024x128xf32, #tpu.memory_space<vmem>>) attributes {dimension_semantics = [#tpu.dimension_semantics<arbitrary>], iteration_bounds = array<i64: 10>, scalar_prefetch = 0 : i64, scratch_operands = 0 : i64, tpu.core_type = #tpu.core_type<tc>, window_params = [{transform_indices = @transform_0, window_bounds = array<i64: 2, 1024, 128>}, {transform_indices = @transform_1, window_bounds = array<i64: 1024, 128>}, {transform_indices = @transform_2, window_bounds = array<i64: 1024, 1>}, {pipeline_mode = #tpu.pipeline_mode<synchronous>, transform_indices = @transform_3, window_bounds = array<i64: 128>}, {pipeline_mode = #tpu.pipeline_mode<synchronous>, transform_indices = @transform_4, window_bounds = array<i64: 128, 128>}, {pipeline_mode = #tpu.pipeline_mode<synchronous>, transform_indices = @transform_5, window_bounds = array<i64: 128>}, {transform_indices = @transform_6, window_bounds = array<i64: 1024, 128>}]} {
    %get3A = arith.constant 0 : index
    %get3A_0 = arith.constant 0 : index
    %get3A_1 = arith.constant 0 : index
    %get3A_2 = vector.load %arg1[%get3A, %get3A_0, %get3A_1] : memref<2x1024x128xf32, #tpu.memory_space<vmem>>, vector<2x1024x128xf32>
    %slice3A = vector.extract_strided_slice %get3A_2 {offsets = [0, 0, 0], sizes = [1, 1024, 128], strides = [1, 1, 1]} : vector<2x1024x128xf32> to vector<1x1024x128xf32>
    %squeeze3A = vector.shape_cast %slice3A : vector<1x1024x128xf32> to vector<1024x128xf32>
    %slice3A_3 = vector.extract_strided_slice %get3A_2 {offsets = [1, 0, 0], sizes = [1, 1024, 128], strides = [1, 1, 1]} : vector<2x1024x128xf32> to vector<1x1024x128xf32>
    %squeeze3A_4 = vector.shape_cast %slice3A_3 : vector<1x1024x128xf32> to vector<1024x128xf32>
    %add3A = arith.addf %squeeze3A, %squeeze3A_4 : vector<1024x128xf32>
    %get3A_5 = arith.constant 0 : index
    %get3A_6 = arith.constant 0 : index
    %get3A_7 = vector.load %arg2[%get3A_5, %get3A_6] : memref<1024x128xf32, #tpu.memory_space<vmem>>, vector<1024x128xf32>
    %add3A_8 = arith.addf %add3A, %get3A_7 : vector<1024x128xf32>
    %get3A_9 = arith.constant 0 : index
    %get3A_10 = arith.constant 0 : index
    %get3A_11 = vector.load %arg3[%get3A_9, %get3A_10] : memref<1024x1xf32, #tpu.memory_space<vmem>>, vector<1024x1xf32>
    %mul3A = vector.broadcast %get3A_11 : vector<1024x1xf32> to vector<1024x128xf32>
    %mul3A_12 = arith.mulf %add3A_8, %mul3A : vector<1024x128xf32>
    %get3A_13 = arith.constant 0 : index
    %get3A_14 = vector.load %arg4[%get3A_13] : memref<128xf32, #tpu.memory_space<vmem>>, vector<128xf32>
    %broadcast_in_dim3A = vector.shape_cast %get3A_14 : vector<128xf32> to vector<1x128xf32>
    %add3A_15 = vector.broadcast %broadcast_in_dim3A : vector<1x128xf32> to vector<1024x128xf32>
    %add3A_16 = arith.addf %mul3A_12, %add3A_15 : vector<1024x128xf32>
    %max3A = arith.constant 0.000000e+00 : f32
    %max3A_17 = vector.broadcast %max3A : f32 to vector<1024x128xf32>
    %max3A_18 = arith.maximumf %add3A_16, %max3A_17 : vector<1024x128xf32>
    %get3A_19 = arith.constant 0 : index
    %get3A_20 = arith.constant 0 : index
    %get3A_21 = vector.load %arg5[%get3A_19, %get3A_20] : memref<128x128xf32, #tpu.memory_space<vmem>>, vector<128x128xf32>
    %dot_general3A = arith.constant dense<0.000000e+00> : vector<1024x128xf32>
    %dot_general3A_22 = tpu.matmul %max3A_18, %get3A_21, %dot_general3A {dimension_numbers = #tpu.dot_dimension_numbers<[1], [0], [0], [1], [0, 0, 1, 1], [], []>, transpose_lhs_hint = false} : vector<1024x128xf32>, vector<128x128xf32>, vector<1024x128xf32> -> vector<1024x128xf32>
    %get3A_23 = arith.constant 0 : index
    %get3A_24 = vector.load %arg6[%get3A_23] : memref<128xf32, #tpu.memory_space<vmem>>, vector<128xf32>
    %broadcast_in_dim3A_25 = vector.shape_cast %get3A_24 : vector<128xf32> to vector<1x128xf32>
    %add3A_26 = vector.broadcast %broadcast_in_dim3A_25 : vector<1x128xf32> to vector<1024x128xf32>
    %add3A_27 = arith.addf %dot_general3A_22, %add3A_26 : vector<1024x128xf32>
    %swap3A = arith.constant 0 : index
    %swap3A_28 = arith.constant 0 : index
    %swap3A_29 = vector.load %arg7[%swap3A, %swap3A_28] : memref<1024x128xf32, #tpu.memory_space<vmem>>, vector<1024x128xf32>
    tpu.vector_store %arg7[%swap3A, %swap3A_28], %add3A_27 {strides = array<i32>} : memref<1024x128xf32, #tpu.memory_space<vmem>>, vector<1024x128xf32>,
    return
  }
  func.func @transform_0(%arg0: i32) -> (i32, i32, i32) {
    %c0_i32 = arith.constant 0 : i32
    %c0_i32_0 = arith.constant 0 : i32
    %c0_i32_1 = arith.constant 0 : i32
    return %c0_i32, %arg0, %c0_i32_0 : i32, i32, i32
  }
  func.func @transform_1(%arg0: i32) -> (i32, i32) {
    %c0_i32 = arith.constant 0 : i32
    %c0_i32_0 = arith.constant 0 : i32
    return %arg0, %c0_i32 : i32, i32
  }
  func.func @transform_2(%arg0: i32) -> (i32, i32) {
    %c0_i32 = arith.constant 0 : i32
    %c0_i32_0 = arith.constant 0 : i32
    return %arg0, %c0_i32 : i32, i32
  }
  func.func @transform_3(%arg0: i32) -> i32 {
    %c0_i32 = arith.constant 0 : i32
    %c0_i32_0 = arith.constant 0 : i32
    return %c0_i32 : i32
  }
  func.func @transform_4(%arg0: i32) -> (i32, i32) {
    %c0_i32 = arith.constant 0 : i32
    %c0_i32_0 = arith.constant 0 : i32
    %c0_i32_1 = arith.constant 0 : i32
    return %c0_i32, %c0_i32_0 : i32, i32
  }
  func.func @transform_5(%arg0: i32) -> i32 {
    %c0_i32 = arith.constant 0 : i32
    %c0_i32_0 = arith.constant 0 : i32
    return %c0_i32 : i32
  }
  func.func @transform_6(%arg0: i32) -> (i32, i32) {
    %c0_i32 = arith.constant 0 : i32
    %c0_i32_0 = arith.constant 0 : i32
    return %arg0, %c0_i32 : i32, i32
  }
}

</mosaic_0001>

<sc_bundles>
// kernel: kernel.11.cloned.1.call-start
scs
__scs_entry_jumppad:
0x0: {  	(pc) =	sbr.rel $0x88, $3  }
0x1: {  	(tag) =	ssettag $0x0;
	lr =	simm.s32 $0x1  }
0x2: {  	[smem:$0x3F97] =	sst lr;
	_ =	strace $0xD0000000  }
0x3: {  	_ = 	snop  }
0x4: {  	_ = 	snop  }
0x5: {  	_ = 	snop  }
0x6: {  	_ = 	snop  }
0x7: {  	_ = 	snop  }
__scs_overlays_trampoline_lowered:
0x8: {  	[smem:$0x3FA6] =	sst s0  }
0x9: {  	[smem:$0x3FA7] =	sst s1  }
0xa: {  	[smem:$0x3FA8] =	sst s2  }
0xb: {  	[smem:$0x3FA9] =	sst s3  }
0xc: {  	[smem:$0x3FAA] =	sst s4  }
0xd: {  	[smem:$0x3FAB] =	sst s5  }
0xe: {  	[smem:$0x3FAC] =	sst s6  }
0xf: {  	[smem:$0x3FAD] =	sst s7  }
0x10: {  	[smem:$0x3FAE] =	sst s8  }
0x11: {  	[smem:$0x3FAF] =	sst s9;
	s0 =	simm.s32 @!p0 $0x0  }
0x12: {  	s1 =	sld [smem:$0x3F95];
	s0 =	simm.s32 @p0 $0x1  }
0x13: {  	[smem:$0x3FB0] =	sst s0;
	s0 =	simm.s32 @!p1 $0x0  }
0x14: {  	s2 =	sld [smem:$0x3F94];
	s0 =	simm.s32 @p1 $0x1  }
0x15: {  	[smem:$0x3FB1] =	sst s0;
	s0 =	simm.s32 @!p2 $0x0  }
0x16: {  	s3 =	sld [smem:$0x3FDB];
	s0 =	simm.s32 @p2 $0x1  }
0x17: {  	s4 =	simm.s32 $0x1BF5;
	[smem:$0x3FB3] =	sst s0  }
0x18: {  	s0 =	sld [smem:$0x3F96];
	_ =	swait.ge [sflag:s4], $0x0  }
0x19: {  	s7 =	sld [smem:$0x3F97]  }
0x1a: {  	s8 =	sadd.s32 $0xFFFFE003, lr  }
0x1b: {  	s9 =	sadd.s32 $0xFFFFFEF7, lr;
	s5 =	simm.s32 $0xFFFFFFFF;
	p2 =	slt.u32 s8, $0xFFFFF086  }
0x1c: {  	p1 =	slt.u32 s9, $0xF7A;
	s5 =	simm.s32 @!p2 $0x0  }
0x1d: {  	s5 =	simm.s32 @p1 $0x1;
	p0 =	seq.s32 s7, s2  }
0x1e: {  	s7 =	smul.u32 @!p0 $0xF7A, s2;
	p2 =	seq.s32 @!p0 s5, $0x0  }
0x1f: {  	s9 =	smul.u32 $0xF7A, s1;
	s8 =	simm.s32 @!p0 $0x1BF5;
	p2 =	por !p2, p0  }
0x20: {  	[sflag:s8] =	ssyncset.s32 @!p0 $0xFFFFF086;
	s6 =	sadd.s32 @!p0 s3, s7;
	s7 =	simm.s32 @!p0 $0x108  }
0x21: {  	s3 =	sadd.s32 s3, s9;
	s6 =	sadd.s32 @!p0 $0x88, s6;
	s7 =	simm.s32 @p2 $0x1082  }
0x22: {  	[simem:s7], [sflag:s8] =	dma.local @!p0 [hbm:s6], $0xF7A  }
0x23: {  	s9 =	sor.u32 $0xD0000000, s2;
	s6 =	simm.s32 $0x108;
	_ =	swait.ge @!p0 [sflag:s8], $0x0  }
0x24: {  	s3 =	sadd.s32 $0x88, s3;
	s6 =	simm.s32 @!p1 $0x1082;
	[sflag:s4] =	ssyncset.s32 $0xFFFFF086  }
0x25: {  	[simem:s6], [sflag:s4] =	dma.local [hbm:s3], $0xF7A  }
0x26: {  	[smem:$0x3F97] =	sst s1;
	(tag) =	ssettag s2;
	_ =	strace s9  }
0x27: {  	s1 =	sld [smem:$0x3FA7]  }
0x28: {  	s2 =	sld [smem:$0x3FA8]  }
0x29: {  	s4 =	sld [smem:$0x3FAA]  }
0x2a: {  	p0 =	seq.s32 s5, $0x0;
	s5 =	sld [smem:$0x3FAB]  }
0x2b: {  	s6 =	sld [smem:$0x3FAC]  }
0x2c: {  	s7 =	sld [smem:$0x3FAD]  }
0x2d: {  	s3 =	simm.s32 $0x108;
	s8 =	sld [smem:$0x3FAE]  }
0x2e: {  	s3 =	simm.s32 @!p0 $0x1082;
	s9 =	sld [smem:$0x3FAF]  }
0x2f: {  	lr =	sadd.s32 s0, s3;
	s0 =	sld [smem:$0x3FA6]  }
0x30: {  	s3 =	sld [smem:$0x3FA9]  }
0x31: {  	[smem:$0x3FB2] =	sst s10  }
0x32: {  	s10 =	sld [smem:$0x3FB0];
	_ =	sdelay $0x3  }
0x33: {  	p0 =	seq.s32 s10, $0x1;
	s10 =	sld [smem:$0x3FB2];
	_ =	sdelay $0x3  }
0x34: {  	[smem:$0x3FB2] =	sst s10  }
0x35: {  	s10 =	sld [smem:$0x3FB1];
	_ =	sdelay $0x3  }
0x36: {  	p1 =	seq.s32 s10, $0x1;
	s10 =	sld [smem:$0x3FB2];
	_ =	sdelay $0x3  }
0x37: {  	[smem:$0x3FB2] =	sst s10  }
0x38: {  	s10 =	sld [smem:$0x3FB3]  }
0x39: {  	_ = 	snop;
	(pc) =	sbr.ind lr, $3  }
0x3a: {  	_ = 	snop  }
0x3b: {  	_ = 	snop  }
0x3c: {  	p2 =	seq.s32 s10, $0x1;
	s10 =	sld [smem:$0x3FB2]  }
0x3d: {  	_ =	shalt  }
0x3e: {  	_ =	shalt  }
0x3f: {  	_ =	shalt  }
0x40: {  	_ =	shalt  }
0x41: {  	_ =	shalt  }
0x42: {  	_ =	shalt  }
0x43: {  	_ =	shalt  }
0x44: {  	_ =	shalt  }
0x45: {  	_ =	shalt  }
0x46: {  	_ =	shalt  }
0x47: {  	_ =	shalt  }
0x48: {  	_ =	shalt  }
0x49: {  	_ =	shalt  }
0x4a: {  	_ =	shalt  }
0x4b: {  	_ =	shalt  }
0x4c: {  	_ =	shalt  }
0x4d: {  	_ =	shalt  }
0x4e: {  	_ =	shalt  }
0x4f: {  	_ =	shalt  }
0x50: {  	_ =	shalt  }
0x51: {  	_ =	shalt  }
0x52: {  	_ =	shalt  }
0x53: {  	_ =	shalt  }
0x54: {  	_ =	shalt  }
0x55: {  	_ =	shalt  }
0x56: {  	_ =	shalt  }
0x57: {  	_ =	shalt  }
0x58: {  	_ =	shalt  }
0x59: {  	_ =	shalt  }
0x5a: {  	_ =	shalt  }
0x5b: {  	_ =	shalt  }
0x5c: {  	_ =	shalt  }
0x5d: {  	_ =	shalt  }
0x5e: {  	_ =	shalt  }
0x5f: {  	_ =	shalt  }
0x60: {  	_ =	shalt  }
0x61: {  	_ =	shalt  }
0x62: {  	_ =	shalt  }
0x63: {  	_ =	shalt  }
0x64: {  	_ =	shalt  }
0x65: {  	_ =	shalt  }
0x66: {  	_ =	shalt  }
0x67: {  	_ =	shalt  }
0x68: {  	_ =	shalt  }
0x69: {  	_ =	shalt  }
0x6a: {  	_ =	shalt  }
0x6b: {  	_ =	shalt  }
0x6c: {  	_ =	shalt  }
0x6d: {  	_ =	shalt  }
0x6e: {  	_ =	shalt  }
0x6f: {  	_ =	shalt  }
0x70: {  	_ =	shalt  }
0x71: {  	_ =	shalt  }
0x72: {  	_ =	shalt  }
0x73: {  	_ =	shalt  }
0x74: {  	_ =	shalt  }
0x75: {  	_ =	shalt  }
0x76: {  	_ =	shalt  }
0x77: {  	_ =	shalt  }
0x78: {  	_ =	shalt  }
0x79: {  	_ =	shalt  }
0x7a: {  	_ =	shalt  }
0x7b: {  	_ =	shalt  }
0x7c: {  	_ =	shalt  }
0x7d: {  	_ =	shalt  }
0x7e: {  	_ =	shalt  }
0x7f: {  	_ =	shalt  }
0x80: {  	_ =	shalt  }
0x81: {  	_ =	shalt  }
0x82: {  	_ =	shalt  }
0x83: {  	_ =	shalt  }
0x84: {  	_ =	shalt  }
0x85: {  	_ =	shalt  }
0x86: {  	_ =	shalt  }
0x87: {  	_ =	shalt  }
.Lfunc_end0:
.L_simem_size_0:
called_computation.1_lowered:
.L_overlay_start_0:
0x88: {  	s2 =	sld [smem:$0x3FD9]  }
0x89: {  	s3 =	sld [smem:$0x3FFE];
	_ =	sdelay $0x1  }
0x8a: {  	s1 =	srdreg.scid  }
0x8b: {  	s0 =	sand.u32 $0x1, s1  }
0x8c: {  	s17 =	sshll.u32 s0, $0xA;
	s2 =	sadd.s32 s3, s2  }
0x8d: {  	s2 =	sadd.s32 s2, s17  }
0x8e: {  	[smem:$0x3FBE] =	sst s2  }
0x8f: {  	_ = 	snop  }
0x90: {  	s2 =	sld [smem:$0x3FD0];
	(tm) =	ssettm $0x1  }
0x91: {  	s18 =	sld [smem:$0x3FFB];
	_ =	sdelay $0x3  }
0x92: {  	_ =	strace s18  }
0x93: {  	s3 =	sld [smem:$0x3FFC];
	_ =	sdelay $0x3  }
0x94: {  	_ =	strace s3  }
0x95: {  	s3 =	sld [smem:$0x3FFD];
	_ =	sdelay $0x3  }
0x96: {  	_ =	strace s3  }
0x97: {  	_ =	strace $0x8FFFFFFF  }
0x98: {  	s19 =	sld [smem:$0x3FDB];
	_ =	sdelay $0x1  }
0x99: {  	s4 =	simm.s32 $_scs_section_size  }
0x9a: {  	s5 =	simm.s32 $_size__tile_overlayer_lowered;
	s6 =	simm.s32 $_tile_overlayer_lowered  }
0x9b: {  	s22 =	simm.s32 $0x1BFF;
	s21 =	sshll.u32 s6, $0x1;
	s3 =	sadd.s32 s4, s19  }
0x9c: {  	s7 =	simm.s32 $0x0;
	s20 =	sshll.u32 s5, $0x1;
	s5 =	sadd.s32 s21, s3  }
0x9d: {  	[timem:s7], [sflag:s22] =	dma.local [hbm:s5], s20  }
0x9e: {  	_ =	swait.ge [sflag:s22], s20  }
0x9f: {  	s4 =	ssub.s32 $0x0, s20;
	[sflag:s22] =	ssyncset.done $0x0  }
0xa0: {  	[sflag:s22] =	ssyncadd.s32 s4;
	_ =	sdelay $0x1  }
0xa1: {  	s23 =	simm.s32 $0x1B8B  }
0xa2: {  	_ =	swait.ge [sflag:s23], $0x1  }
0xa3: {  	[sflag:s23] =	ssyncset.done $0x0  }
0xa4: {  	s25 =	simm.s32 $0x1B8E;
	s24 =	sld [smem:$0x3FFE];
	[sflag:s23] =	ssyncadd.s32 $0xFFFFFFFF  }
0xa5: {  	s26 =	simm.s32 $execute0_lowered;
	[smem:$0x3FD2] =	sst s25  }
0xa6: {  	s5 =	sshll.u32 s26, $0x1;
	_ =	strace $0x80000049;
	[dreg:$0x1] =	wrdreg $0xFFFFFFFF  }
0xa7: {  	s28 =	simm.s32 $_size_execute0_lowered;
	s3 =	sadd.s32 s3, s5;
	[dreg:$0x0] =	wrdreg $0x0  }
0xa8: {  	s5 =	sshll.u32 s28, $0x1;
	[dreg:$0x2] =	wrdreg s3  }
0xa9: {  	[dreg:$0x3] =	wrdreg s5  }
0xaa: {  	[dreg:$0x4] =	wrdreg $0xC0  }
0xab: {  	_ =	task [dreg:s7], $0x5FFFF  }
0xac: {  	[dreg:$0x1] =	wrdreg $0xFFFFFFFF  }
0xad: {  	[dreg:$0x0] =	wrdreg $0x60  }
0xae: {  	[dreg:$0x2] =	wrdreg s24  }
0xaf: {  	[dreg:$0x3] =	wrdreg s2  }
0xb0: {  	[dreg:$0x4] =	wrdreg $0x88000  }
0xb1: {  	[dreg:$0x5] =	wrdreg $0x9  }
0xb2: {  	_ =	task.clear_ibuf [dreg:s7], $0x6FFFF;
	_ =	strace $0x90000049  }
0xb3: {  	s29 =	simm.s32 $0x9;
	_ =	strace $0x8000004B  }
0xb4: {  	_ =	swait.ge [sflag:s29], $0x1  }
0xb5: {  	[sflag:s29] =	ssyncadd.s32 $0xFFFFFFFF  }
0xb6: {  	_ =	strace $0x9000004B  }
0xb7: {  	_ =	sfence  }
0xb8: {  	s30 =	sld [smem:$0x0];
	_ =	sdelay $0x2  }
0xb9: {  	s31 =	sshll.u32 s1, $0xD;
	s1 =	sshrl.u32 s1, $0x2  }
0xba: {  	s3 =	sand.u32 $0x4000, s31;
	s1 =	sadd.s32 s1, s30  }
0xbb: {  	s0 =	sor.u32 s3, s0;
	s1 =	sshll.u32 s1, $0x11  }
0xbc: {  	s0 =	sor.u32 s1, s0  }
0xbd: {  	s0 =	sadd.s32 $0x8F2B, s0  }
0xbe: {  	[sflag:s0] =	ssyncadd.remote.s32 $0x1  }
0xbf: {  	_ =	sfence.sel $0xFFFF  }
0xc0: {  	[dreg:$0x0] =	wrdreg $0xFFFFFFFF;
	(pc) =	sbr.abs _section_cstart, $3  }
0xc1: {  	[dreg:$0x1] =	wrdreg $0xFFFFFFFF  }
0xc2: {  	_ =	task.clear_ibuf [dreg:s7], $0x2FFFF;
	_ =	strace $0x9FFFFFFF  }
0xc3: {  	(tm) =	ssettm $0x7FFFFFFF  }
tec
execute0_lowered:
.L_overlay_start_1:
0x0: {  	(tag) =	ssettag $0x1  }
0x1: {  	s0 =	rddreg [dreg:$0x0]  }
0x2: {  	s2 =	rddreg [dreg:$0x1]  }
0x3: {  	s3 =	srdreg.scid;
	s1 =	rddreg [dreg:$0x2]  }
0x4: {  	s10 =	stileid.u32;
	s6 =	simm.s32 $0x78;
	s28 =	simm.s32 $0x480  }
0x5: {  	s29 =	simm.s32 $0x180;
	s5 =	sand.u32 $0x1, s3;
	s25 =	smul.u32 $0x50000, s10  }
0x6: {  	s30 =	simm.s32 $0x500;
	p0 =	seq.s32 s5, $0x0;
	s4 =	smul.u32 $0x780, s5  }
0x7: {  	s9 =	ssub.s32 $0x2, s5;
	s5 =	smul.u32 $0x140000, s5;
	s6 =	simm.s32 @!p0 $0x28  }
0x8: {  	s31 =	simm.s32 $0x200;
	s3 =	simm.s32 $0x0;
	s7 =	smul.u32 s10, s6  }
0x9: {  	[smem:$0x7FF] =	sst s3;
	s12 =	sshrl.u32 s9, $0x1;
	s10 =	smul.u32 $0x14000, s10  }
0xa: {  	_ =	strace $0x8000004A;
	s12 =	ssub.s32 s9, s12;
	s7 =	sadd.s32 s4, s7  }
0xb: {  	s4 =	sadd.s32 $0xD000, s0;
	s26 =	sadd.s32 $0x4000, s10;
	s13 =	sadd.s32 $0x8000, s10  }
0xc: {  	s14 =	sadd.s32 $0xC000, s10;
	s15 =	sadd.s32 $0x10000, s10;
	s10 =	sadd.s32 s10, s5  }
0xd: {  	s8 =	sshll.u32 s7, $0x4;
	s7 =	sshrl.u32 s25, $0x2;
	s16 =	sadd.s32 s26, s1  }
0xe: {  	s17 =	sadd.s32 s13, s1;
	s19 =	sadd.s32 s14, s1;
	s20 =	sadd.s32 s15, s1  }
0xf: {  	s23 =	sadd.s32 s5, s13;
	s24 =	sadd.s32 s5, s14;
	[dreg:$0x4] =	wrdreg s16  }
0x10: {  	s13 =	simm.s32 $0x680;
	s14 =	simm.s32 $0x380;
	[dreg:$0x5] =	wrdreg s17  }
0x11: {  	s11 =	sadd.s32 s8, s0;
	s0 =	sadd.s32 $0x35000, s0;
	[dreg:$0x6] =	wrdreg s19  }
0x12: {  	s18 =	sadd.s32 s7, s1;
	s7 =	sadd.s32 s5, s26;
	[dreg:$0x7] =	wrdreg s20  }
0x13: {  	s16 =	sshrl.u32 s10, $0x3;
	s10 =	sshrl.u32 s6, $0x3;
	s5 =	sadd.s32 s5, s15  }
0x14: {  	s6 =	sshrl.u32 s23, $0x3;
	s26 =	smax.u32 s12, $0x1;
	s8 =	sadd.s32 s8, s2  }
0x15: {  	s19 =	simm.s32 $0x800;
	s20 =	simm.s32 $0x3;
	s23 =	simm.s32 $0x1  }
0x16: {  	s2 =	simm.s32 $0x580;
	s12 =	simm.s32 $0x300;
	s15 =	simm.s32 $0x700  }
0x17: {  	s7 =	sshrl.u32 s7, $0x3;
	s21 =	sadd.s32 s0, s16;
	s5 =	sshrl.u32 s5, $0x3  }
0x18: {  	s6 =	sadd.s32 s0, s6;
	[dreg:$0xd] =	wrdreg s26;
	s26 =	simm.s32 $0x100  }
0x19: {  	s16 =	simm.s32 $0x780;
	[dreg:$0x8] =	wrdreg s21;
	s22 =	sadd.s32 s0, s7  }
0x1a: {  	s7 =	sshrl.u32 s24, $0x3;
	[dreg:$0xa] =	wrdreg s6;
	s21 =	simm.s32 $0x400  }
0x1b: {  	s24 =	simm.s32 $0x4800;
	[dreg:$0x9] =	wrdreg s22;
	s25 =	sadd.s32 s0, s7  }
0x1c: {  	s0 =	sadd.s32 s0, s5;
	s7 =	sadd.s32 $0x3000, s11;
	s22 =	simm.s32 $0x80  }
0x1d: {  	s11 =	simm.s32 $0x600;
	s5 =	simm.s32 $0x0;
	[dreg:$0xb] =	wrdreg s25  }
0x1e: {  	v0 =	vimm.f32 $0.0e+00;
	[dreg:$0xc] =	wrdreg s0;
	s25 =	simm.s32 $0x2;
	s0 =	simm.s32 $0x280  }
.LBB2_1:
0x1f: {  	s6 =	simm.s32 $0x0;
	s17 =	simm.s32 $0x200  }
.LBB2_2:
0x20: {  	p0 =	sne.s32 s17, $0xFE00;
	[tilespmem:s6+$0x870] =	vst v0  }
0x21: {  	[tilespmem:s6+$0x800] =	vst v0  }
0x22: {  	[tilespmem:s6+$0x810] =	vst v0  }
.Ltmp0:
0x23: {  	[tilespmem:s6+$0x820] =	vst v0;
	(pc) =	sbr.rel @p0 .LBB2_2-.Ltmp0, $4  }
0x24: {  	[tilespmem:s6+$0x830] =	vst v0  }
0x25: {  	[tilespmem:s6+$0x840] =	vst v0  }
0x26: {  	[tilespmem:s6+$0x850] =	vst v0  }
0x27: {  	[tilespmem:s6+$0x860] =	vst v0;
	s6 =	sshra.s32 s17, $0x2;
	s17 =	sadd.s32 $0x200, s17  }
0x28: {  	[tilespmem:s6+$0x870] =	vst v0  }
0x29: {  	[tilespmem:s6+$0x800] =	vst v0  }
0x2a: {  	[tilespmem:s6+$0x810] =	vst v0  }
0x2b: {  	[tilespmem:s6+$0x820] =	vst v0  }
0x2c: {  	[tilespmem:s6+$0x830] =	vst v0  }
0x2d: {  	[tilespmem:s6+$0x840] =	vst v0  }
0x2e: {  	[tilespmem:s6+$0x850] =	vst v0  }
0x2f: {  	[tilespmem:s6+$0x860] =	vst v0  }
0x30: {  	[spmem:s18] =	stream.linear.scatter [tilespmem:s19], [sflag:$0x3], $0x4000, $0x38;
	[tilespmem:$0x1C800] =	vst v63  }
0x31: {  	_ =	swait.ge [sflag:s20], $0x4000  }
0x32: {  	[sflag:s20] =	ssyncset.done $0x0  }
0x33: {  	s17 =	rddreg [dreg:$0x4];
	[sflag:s20] =	ssyncadd.s32 $0xFFFFC000  }
0x34: {  	[spmem:s17] =	stream.linear.scatter [tilespmem:s19], [sflag:$0x3], $0x4000, $0x38;
	[tilespmem:$0x1C800] =	vst v63  }
0x35: {  	_ =	swait.ge [sflag:s20], $0x4000  }
0x36: {  	[sflag:s20] =	ssyncset.done $0x0  }
0x37: {  	s9 =	smov.u32 s18;
	s18 =	rddreg [dreg:$0x5];
	[sflag:s20] =	ssyncadd.s32 $0xFFFFC000  }
0x38: {  	[spmem:s18] =	stream.linear.scatter [tilespmem:s19], [sflag:$0x3], $0x4000, $0x38;
	[tilespmem:$0x1C800] =	vst v63  }
0x39: {  	_ =	swait.ge [sflag:s20], $0x4000  }
0x3a: {  	[sflag:s20] =	ssyncset.done $0x0  }
0x3b: {  	s17 =	rddreg [dreg:$0x6];
	[sflag:s20] =	ssyncadd.s32 $0xFFFFC000  }
0x3c: {  	[spmem:s17] =	stream.linear.scatter [tilespmem:s19], [sflag:$0x3], $0x4000, $0x38;
	[tilespmem:$0x1C800] =	vst v63  }
0x3d: {  	_ =	swait.ge [sflag:s20], $0x4000  }
0x3e: {  	[sflag:s20] =	ssyncset.done $0x0  }
0x3f: {  	s18 =	rddreg [dreg:$0x7];
	[sflag:s20] =	ssyncadd.s32 $0xFFFFC000  }
0x40: {  	[spmem:s18] =	stream.linear.scatter [tilespmem:s19], [sflag:$0x3], $0x4000, $0x38;
	[tilespmem:$0x1C800] =	vst v63  }
0x41: {  	_ =	swait.ge [sflag:s20], $0x4000  }
0x42: {  	[sflag:s20] =	ssyncset.done $0x0  }
0x43: {  	[sflag:s20] =	ssyncadd.s32 $0xFFFFC000  }
0x44: {  	[bflag:$0x0] =	sbarrier.arrive $0xFFFF  }
0x45: {  	[tilespmem:s3], [sflag:$0x3] =	stream.linear.gather [hbm4b:s8+s3], $0x400, $0x38;
	[tilespmem:$0x1C800] =	vst v63  }
0x46: {  	_ =	swait.ge [sflag:s20], $0x400  }
0x47: {  	[sflag:s20] =	ssyncset.done $0x0  }
0x48: {  	[sflag:s20] =	ssyncadd.s32 $0xFFFFFC00  }
0x49: {  	[tilespmem:s21], [sflag:$0x3] =	stream.linear.gather [hbm4b:s7+s3], $0x400, $0x38;
	[tilespmem:$0x1C800] =	vst v63  }
0x4a: {  	_ =	swait.ge [sflag:s20], $0x400  }
0x4b: {  	[sflag:s20] =	ssyncset.done $0x0  }
0x4c: {  	[sflag:s20] =	ssyncadd.s32 $0xFFFFFC00  }
0x4d: {  	[tilespmem:s19], [sflag:$0x1] =	stream.indirect.gather [hbm4b:s4+s22], $0x80, s3, s22, $0xb8;
	[tilespmem:$0x1C800] =	vst v63  }
0x4e: {  	_ =	swait.ge [sflag:s23], $0x4000  }
0x4f: {  	[sflag:s23] =	ssyncset.done $0x0  }
0x50: {  	[sflag:s23] =	ssyncadd.s32 $0xFFFFC000  }
0x51: {  	[tilespmem:s24], [sflag:$0x2] =	stream.indirect.gather [hbm4b:s4+s22], $0x80, s22, s22, $0xb8;
	[tilespmem:$0x1C800] =	vst v63  }
0x52: {  	_ = 	snop  }
0x53: {  	[spmem:s1] =	stream.indirect.scatter.add.f32 [tilespmem:s19], [sflag:$0x3], $0x80, s21, s22, $0xb8;
	[tilespmem:$0x1C800] =	vst v63  }
0x54: {  	_ =	swait.ge [sflag:s20], $0x4000  }
0x55: {  	[sflag:s20] =	ssyncset.done $0x0  }
0x56: {  	[sflag:s20] =	ssyncadd.s32 $0xFFFFC000  }
0x57: {  	_ =	swait.ge [sflag:s25], $0x4000  }
0x58: {  	[sflag:s25] =	ssyncset.done $0x0  }
0x59: {  	[sflag:s25] =	ssyncadd.s32 $0xFFFFC000  }
0x5a: {  	[tilespmem:s19], [sflag:$0x1] =	stream.indirect.gather [hbm4b:s4+s22], $0x80, s26, s22, $0xb8;
	[tilespmem:$0x1C800] =	vst v63  }
0x5b: {  	_ = 	snop  }
0x5c: {  	[spmem:s1] =	stream.indirect.scatter.add.f32 [tilespmem:s24], [sflag:$0x3], $0x80, s28, s22, $0xb8;
	[tilespmem:$0x1C800] =	vst v63  }
0x5d: {  	_ =	swait.ge [sflag:s20], $0x4000  }
0x5e: {  	[sflag:s20] =	ssyncset.done $0x0  }
0x5f: {  	[sflag:s20] =	ssyncadd.s32 $0xFFFFC000  }
0x60: {  	_ =	swait.ge [sflag:s23], $0x4000  }
0x61: {  	[sflag:s23] =	ssyncset.done $0x0  }
0x62: {  	[sflag:s23] =	ssyncadd.s32 $0xFFFFC000  }
0x63: {  	[tilespmem:s24], [sflag:$0x2] =	stream.indirect.gather [hbm4b:s4+s22], $0x80, s29, s22, $0xb8;
	[tilespmem:$0x1C800] =	vst v63  }
0x64: {  	_ = 	snop  }
0x65: {  	[spmem:s1] =	stream.indirect.scatter.add.f32 [tilespmem:s19], [sflag:$0x3], $0x80, s30, s22, $0xb8;
	[tilespmem:$0x1C800] =	vst v63  }
0x66: {  	_ =	swait.ge [sflag:s20], $0x4000  }
0x67: {  	[sflag:s20] =	ssyncset.done $0x0  }
0x68: {  	[sflag:s20] =	ssyncadd.s32 $0xFFFFC000  }
0x69: {  	_ =	swait.ge [sflag:s25], $0x4000  }
0x6a: {  	[sflag:s25] =	ssyncset.done $0x0  }
0x6b: {  	[sflag:s25] =	ssyncadd.s32 $0xFFFFC000  }
0x6c: {  	[tilespmem:s19], [sflag:$0x1] =	stream.indirect.gather [hbm4b:s4+s22], $0x80, s31, s22, $0xb8;
	[tilespmem:$0x1C800] =	vst v63  }
0x6d: {  	_ = 	snop  }
0x6e: {  	[spmem:s1] =	stream.indirect.scatter.add.f32 [tilespmem:s24], [sflag:$0x3], $0x80, s2, s22, $0xb8;
	[tilespmem:$0x1C800] =	vst v63  }
0x6f: {  	_ =	swait.ge [sflag:s20], $0x4000  }
0x70: {  	[sflag:s20] =	ssyncset.done $0x0  }
0x71: {  	[sflag:s20] =	ssyncadd.s32 $0xFFFFC000  }
0x72: {  	_ =	swait.ge [sflag:s23], $0x4000  }
0x73: {  	[sflag:s23] =	ssyncset.done $0x0  }
0x74: {  	[sflag:s23] =	ssyncadd.s32 $0xFFFFC000  }
0x75: {  	[tilespmem:s24], [sflag:$0x2] =	stream.indirect.gather [hbm4b:s4+s22], $0x80, s0, s22, $0xb8;
	[tilespmem:$0x1C800] =	vst v63  }
0x76: {  	_ = 	snop  }
0x77: {  	[spmem:s1] =	stream.indirect.scatter.add.f32 [tilespmem:s19], [sflag:$0x3], $0x80, s11, s22, $0xb8;
	[tilespmem:$0x1C800] =	vst v63  }
0x78: {  	_ =	swait.ge [sflag:s20], $0x4000  }
0x79: {  	[sflag:s20] =	ssyncset.done $0x0  }
0x7a: {  	[sflag:s20] =	ssyncadd.s32 $0xFFFFC000  }
0x7b: {  	_ =	swait.ge [sflag:s25], $0x4000  }
0x7c: {  	[sflag:s25] =	ssyncset.done $0x0  }
0x7d: {  	[sflag:s25] =	ssyncadd.s32 $0xFFFFC000  }
0x7e: {  	[tilespmem:s19], [sflag:$0x1] =	stream.indirect.gather [hbm4b:s4+s22], $0x80, s12, s22, $0xb8;
	[tilespmem:$0x1C800] =	vst v63  }
0x7f: {  	_ = 	snop  }
0x80: {  	[spmem:s1] =	stream.indirect.scatter.add.f32 [tilespmem:s24], [sflag:$0x3], $0x80, s13, s22, $0xb8;
	[tilespmem:$0x1C800] =	vst v63  }
0x81: {  	_ =	swait.ge [sflag:s20], $0x4000  }
0x82: {  	[sflag:s20] =	ssyncset.done $0x0  }
0x83: {  	[sflag:s20] =	ssyncadd.s32 $0xFFFFC000  }
0x84: {  	_ =	swait.ge [sflag:s23], $0x4000  }
0x85: {  	[sflag:s23] =	ssyncset.done $0x0  }
0x86: {  	[sflag:s23] =	ssyncadd.s32 $0xFFFFC000  }
0x87: {  	[tilespmem:s24], [sflag:$0x2] =	stream.indirect.gather [hbm4b:s4+s22], $0x80, s14, s22, $0xb8;
	[tilespmem:$0x1C800] =	vst v63  }
0x88: {  	_ = 	snop  }
0x89: {  	[spmem:s1] =	stream.indirect.scatter.add.f32 [tilespmem:s19], [sflag:$0x3], $0x80, s15, s22, $0xb8;
	[tilespmem:$0x1C800] =	vst v63  }
0x8a: {  	_ =	swait.ge [sflag:s20], $0x4000  }
0x8b: {  	[sflag:s20] =	ssyncset.done $0x0  }
0x8c: {  	[sflag:s20] =	ssyncadd.s32 $0xFFFFC000  }
0x8d: {  	p0 =	sne.s32 s10, $0x1;
	_ =	swait.ge [sflag:s25], $0x4000  }
.Ltmp1:
0x8e: {  	[sflag:s25] =	ssyncset.done $0x0;
	(pc) =	sbr.rel @!p0 .LBB2_5-.Ltmp1, $4  }
0x8f: {  	[sflag:s25] =	ssyncadd.s32 $0xFFFFC000  }
0x90: {  	[spmem:s1] =	stream.indirect.scatter.add.f32 [tilespmem:s24], [sflag:$0x3], $0x80, s16, s22, $0xb8;
	[tilespmem:$0x1C800] =	vst v63  }
0x91: {  	s6 =	sadd.s32 $0xFFFFFFFF, s10;
	_ =	swait.ge [sflag:s20], $0x4000  }
0x92: {  	s17 =	smov.u32 s7;
	s18 =	smov.u32 s8;
	[sflag:s20] =	ssyncset.done $0x0  }
.LBB2_4:
0x93: {  	[sflag:s20] =	ssyncadd.s32 $0xFFFFC000;
	s17 =	sadd.s32 $0x80, s17;
	s18 =	sadd.s32 $0x80, s18  }
0x94: {  	[tilespmem:s3], [sflag:$0x3] =	stream.linear.gather [hbm4b:s18+s3], $0x400, $0x38;
	[tilespmem:$0x1C800] =	vst v63  }
0x95: {  	p0 =	sne.s32 s6, $0x1;
	s6 =	sadd.s32 $0xFFFFFFFF, s6;
	_ =	swait.ge [sflag:s20], $0x400  }
0x96: {  	[sflag:s20] =	ssyncset.done $0x0  }
0x97: {  	[sflag:s20] =	ssyncadd.s32 $0xFFFFFC00  }
0x98: {  	[tilespmem:s21], [sflag:$0x3] =	stream.linear.gather [hbm4b:s17+s3], $0x400, $0x38;
	[tilespmem:$0x1C800] =	vst v63  }
0x99: {  	_ =	swait.ge [sflag:s20], $0x400  }
0x9a: {  	[sflag:s20] =	ssyncset.done $0x0  }
0x9b: {  	[sflag:s20] =	ssyncadd.s32 $0xFFFFFC00  }
0x9c: {  	[tilespmem:s19], [sflag:$0x1] =	stream.indirect.gather [hbm4b:s4+s22], $0x80, s3, s22, $0xb8;
	[tilespmem:$0x1C800] =	vst v63  }
0x9d: {  	_ =	swait.ge [sflag:s23], $0x4000  }
0x9e: {  	[sflag:s23] =	ssyncset.done $0x0  }
0x9f: {  	[sflag:s23] =	ssyncadd.s32 $0xFFFFC000  }
0xa0: {  	[tilespmem:s24], [sflag:$0x2] =	stream.indirect.gather [hbm4b:s4+s22], $0x80, s22, s22, $0xb8;
	[tilespmem:$0x1C800] =	vst v63  }
0xa1: {  	_ = 	snop  }
0xa2: {  	[spmem:s1] =	stream.indirect.scatter.add.f32 [tilespmem:s19], [sflag:$0x3], $0x80, s21, s22, $0xb8;
	[tilespmem:$0x1C800] =	vst v63  }
0xa3: {  	_ =	swait.ge [sflag:s20], $0x4000  }
0xa4: {  	[sflag:s20] =	ssyncset.done $0x0  }
0xa5: {  	[sflag:s20] =	ssyncadd.s32 $0xFFFFC000  }
0xa6: {  	_ =	swait.ge [sflag:s25], $0x4000  }
0xa7: {  	[sflag:s25] =	ssyncset.done $0x0  }
0xa8: {  	[sflag:s25] =	ssyncadd.s32 $0xFFFFC000  }
0xa9: {  	[tilespmem:s19], [sflag:$0x1] =	stream.indirect.gather [hbm4b:s4+s22], $0x80, s26, s22, $0xb8;
	[tilespmem:$0x1C800] =	vst v63  }
0xaa: {  	_ = 	snop  }
0xab: {  	[spmem:s1] =	stream.indirect.scatter.add.f32 [tilespmem:s24], [sflag:$0x3], $0x80, s28, s22, $0xb8;
	[tilespmem:$0x1C800] =	vst v63  }
0xac: {  	_ =	swait.ge [sflag:s20], $0x4000  }
0xad: {  	[sflag:s20] =	ssyncset.done $0x0  }
0xae: {  	[sflag:s20] =	ssyncadd.s32 $0xFFFFC000  }
0xaf: {  	_ =	swait.ge [sflag:s23], $0x4000  }
0xb0: {  	[sflag:s23] =	ssyncset.done $0x0  }
0xb1: {  	[sflag:s23] =	ssyncadd.s32 $0xFFFFC000  }
0xb2: {  	[tilespmem:s24], [sflag:$0x2] =	stream.indirect.gather [hbm4b:s4+s22], $0x80, s29, s22, $0xb8;
	[tilespmem:$0x1C800] =	vst v63  }
0xb3: {  	_ = 	snop  }
0xb4: {  	[spmem:s1] =	stream.indirect.scatter.add.f32 [tilespmem:s19], [sflag:$0x3], $0x80, s30, s22, $0xb8;
	[tilespmem:$0x1C800] =	vst v63  }
0xb5: {  	_ =	swait.ge [sflag:s20], $0x4000  }
0xb6: {  	[sflag:s20] =	ssyncset.done $0x0  }
0xb7: {  	[sflag:s20] =	ssyncadd.s32 $0xFFFFC000  }
0xb8: {  	_ =	swait.ge [sflag:s25], $0x4000  }
0xb9: {  	[sflag:s25] =	ssyncset.done $0x0  }
0xba: {  	[sflag:s25] =	ssyncadd.s32 $0xFFFFC000  }
0xbb: {  	[tilespmem:s19], [sflag:$0x1] =	stream.indirect.gather [hbm4b:s4+s22], $0x80, s31, s22, $0xb8;
	[tilespmem:$0x1C800] =	vst v63  }
0xbc: {  	_ = 	snop  }
0xbd: {  	[spmem:s1] =	stream.indirect.scatter.add.f32 [tilespmem:s24], [sflag:$0x3], $0x80, s2, s22, $0xb8;
	[tilespmem:$0x1C800] =	vst v63  }
0xbe: {  	_ =	swait.ge [sflag:s20], $0x4000  }
0xbf: {  	[sflag:s20] =	ssyncset.done $0x0  }
0xc0: {  	[sflag:s20] =	ssyncadd.s32 $0xFFFFC000  }
0xc1: {  	_ =	swait.ge [sflag:s23], $0x4000  }
0xc2: {  	[sflag:s23] =	ssyncset.done $0x0  }
0xc3: {  	[sflag:s23] =	ssyncadd.s32 $0xFFFFC000  }
0xc4: {  	[tilespmem:s24], [sflag:$0x2] =	stream.indirect.gather [hbm4b:s4+s22], $0x80, s0, s22, $0xb8;
	[tilespmem:$0x1C800] =	vst v63  }
0xc5: {  	_ = 	snop  }
0xc6: {  	[spmem:s1] =	stream.indirect.scatter.add.f32 [tilespmem:s19], [sflag:$0x3], $0x80, s11, s22, $0xb8;
	[tilespmem:$0x1C800] =	vst v63  }
0xc7: {  	_ =	swait.ge [sflag:s20], $0x4000  }
0xc8: {  	[sflag:s20] =	ssyncset.done $0x0  }
0xc9: {  	[sflag:s20] =	ssyncadd.s32 $0xFFFFC000  }
0xca: {  	_ =	swait.ge [sflag:s25], $0x4000  }
0xcb: {  	[sflag:s25] =	ssyncset.done $0x0  }
0xcc: {  	[sflag:s25] =	ssyncadd.s32 $0xFFFFC000  }
0xcd: {  	[tilespmem:s19], [sflag:$0x1] =	stream.indirect.gather [hbm4b:s4+s22], $0x80, s12, s22, $0xb8;
	[tilespmem:$0x1C800] =	vst v63  }
0xce: {  	_ = 	snop  }
0xcf: {  	[spmem:s1] =	stream.indirect.scatter.add.f32 [tilespmem:s24], [sflag:$0x3], $0x80, s13, s22, $0xb8;
	[tilespmem:$0x1C800] =	vst v63  }
0xd0: {  	_ =	swait.ge [sflag:s20], $0x4000  }
0xd1: {  	[sflag:s20] =	ssyncset.done $0x0  }
0xd2: {  	[sflag:s20] =	ssyncadd.s32 $0xFFFFC000  }
0xd3: {  	_ =	swait.ge [sflag:s23], $0x4000  }
0xd4: {  	[sflag:s23] =	ssyncset.done $0x0  }
0xd5: {  	[sflag:s23] =	ssyncadd.s32 $0xFFFFC000  }
0xd6: {  	[tilespmem:s24], [sflag:$0x2] =	stream.indirect.gather [hbm4b:s4+s22], $0x80, s14, s22, $0xb8;
	[tilespmem:$0x1C800] =	vst v63  }
0xd7: {  	_ = 	snop  }
0xd8: {  	[spmem:s1] =	stream.indirect.scatter.add.f32 [tilespmem:s19], [sflag:$0x3], $0x80, s15, s22, $0xb8;
	[tilespmem:$0x1C800] =	vst v63  }
0xd9: {  	_ =	swait.ge [sflag:s20], $0x4000  }
0xda: {  	[sflag:s20] =	ssyncset.done $0x0  }
0xdb: {  	[sflag:s20] =	ssyncadd.s32 $0xFFFFC000  }
0xdc: {  	_ =	swait.ge [sflag:s25], $0x4000  }
.Ltmp2:
0xdd: {  	[sflag:s25] =	ssyncset.done $0x0;
	(pc) =	sbr.rel @p0 .LBB2_4-.Ltmp2, $4  }
0xde: {  	[sflag:s25] =	ssyncadd.s32 $0xFFFFC000  }
0xdf: {  	[spmem:s1] =	stream.indirect.scatter.add.f32 [tilespmem:s24], [sflag:$0x3], $0x80, s16, s22, $0xb8;
	[tilespmem:$0x1C800] =	vst v63  }
0xe0: {  	_ =	swait.ge [sflag:s20], $0x4000  }
0xe1: {  	[sflag:s20] =	ssyncset.done $0x0  }
.LBB2_5:
0xe2: {  	[sflag:s20] =	ssyncadd.s32 $0xFFFFC000  }
0xe3: {  	[bflag:$0x0] =	sbarrier.arrive $0xFFFF  }
0xe4: {  	[tilespmem:s19], [sflag:$0x3] =	stream.linear.gather [spmem:s9], $0x4000, $0x38;
	[tilespmem:$0x1C800] =	vst v63  }
0xe5: {  	_ =	swait.ge [sflag:s20], $0x4000  }
0xe6: {  	[sflag:s20] =	ssyncset.done $0x0  }
0xe7: {  	s6 =	rddreg [dreg:$0x8];
	[sflag:s20] =	ssyncadd.s32 $0xFFFFC000  }
0xe8: {  	[hbm4b:s6+s3] =	stream.linear.scatter [tilespmem:s19], [sflag:$0x3], $0x4000, $0x38;
	[tilespmem:$0x1C800] =	vst v63  }
0xe9: {  	_ =	swait.ge [sflag:s20], $0x4000  }
0xea: {  	[sflag:s20] =	ssyncset.done $0x0  }
0xeb: {  	s17 =	rddreg [dreg:$0x4];
	[sflag:s20] =	ssyncadd.s32 $0xFFFFC000  }
0xec: {  	[tilespmem:s19], [sflag:$0x3] =	stream.linear.gather [spmem:s17], $0x4000, $0x38;
	[tilespmem:$0x1C800] =	vst v63  }
0xed: {  	_ =	swait.ge [sflag:s20], $0x4000  }
0xee: {  	[sflag:s20] =	ssyncset.done $0x0  }
0xef: {  	s18 =	smov.u32 s9;
	s9 =	rddreg [dreg:$0x9];
	[sflag:s20] =	ssyncadd.s32 $0xFFFFC000  }
0xf0: {  	[hbm4b:s9+s3] =	stream.linear.scatter [tilespmem:s19], [sflag:$0x3], $0x4000, $0x38;
	[tilespmem:$0x1C800] =	vst v63  }
0xf1: {  	_ =	swait.ge [sflag:s20], $0x4000  }
0xf2: {  	[sflag:s20] =	ssyncset.done $0x0  }
0xf3: {  	s17 =	rddreg [dreg:$0x5];
	[sflag:s20] =	ssyncadd.s32 $0xFFFFC000  }
0xf4: {  	[tilespmem:s19], [sflag:$0x3] =	stream.linear.gather [spmem:s17], $0x4000, $0x38;
	[tilespmem:$0x1C800] =	vst v63  }
0xf5: {  	_ =	swait.ge [sflag:s20], $0x4000  }
0xf6: {  	[sflag:s20] =	ssyncset.done $0x0  }
0xf7: {  	s9 =	rddreg [dreg:$0xa];
	[sflag:s20] =	ssyncadd.s32 $0xFFFFC000  }
0xf8: {  	[hbm4b:s9+s3] =	stream.linear.scatter [tilespmem:s19], [sflag:$0x3], $0x4000, $0x38;
	[tilespmem:$0x1C800] =	vst v63  }
0xf9: {  	_ =	swait.ge [sflag:s20], $0x4000  }
0xfa: {  	[sflag:s20] =	ssyncset.done $0x0  }
0xfb: {  	s17 =	rddreg [dreg:$0x6];
	[sflag:s20] =	ssyncadd.s32 $0xFFFFC000  }
0xfc: {  	[tilespmem:s19], [sflag:$0x3] =	stream.linear.gather [spmem:s17], $0x4000, $0x38;
	[tilespmem:$0x1C800] =	vst v63  }
0xfd: {  	_ =	swait.ge [sflag:s20], $0x4000  }
0xfe: {  	[sflag:s20] =	ssyncset.done $0x0  }
0xff: {  	s9 =	rddreg [dreg:$0xb];
	[sflag:s20] =	ssyncadd.s32 $0xFFFFC000  }
0x100: {  	[hbm4b:s9+s3] =	stream.linear.scatter [tilespmem:s19], [sflag:$0x3], $0x4000, $0x38;
	[tilespmem:$0x1C800] =	vst v63  }
0x101: {  	_ =	swait.ge [sflag:s20], $0x4000  }
0x102: {  	[sflag:s20] =	ssyncset.done $0x0  }
0x103: {  	s17 =	rddreg [dreg:$0x7];
	[sflag:s20] =	ssyncadd.s32 $0xFFFFC000  }
0x104: {  	[tilespmem:s19], [sflag:$0x3] =	stream.linear.gather [spmem:s17], $0x4000, $0x38;
	[tilespmem:$0x1C800] =	vst v63  }
0x105: {  	_ =	swait.ge [sflag:s20], $0x4000  }
0x106: {  	[sflag:s20] =	ssyncset.done $0x0  }
0x107: {  	s9 =	rddreg [dreg:$0xc];
	[sflag:s20] =	ssyncadd.s32 $0xFFFFC000  }
0x108: {  	[hbm4b:s9+s3] =	stream.linear.scatter [tilespmem:s19], [sflag:$0x3], $0x4000, $0x38;
	[tilespmem:$0x1C800] =	vst v63  }
0x109: {  	_ =	swait.ge [sflag:s20], $0x4000  }
0x10a: {  	s5 =	sadd.s32 $0x1, s5;
	s17 =	rddreg [dreg:$0xd]  }
0x10b: {  	p0 =	sne.s32 s5, s17  }
.Ltmp3:
0x10c: {  	_ = 	snop;
	(pc) =	sbr.rel @p0 .LBB2_1-.Ltmp3, $3  }
0x10d: {  	_ =	sdelay $0x1  }
0x10e: {  	[sflag:s20] =	ssyncset.done $0x0  }
0x10f: {  	[sflag:s20] =	ssyncadd.s32 $0xFFFFC000  }
0x110: {  	_ =	sfence.sel $0x180000  }
0x111: {  	[bflag:$0x0] =	sbarrier.arrive $0xFFFF  }
0x112: {  	_ =	strace $0x9000004A  }
0x113: {  	s0 =	stileid.u32;
	[bflag:$0x2] =	sbarrier.arrive $0xFFFF  }
0x114: {  	p0 =	sne.s32 s0, $0x0;
	s0 =	rddreg [dreg:$0x3]  }
0x115: {  	s0 =	sadd.s32 @!p0 $0x100000, s0  }
0x116: {  	[sflag:s0] =	ssyncadd.tile.s32 @!p0 $0x1;
	_ =	shalt  }
.Lfunc_end2:
_tile_overlayer_lowered:
.L_overlay_start_2:
0x117: {  	(tag) =	ssettag $0x2  }
0x118: {  	s0 =	rddreg [dreg:$0x0];
	s2 =	stileid.u32  }
0x119: {  	s1 =	rddreg [dreg:$0x1];
	p0 =	sne.s32 s2, $0x0  }
0x11a: {  	s3 =	rddreg [dreg:$0x2];
	[bflag:$0x3] =	sbarrier.arrive $0xFFFF;
	s2 =	simm.s32 @!p0 $0x1C03  }
0x11b: {  	[timem:s3], [sflag:s2] =	dma.local @!p0 [hbm:s0], s1  }
0x11c: {  	s0 =	simm.s32 @!p0 $0x3  }
0x11d: {  	_ =	swait.ge @!p0 [sflag:s0], s1  }
0x11e: {  	s1 =	ssub.s32 @!p0 $0x0, s1;
	[sflag:s0] =	ssyncset.done @!p0 $0x0  }
0x11f: {  	[sflag:s0] =	ssyncadd.s32 @!p0 s1  }
0x120: {  	[bflag:$0x3] =	sbarrier.arrive $0xFFFF  }
0x121: {  	_ =	shalt  }

// kernel: kernel.14.cloned.1.call-start
scs
__scs_entry_jumppad:
0x0: {  	(pc) =	sbr.rel $0x88, $3  }
0x1: {  	(tag) =	ssettag $0x0;
	lr =	simm.s32 $0x1  }
0x2: {  	[smem:$0x3F97] =	sst lr;
	_ =	strace $0xD0000000  }
0x3: {  	_ = 	snop  }
0x4: {  	_ = 	snop  }
0x5: {  	_ = 	snop  }
0x6: {  	_ = 	snop  }
0x7: {  	_ = 	snop  }
__scs_overlays_trampoline_lowered:
0x8: {  	[smem:$0x3FA6] =	sst s0  }
0x9: {  	[smem:$0x3FA7] =	sst s1  }
0xa: {  	[smem:$0x3FA8] =	sst s2  }
0xb: {  	[smem:$0x3FA9] =	sst s3  }
0xc: {  	[smem:$0x3FAA] =	sst s4  }
0xd: {  	[smem:$0x3FAB] =	sst s5  }
0xe: {  	[smem:$0x3FAC] =	sst s6  }
0xf: {  	[smem:$0x3FAD] =	sst s7  }
0x10: {  	[smem:$0x3FAE] =	sst s8  }
0x11: {  	[smem:$0x3FAF] =	sst s9;
	s0 =	simm.s32 @!p0 $0x0  }
0x12: {  	s1 =	sld [smem:$0x3F95];
	s0 =	simm.s32 @p0 $0x1  }
0x13: {  	[smem:$0x3FB0] =	sst s0;
	s0 =	simm.s32 @!p1 $0x0  }
0x14: {  	s2 =	sld [smem:$0x3F94];
	s0 =	simm.s32 @p1 $0x1  }
0x15: {  	[smem:$0x3FB1] =	sst s0;
	s0 =	simm.s32 @!p2 $0x0  }
0x16: {  	s3 =	sld [smem:$0x3FDB];
	s0 =	simm.s32 @p2 $0x1  }
0x17: {  	s4 =	simm.s32 $0x1BF5;
	[smem:$0x3FB3] =	sst s0  }
0x18: {  	s0 =	sld [smem:$0x3F96];
	_ =	swait.ge [sflag:s4], $0x0  }
0x19: {  	s7 =	sld [smem:$0x3F97]  }
0x1a: {  	s8 =	sadd.s32 $0xFFFFE003, lr  }
0x1b: {  	s9 =	sadd.s32 $0xFFFFFEF7, lr;
	s5 =	simm.s32 $0xFFFFFFFF;
	p2 =	slt.u32 s8, $0xFFFFF086  }
0x1c: {  	p1 =	slt.u32 s9, $0xF7A;
	s5 =	simm.s32 @!p2 $0x0  }
0x1d: {  	s5 =	simm.s32 @p1 $0x1;
	p0 =	seq.s32 s7, s2  }
0x1e: {  	s7 =	smul.u32 @!p0 $0xF7A, s2;
	p2 =	seq.s32 @!p0 s5, $0x0  }
0x1f: {  	s9 =	smul.u32 $0xF7A, s1;
	s8 =	simm.s32 @!p0 $0x1BF5;
	p2 =	por !p2, p0  }
0x20: {  	[sflag:s8] =	ssyncset.s32 @!p0 $0xFFFFF086;
	s6 =	sadd.s32 @!p0 s3, s7;
	s7 =	simm.s32 @!p0 $0x108  }
0x21: {  	s3 =	sadd.s32 s3, s9;
	s6 =	sadd.s32 @!p0 $0x88, s6;
	s7 =	simm.s32 @p2 $0x1082  }
0x22: {  	[simem:s7], [sflag:s8] =	dma.local @!p0 [hbm:s6], $0xF7A  }
0x23: {  	s9 =	sor.u32 $0xD0000000, s2;
	s6 =	simm.s32 $0x108;
	_ =	swait.ge @!p0 [sflag:s8], $0x0  }
0x24: {  	s3 =	sadd.s32 $0x88, s3;
	s6 =	simm.s32 @!p1 $0x1082;
	[sflag:s4] =	ssyncset.s32 $0xFFFFF086  }
0x25: {  	[simem:s6], [sflag:s4] =	dma.local [hbm:s3], $0xF7A  }
0x26: {  	[smem:$0x3F97] =	sst s1;
	(tag) =	ssettag s2;
	_ =	strace s9  }
0x27: {  	s1 =	sld [smem:$0x3FA7]  }
0x28: {  	s2 =	sld [smem:$0x3FA8]  }
0x29: {  	s4 =	sld [smem:$0x3FAA]  }
0x2a: {  	p0 =	seq.s32 s5, $0x0;
	s5 =	sld [smem:$0x3FAB]  }
0x2b: {  	s6 =	sld [smem:$0x3FAC]  }
0x2c: {  	s7 =	sld [smem:$0x3FAD]  }
0x2d: {  	s3 =	simm.s32 $0x108;
	s8 =	sld [smem:$0x3FAE]  }
0x2e: {  	s3 =	simm.s32 @!p0 $0x1082;
	s9 =	sld [smem:$0x3FAF]  }
0x2f: {  	lr =	sadd.s32 s0, s3;
	s0 =	sld [smem:$0x3FA6]  }
0x30: {  	s3 =	sld [smem:$0x3FA9]  }
0x31: {  	[smem:$0x3FB2] =	sst s10  }
0x32: {  	s10 =	sld [smem:$0x3FB0];
	_ =	sdelay $0x3  }
0x33: {  	p0 =	seq.s32 s10, $0x1;
	s10 =	sld [smem:$0x3FB2];
	_ =	sdelay $0x3  }
0x34: {  	[smem:$0x3FB2] =	sst s10  }
0x35: {  	s10 =	sld [smem:$0x3FB1];
	_ =	sdelay $0x3  }
0x36: {  	p1 =	seq.s32 s10, $0x1;
	s10 =	sld [smem:$0x3FB2];
	_ =	sdelay $0x3  }
0x37: {  	[smem:$0x3FB2] =	sst s10  }
0x38: {  	s10 =	sld [smem:$0x3FB3]  }
0x39: {  	_ = 	snop;
	(pc) =	sbr.ind lr, $3  }
0x3a: {  	_ = 	snop  }
0x3b: {  	_ = 	snop  }
0x3c: {  	p2 =	seq.s32 s10, $0x1;
	s10 =	sld [smem:$0x3FB2]  }
0x3d: {  	_ =	shalt  }
0x3e: {  	_ =	shalt  }
0x3f: {  	_ =	shalt  }
0x40: {  	_ =	shalt  }
0x41: {  	_ =	shalt  }
0x42: {  	_ =	shalt  }
0x43: {  	_ =	shalt  }
0x44: {  	_ =	shalt  }
0x45: {  	_ =	shalt  }
0x46: {  	_ =	shalt  }
0x47: {  	_ =	shalt  }
0x48: {  	_ =	shalt  }
0x49: {  	_ =	shalt  }
0x4a: {  	_ =	shalt  }
0x4b: {  	_ =	shalt  }
0x4c: {  	_ =	shalt  }
0x4d: {  	_ =	shalt  }
0x4e: {  	_ =	shalt  }
0x4f: {  	_ =	shalt  }
0x50: {  	_ =	shalt  }
0x51: {  	_ =	shalt  }
0x52: {  	_ =	shalt  }
0x53: {  	_ =	shalt  }
0x54: {  	_ =	shalt  }
0x55: {  	_ =	shalt  }
0x56: {  	_ =	shalt  }
0x57: {  	_ =	shalt  }
0x58: {  	_ =	shalt  }
0x59: {  	_ =	shalt  }
0x5a: {  	_ =	shalt  }
0x5b: {  	_ =	shalt  }
0x5c: {  	_ =	shalt  }
0x5d: {  	_ =	shalt  }
0x5e: {  	_ =	shalt  }
0x5f: {  	_ =	shalt  }
0x60: {  	_ =	shalt  }
0x61: {  	_ =	shalt  }
0x62: {  	_ =	shalt  }
0x63: {  	_ =	shalt  }
0x64: {  	_ =	shalt  }
0x65: {  	_ =	shalt  }
0x66: {  	_ =	shalt  }
0x67: {  	_ =	shalt  }
0x68: {  	_ =	shalt  }
0x69: {  	_ =	shalt  }
0x6a: {  	_ =	shalt  }
0x6b: {  	_ =	shalt  }
0x6c: {  	_ =	shalt  }
0x6d: {  	_ =	shalt  }
0x6e: {  	_ =	shalt  }
0x6f: {  	_ =	shalt  }
0x70: {  	_ =	shalt  }
0x71: {  	_ =	shalt  }
0x72: {  	_ =	shalt  }
0x73: {  	_ =	shalt  }
0x74: {  	_ =	shalt  }
0x75: {  	_ =	shalt  }
0x76: {  	_ =	shalt  }
0x77: {  	_ =	shalt  }
0x78: {  	_ =	shalt  }
0x79: {  	_ =	shalt  }
0x7a: {  	_ =	shalt  }
0x7b: {  	_ =	shalt  }
0x7c: {  	_ =	shalt  }
0x7d: {  	_ =	shalt  }
0x7e: {  	_ =	shalt  }
0x7f: {  	_ =	shalt  }
0x80: {  	_ =	shalt  }
0x81: {  	_ =	shalt  }
0x82: {  	_ =	shalt  }
0x83: {  	_ =	shalt  }
0x84: {  	_ =	shalt  }
0x85: {  	_ =	shalt  }
0x86: {  	_ =	shalt  }
0x87: {  	_ =	shalt  }
.Lfunc_end0:
.L_simem_size_0:
called_computation.2_lowered:
.L_overlay_start_0:
0x88: {  	s2 =	sld [smem:$0x3FD9]  }
0x89: {  	s3 =	sld [smem:$0x3FFE];
	_ =	sdelay $0x1  }
0x8a: {  	s1 =	srdreg.scid  }
0x8b: {  	s0 =	sand.u32 $0x1, s1  }
0x8c: {  	s17 =	sshll.u32 s0, $0xA;
	s2 =	sadd.s32 s3, s2  }
0x8d: {  	s2 =	sadd.s32 s2, s17  }
0x8e: {  	[smem:$0x3FBE] =	sst s2  }
0x8f: {  	_ = 	snop  }
0x90: {  	s2 =	sld [smem:$0x3FD0];
	(tm) =	ssettm $0x1  }
0x91: {  	s18 =	sld [smem:$0x3FFB];
	_ =	sdelay $0x3  }
0x92: {  	_ =	strace s18  }
0x93: {  	s3 =	sld [smem:$0x3FFC];
	_ =	sdelay $0x3  }
0x94: {  	_ =	strace s3  }
0x95: {  	s3 =	sld [smem:$0x3FFD];
	_ =	sdelay $0x3  }
0x96: {  	_ =	strace s3  }
0x97: {  	_ =	strace $0x8FFFFFFF  }
0x98: {  	s19 =	sld [smem:$0x3FDB];
	_ =	sdelay $0x1  }
0x99: {  	s4 =	simm.s32 $_scs_section_size  }
0x9a: {  	s5 =	simm.s32 $_size__tile_overlayer_lowered;
	s6 =	simm.s32 $_tile_overlayer_lowered  }
0x9b: {  	s22 =	simm.s32 $0x1BFF;
	s21 =	sshll.u32 s6, $0x1;
	s3 =	sadd.s32 s4, s19  }
0x9c: {  	s7 =	simm.s32 $0x0;
	s20 =	sshll.u32 s5, $0x1;
	s5 =	sadd.s32 s21, s3  }
0x9d: {  	[timem:s7], [sflag:s22] =	dma.local [hbm:s5], s20  }
0x9e: {  	_ =	swait.ge [sflag:s22], s20  }
0x9f: {  	s4 =	ssub.s32 $0x0, s20;
	[sflag:s22] =	ssyncset.done $0x0  }
0xa0: {  	[sflag:s22] =	ssyncadd.s32 s4;
	_ =	sdelay $0x1  }
0xa1: {  	s23 =	simm.s32 $0x1B8B  }
0xa2: {  	_ =	swait.ge [sflag:s23], $0x1  }
0xa3: {  	[sflag:s23] =	ssyncset.done $0x0  }
0xa4: {  	s25 =	simm.s32 $0x1B8E;
	s24 =	sld [smem:$0x3FFE];
	[sflag:s23] =	ssyncadd.s32 $0xFFFFFFFF  }
0xa5: {  	s26 =	simm.s32 $execute0_lowered;
	[smem:$0x3FD2] =	sst s25  }
0xa6: {  	s5 =	sshll.u32 s26, $0x1;
	_ =	strace $0x8000004C;
	[dreg:$0x1] =	wrdreg $0xFFFFFFFF  }
0xa7: {  	s28 =	simm.s32 $_size_execute0_lowered;
	s3 =	sadd.s32 s3, s5;
	[dreg:$0x0] =	wrdreg $0x0  }
0xa8: {  	s5 =	sshll.u32 s28, $0x1;
	[dreg:$0x2] =	wrdreg s3  }
0xa9: {  	[dreg:$0x3] =	wrdreg s5  }
0xaa: {  	[dreg:$0x4] =	wrdreg $0xC0  }
0xab: {  	_ =	task [dreg:s7], $0x5FFFF  }
0xac: {  	[dreg:$0x1] =	wrdreg $0xFFFFFFFF  }
0xad: {  	[dreg:$0x0] =	wrdreg $0x60  }
0xae: {  	[dreg:$0x2] =	wrdreg s24  }
0xaf: {  	[dreg:$0x3] =	wrdreg s2  }
0xb0: {  	[dreg:$0x4] =	wrdreg $0x88000  }
0xb1: {  	[dreg:$0x5] =	wrdreg $0x9  }
0xb2: {  	_ =	task.clear_ibuf [dreg:s7], $0x6FFFF;
	_ =	strace $0x9000004C  }
0xb3: {  	s29 =	simm.s32 $0x9;
	_ =	strace $0x8000004E  }
0xb4: {  	_ =	swait.ge [sflag:s29], $0x1  }
0xb5: {  	[sflag:s29] =	ssyncadd.s32 $0xFFFFFFFF  }
0xb6: {  	_ =	strace $0x9000004E  }
0xb7: {  	_ =	sfence  }
0xb8: {  	s30 =	sld [smem:$0x0];
	_ =	sdelay $0x2  }
0xb9: {  	s31 =	sshll.u32 s1, $0xD;
	s1 =	sshrl.u32 s1, $0x2  }
0xba: {  	s3 =	sand.u32 $0x4000, s31;
	s1 =	sadd.s32 s1, s30  }
0xbb: {  	s0 =	sor.u32 s3, s0;
	s1 =	sshll.u32 s1, $0x11  }
0xbc: {  	s0 =	sor.u32 s1, s0  }
0xbd: {  	s0 =	sadd.s32 $0x8F2B, s0  }
0xbe: {  	[sflag:s0] =	ssyncadd.remote.s32 $0x1  }
0xbf: {  	_ =	sfence.sel $0xFFFF  }
0xc0: {  	[dreg:$0x0] =	wrdreg $0xFFFFFFFF;
	(pc) =	sbr.abs _section_cstart, $3  }
0xc1: {  	[dreg:$0x1] =	wrdreg $0xFFFFFFFF  }
0xc2: {  	_ =	task.clear_ibuf [dreg:s7], $0x2FFFF;
	_ =	strace $0x9FFFFFFF  }
0xc3: {  	(tm) =	ssettm $0x7FFFFFFF  }
tec
execute0_lowered:
.L_overlay_start_1:
0x0: {  	(tag) =	ssettag $0x1  }
0x1: {  	s0 =	rddreg [dreg:$0x0]  }
0x2: {  	s2 =	rddreg [dreg:$0x1]  }
0x3: {  	s3 =	srdreg.scid;
	s1 =	rddreg [dreg:$0x2]  }
0x4: {  	s10 =	stileid.u32;
	s6 =	simm.s32 $0x78;
	s28 =	simm.s32 $0x480  }
0x5: {  	s29 =	simm.s32 $0x180;
	s5 =	sand.u32 $0x1, s3;
	s25 =	smul.u32 $0x50000, s10  }
0x6: {  	s30 =	simm.s32 $0x500;
	p0 =	seq.s32 s5, $0x0;
	s4 =	smul.u32 $0x780, s5  }
0x7: {  	s9 =	ssub.s32 $0x2, s5;
	s5 =	smul.u32 $0x140000, s5;
	s6 =	simm.s32 @!p0 $0x28  }
0x8: {  	s31 =	simm.s32 $0x200;
	s3 =	simm.s32 $0x0;
	s7 =	smul.u32 s10, s6  }
0x9: {  	[smem:$0x7FF] =	sst s3;
	s12 =	sshrl.u32 s9, $0x1;
	s10 =	smul.u32 $0x14000, s10  }
0xa: {  	_ =	strace $0x8000004D;
	s12 =	ssub.s32 s9, s12;
	s7 =	sadd.s32 s4, s7  }
0xb: {  	s4 =	sadd.s32 $0xD000, s0;
	s26 =	sadd.s32 $0x4000, s10;
	s13 =	sadd.s32 $0x8000, s10  }
0xc: {  	s14 =	sadd.s32 $0xC000, s10;
	s15 =	sadd.s32 $0x10000, s10;
	s10 =	sadd.s32 s10, s5  }
0xd: {  	s8 =	sshll.u32 s7, $0x4;
	s7 =	sshrl.u32 s25, $0x2;
	s16 =	sadd.s32 s26, s1  }
0xe: {  	s17 =	sadd.s32 s13, s1;
	s19 =	sadd.s32 s14, s1;
	s20 =	sadd.s32 s15, s1  }
0xf: {  	s23 =	sadd.s32 s5, s13;
	s24 =	sadd.s32 s5, s14;
	[dreg:$0x4] =	wrdreg s16  }
0x10: {  	s13 =	simm.s32 $0x680;
	s14 =	simm.s32 $0x380;
	[dreg:$0x5] =	wrdreg s17  }
0x11: {  	s11 =	sadd.s32 s8, s0;
	s0 =	sadd.s32 $0x35000, s0;
	[dreg:$0x6] =	wrdreg s19  }
0x12: {  	s18 =	sadd.s32 s7, s1;
	s7 =	sadd.s32 s5, s26;
	[dreg:$0x7] =	wrdreg s20  }
0x13: {  	s16 =	sshrl.u32 s10, $0x3;
	s10 =	sshrl.u32 s6, $0x3;
	s5 =	sadd.s32 s5, s15  }
0x14: {  	s6 =	sshrl.u32 s23, $0x3;
	s26 =	smax.u32 s12, $0x1;
	s8 =	sadd.s32 s8, s2  }
0x15: {  	s19 =	simm.s32 $0x800;
	s20 =	simm.s32 $0x3;
	s23 =	simm.s32 $0x1  }
0x16: {  	s2 =	simm.s32 $0x580;
	s12 =	simm.s32 $0x300;
	s15 =	simm.s32 $0x700  }
0x17: {  	s7 =	sshrl.u32 s7, $0x3;
	s21 =	sadd.s32 s0, s16;
	s5 =	sshrl.u32 s5, $0x3  }
0x18: {  	s6 =	sadd.s32 s0, s6;
	[dreg:$0xd] =	wrdreg s26;
	s26 =	simm.s32 $0x100  }
0x19: {  	s16 =	simm.s32 $0x780;
	[dreg:$0x8] =	wrdreg s21;
	s22 =	sadd.s32 s0, s7  }
0x1a: {  	s7 =	sshrl.u32 s24, $0x3;
	[dreg:$0xa] =	wrdreg s6;
	s21 =	simm.s32 $0x400  }
0x1b: {  	s24 =	simm.s32 $0x4800;
	[dreg:$0x9] =	wrdreg s22;
	s25 =	sadd.s32 s0, s7  }
0x1c: {  	s0 =	sadd.s32 s0, s5;
	s7 =	sadd.s32 $0x3000, s11;
	s22 =	simm.s32 $0x80  }
0x1d: {  	s11 =	simm.s32 $0x600;
	s5 =	simm.s32 $0x0;
	[dreg:$0xb] =	wrdreg s25  }
0x1e: {  	v0 =	vimm.f32 $0.0e+00;
	[dreg:$0xc] =	wrdreg s0;
	s25 =	simm.s32 $0x2;
	s0 =	simm.s32 $0x280  }
.LBB2_1:
0x1f: {  	s6 =	simm.s32 $0x0;
	s17 =	simm.s32 $0x200  }
.LBB2_2:
0x20: {  	p0 =	sne.s32 s17, $0xFE00;
	[tilespmem:s6+$0x870] =	vst v0  }
0x21: {  	[tilespmem:s6+$0x800] =	vst v0  }
0x22: {  	[tilespmem:s6+$0x810] =	vst v0  }
.Ltmp0:
0x23: {  	[tilespmem:s6+$0x820] =	vst v0;
	(pc) =	sbr.rel @p0 .LBB2_2-.Ltmp0, $4  }
0x24: {  	[tilespmem:s6+$0x830] =	vst v0  }
0x25: {  	[tilespmem:s6+$0x840] =	vst v0  }
0x26: {  	[tilespmem:s6+$0x850] =	vst v0  }
0x27: {  	[tilespmem:s6+$0x860] =	vst v0;
	s6 =	sshra.s32 s17, $0x2;
	s17 =	sadd.s32 $0x200, s17  }
0x28: {  	[tilespmem:s6+$0x870] =	vst v0  }
0x29: {  	[tilespmem:s6+$0x800] =	vst v0  }
0x2a: {  	[tilespmem:s6+$0x810] =	vst v0  }
0x2b: {  	[tilespmem:s6+$0x820] =	vst v0  }
0x2c: {  	[tilespmem:s6+$0x830] =	vst v0  }
0x2d: {  	[tilespmem:s6+$0x840] =	vst v0  }
0x2e: {  	[tilespmem:s6+$0x850] =	vst v0  }
0x2f: {  	[tilespmem:s6+$0x860] =	vst v0  }
0x30: {  	[spmem:s18] =	stream.linear.scatter [tilespmem:s19], [sflag:$0x3], $0x4000, $0x38;
	[tilespmem:$0x1C800] =	vst v63  }
0x31: {  	_ =	swait.ge [sflag:s20], $0x4000  }
0x32: {  	[sflag:s20] =	ssyncset.done $0x0  }
0x33: {  	s17 =	rddreg [dreg:$0x4];
	[sflag:s20] =	ssyncadd.s32 $0xFFFFC000  }
0x34: {  	[spmem:s17] =	stream.linear.scatter [tilespmem:s19], [sflag:$0x3], $0x4000, $0x38;
	[tilespmem:$0x1C800] =	vst v63  }
0x35: {  	_ =	swait.ge [sflag:s20], $0x4000  }
0x36: {  	[sflag:s20] =	ssyncset.done $0x0  }
0x37: {  	s9 =	smov.u32 s18;
	s18 =	rddreg [dreg:$0x5];
	[sflag:s20] =	ssyncadd.s32 $0xFFFFC000  }
0x38: {  	[spmem:s18] =	stream.linear.scatter [tilespmem:s19], [sflag:$0x3], $0x4000, $0x38;
	[tilespmem:$0x1C800] =	vst v63  }
0x39: {  	_ =	swait.ge [sflag:s20], $0x4000  }
0x3a: {  	[sflag:s20] =	ssyncset.done $0x0  }
0x3b: {  	s17 =	rddreg [dreg:$0x6];
	[sflag:s20] =	ssyncadd.s32 $0xFFFFC000  }
0x3c: {  	[spmem:s17] =	stream.linear.scatter [tilespmem:s19], [sflag:$0x3], $0x4000, $0x38;
	[tilespmem:$0x1C800] =	vst v63  }
0x3d: {  	_ =	swait.ge [sflag:s20], $0x4000  }
0x3e: {  	[sflag:s20] =	ssyncset.done $0x0  }
0x3f: {  	s18 =	rddreg [dreg:$0x7];
	[sflag:s20] =	ssyncadd.s32 $0xFFFFC000  }
0x40: {  	[spmem:s18] =	stream.linear.scatter [tilespmem:s19], [sflag:$0x3], $0x4000, $0x38;
	[tilespmem:$0x1C800] =	vst v63  }
0x41: {  	_ =	swait.ge [sflag:s20], $0x4000  }
0x42: {  	[sflag:s20] =	ssyncset.done $0x0  }
0x43: {  	[sflag:s20] =	ssyncadd.s32 $0xFFFFC000  }
0x44: {  	[bflag:$0x0] =	sbarrier.arrive $0xFFFF  }
0x45: {  	[tilespmem:s3], [sflag:$0x3] =	stream.linear.gather [hbm4b:s8+s3], $0x400, $0x38;
	[tilespmem:$0x1C800] =	vst v63  }
0x46: {  	_ =	swait.ge [sflag:s20], $0x400  }
0x47: {  	[sflag:s20] =	ssyncset.done $0x0  }
0x48: {  	[sflag:s20] =	ssyncadd.s32 $0xFFFFFC00  }
0x49: {  	[tilespmem:s21], [sflag:$0x3] =	stream.linear.gather [hbm4b:s7+s3], $0x400, $0x38;
	[tilespmem:$0x1C800] =	vst v63  }
0x4a: {  	_ =	swait.ge [sflag:s20], $0x400  }
0x4b: {  	[sflag:s20] =	ssyncset.done $0x0  }
0x4c: {  	[sflag:s20] =	ssyncadd.s32 $0xFFFFFC00  }
0x4d: {  	[tilespmem:s19], [sflag:$0x1] =	stream.indirect.gather [hbm4b:s4+s22], $0x80, s3, s22, $0xb8;
	[tilespmem:$0x1C800] =	vst v63  }
0x4e: {  	_ =	swait.ge [sflag:s23], $0x4000  }
0x4f: {  	[sflag:s23] =	ssyncset.done $0x0  }
0x50: {  	[sflag:s23] =	ssyncadd.s32 $0xFFFFC000  }
0x51: {  	[tilespmem:s24], [sflag:$0x2] =	stream.indirect.gather [hbm4b:s4+s22], $0x80, s22, s22, $0xb8;
	[tilespmem:$0x1C800] =	vst v63  }
0x52: {  	_ = 	snop  }
0x53: {  	[spmem:s1] =	stream.indirect.scatter.add.f32 [tilespmem:s19], [sflag:$0x3], $0x80, s21, s22, $0xb8;
	[tilespmem:$0x1C800] =	vst v63  }
0x54: {  	_ =	swait.ge [sflag:s20], $0x4000  }
0x55: {  	[sflag:s20] =	ssyncset.done $0x0  }
0x56: {  	[sflag:s20] =	ssyncadd.s32 $0xFFFFC000  }
0x57: {  	_ =	swait.ge [sflag:s25], $0x4000  }
0x58: {  	[sflag:s25] =	ssyncset.done $0x0  }
0x59: {  	[sflag:s25] =	ssyncadd.s32 $0xFFFFC000  }
0x5a: {  	[tilespmem:s19], [sflag:$0x1] =	stream.indirect.gather [hbm4b:s4+s22], $0x80, s26, s22, $0xb8;
	[tilespmem:$0x1C800] =	vst v63  }
0x5b: {  	_ = 	snop  }
0x5c: {  	[spmem:s1] =	stream.indirect.scatter.add.f32 [tilespmem:s24], [sflag:$0x3], $0x80, s28, s22, $0xb8;
	[tilespmem:$0x1C800] =	vst v63  }
0x5d: {  	_ =	swait.ge [sflag:s20], $0x4000  }
0x5e: {  	[sflag:s20] =	ssyncset.done $0x0  }
0x5f: {  	[sflag:s20] =	ssyncadd.s32 $0xFFFFC000  }
0x60: {  	_ =	swait.ge [sflag:s23], $0x4000  }
0x61: {  	[sflag:s23] =	ssyncset.done $0x0  }
0x62: {  	[sflag:s23] =	ssyncadd.s32 $0xFFFFC000  }
0x63: {  	[tilespmem:s24], [sflag:$0x2] =	stream.indirect.gather [hbm4b:s4+s22], $0x80, s29, s22, $0xb8;
	[tilespmem:$0x1C800] =	vst v63  }
0x64: {  	_ = 	snop  }
0x65: {  	[spmem:s1] =	stream.indirect.scatter.add.f32 [tilespmem:s19], [sflag:$0x3], $0x80, s30, s22, $0xb8;
	[tilespmem:$0x1C800] =	vst v63  }
0x66: {  	_ =	swait.ge [sflag:s20], $0x4000  }
0x67: {  	[sflag:s20] =	ssyncset.done $0x0  }
0x68: {  	[sflag:s20] =	ssyncadd.s32 $0xFFFFC000  }
0x69: {  	_ =	swait.ge [sflag:s25], $0x4000  }
0x6a: {  	[sflag:s25] =	ssyncset.done $0x0  }
0x6b: {  	[sflag:s25] =	ssyncadd.s32 $0xFFFFC000  }
0x6c: {  	[tilespmem:s19], [sflag:$0x1] =	stream.indirect.gather [hbm4b:s4+s22], $0x80, s31, s22, $0xb8;
	[tilespmem:$0x1C800] =	vst v63  }
0x6d: {  	_ = 	snop  }
0x6e: {  	[spmem:s1] =	stream.indirect.scatter.add.f32 [tilespmem:s24], [sflag:$0x3], $0x80, s2, s22, $0xb8;
	[tilespmem:$0x1C800] =	vst v63  }
0x6f: {  	_ =	swait.ge [sflag:s20], $0x4000  }
0x70: {  	[sflag:s20] =	ssyncset.done $0x0  }
0x71: {  	[sflag:s20] =	ssyncadd.s32 $0xFFFFC000  }
0x72: {  	_ =	swait.ge [sflag:s23], $0x4000  }
0x73: {  	[sflag:s23] =	ssyncset.done $0x0  }
0x74: {  	[sflag:s23] =	ssyncadd.s32 $0xFFFFC000  }
0x75: {  	[tilespmem:s24], [sflag:$0x2] =	stream.indirect.gather [hbm4b:s4+s22], $0x80, s0, s22, $0xb8;
	[tilespmem:$0x1C800] =	vst v63  }
0x76: {  	_ = 	snop  }
0x77: {  	[spmem:s1] =	stream.indirect.scatter.add.f32 [tilespmem:s19], [sflag:$0x3], $0x80, s11, s22, $0xb8;
	[tilespmem:$0x1C800] =	vst v63  }
0x78: {  	_ =	swait.ge [sflag:s20], $0x4000  }
0x79: {  	[sflag:s20] =	ssyncset.done $0x0  }
0x7a: {  	[sflag:s20] =	ssyncadd.s32 $0xFFFFC000  }
0x7b: {  	_ =	swait.ge [sflag:s25], $0x4000  }
0x7c: {  	[sflag:s25] =	ssyncset.done $0x0  }
0x7d: {  	[sflag:s25] =	ssyncadd.s32 $0xFFFFC000  }
0x7e: {  	[tilespmem:s19], [sflag:$0x1] =	stream.indirect.gather [hbm4b:s4+s22], $0x80, s12, s22, $0xb8;
	[tilespmem:$0x1C800] =	vst v63  }
0x7f: {  	_ = 	snop  }
0x80: {  	[spmem:s1] =	stream.indirect.scatter.add.f32 [tilespmem:s24], [sflag:$0x3], $0x80, s13, s22, $0xb8;
	[tilespmem:$0x1C800] =	vst v63  }
0x81: {  	_ =	swait.ge [sflag:s20], $0x4000  }
0x82: {  	[sflag:s20] =	ssyncset.done $0x0  }
0x83: {  	[sflag:s20] =	ssyncadd.s32 $0xFFFFC000  }
0x84: {  	_ =	swait.ge [sflag:s23], $0x4000  }
0x85: {  	[sflag:s23] =	ssyncset.done $0x0  }
0x86: {  	[sflag:s23] =	ssyncadd.s32 $0xFFFFC000  }
0x87: {  	[tilespmem:s24], [sflag:$0x2] =	stream.indirect.gather [hbm4b:s4+s22], $0x80, s14, s22, $0xb8;
	[tilespmem:$0x1C800] =	vst v63  }
0x88: {  	_ = 	snop  }
0x89: {  	[spmem:s1] =	stream.indirect.scatter.add.f32 [tilespmem:s19], [sflag:$0x3], $0x80, s15, s22, $0xb8;
	[tilespmem:$0x1C800] =	vst v63  }
0x8a: {  	_ =	swait.ge [sflag:s20], $0x4000  }
0x8b: {  	[sflag:s20] =	ssyncset.done $0x0  }
0x8c: {  	[sflag:s20] =	ssyncadd.s32 $0xFFFFC000  }
0x8d: {  	p0 =	sne.s32 s10, $0x1;
	_ =	swait.ge [sflag:s25], $0x4000  }
.Ltmp1:
0x8e: {  	[sflag:s25] =	ssyncset.done $0x0;
	(pc) =	sbr.rel @!p0 .LBB2_5-.Ltmp1, $4  }
0x8f: {  	[sflag:s25] =	ssyncadd.s32 $0xFFFFC000  }
0x90: {  	[spmem:s1] =	stream.indirect.scatter.add.f32 [tilespmem:s24], [sflag:$0x3], $0x80, s16, s22, $0xb8;
	[tilespmem:$0x1C800] =	vst v63  }
0x91: {  	s6 =	sadd.s32 $0xFFFFFFFF, s10;
	_ =	swait.ge [sflag:s20], $0x4000  }
0x92: {  	s17 =	smov.u32 s7;
	s18 =	smov.u32 s8;
	[sflag:s20] =	ssyncset.done $0x0  }
.LBB2_4:
0x93: {  	[sflag:s20] =	ssyncadd.s32 $0xFFFFC000;
	s17 =	sadd.s32 $0x80, s17;
	s18 =	sadd.s32 $0x80, s18  }
0x94: {  	[tilespmem:s3], [sflag:$0x3] =	stream.linear.gather [hbm4b:s18+s3], $0x400, $0x38;
	[tilespmem:$0x1C800] =	vst v63  }
0x95: {  	p0 =	sne.s32 s6, $0x1;
	s6 =	sadd.s32 $0xFFFFFFFF, s6;
	_ =	swait.ge [sflag:s20], $0x400  }
0x96: {  	[sflag:s20] =	ssyncset.done $0x0  }
0x97: {  	[sflag:s20] =	ssyncadd.s32 $0xFFFFFC00  }
0x98: {  	[tilespmem:s21], [sflag:$0x3] =	stream.linear.gather [hbm4b:s17+s3], $0x400, $0x38;
	[tilespmem:$0x1C800] =	vst v63  }
0x99: {  	_ =	swait.ge [sflag:s20], $0x400  }
0x9a: {  	[sflag:s20] =	ssyncset.done $0x0  }
0x9b: {  	[sflag:s20] =	ssyncadd.s32 $0xFFFFFC00  }
0x9c: {  	[tilespmem:s19], [sflag:$0x1] =	stream.indirect.gather [hbm4b:s4+s22], $0x80, s3, s22, $0xb8;
	[tilespmem:$0x1C800] =	vst v63  }
0x9d: {  	_ =	swait.ge [sflag:s23], $0x4000  }
0x9e: {  	[sflag:s23] =	ssyncset.done $0x0  }
0x9f: {  	[sflag:s23] =	ssyncadd.s32 $0xFFFFC000  }
0xa0: {  	[tilespmem:s24], [sflag:$0x2] =	stream.indirect.gather [hbm4b:s4+s22], $0x80, s22, s22, $0xb8;
	[tilespmem:$0x1C800] =	vst v63  }
0xa1: {  	_ = 	snop  }
0xa2: {  	[spmem:s1] =	stream.indirect.scatter.add.f32 [tilespmem:s19], [sflag:$0x3], $0x80, s21, s22, $0xb8;
	[tilespmem:$0x1C800] =	vst v63  }
0xa3: {  	_ =	swait.ge [sflag:s20], $0x4000  }
0xa4: {  	[sflag:s20] =	ssyncset.done $0x0  }
0xa5: {  	[sflag:s20] =	ssyncadd.s32 $0xFFFFC000  }
0xa6: {  	_ =	swait.ge [sflag:s25], $0x4000  }
0xa7: {  	[sflag:s25] =	ssyncset.done $0x0  }
0xa8: {  	[sflag:s25] =	ssyncadd.s32 $0xFFFFC000  }
0xa9: {  	[tilespmem:s19], [sflag:$0x1] =	stream.indirect.gather [hbm4b:s4+s22], $0x80, s26, s22, $0xb8;
	[tilespmem:$0x1C800] =	vst v63  }
0xaa: {  	_ = 	snop  }
0xab: {  	[spmem:s1] =	stream.indirect.scatter.add.f32 [tilespmem:s24], [sflag:$0x3], $0x80, s28, s22, $0xb8;
	[tilespmem:$0x1C800] =	vst v63  }
0xac: {  	_ =	swait.ge [sflag:s20], $0x4000  }
0xad: {  	[sflag:s20] =	ssyncset.done $0x0  }
0xae: {  	[sflag:s20] =	ssyncadd.s32 $0xFFFFC000  }
0xaf: {  	_ =	swait.ge [sflag:s23], $0x4000  }
0xb0: {  	[sflag:s23] =	ssyncset.done $0x0  }
0xb1: {  	[sflag:s23] =	ssyncadd.s32 $0xFFFFC000  }
0xb2: {  	[tilespmem:s24], [sflag:$0x2] =	stream.indirect.gather [hbm4b:s4+s22], $0x80, s29, s22, $0xb8;
	[tilespmem:$0x1C800] =	vst v63  }
0xb3: {  	_ = 	snop  }
0xb4: {  	[spmem:s1] =	stream.indirect.scatter.add.f32 [tilespmem:s19], [sflag:$0x3], $0x80, s30, s22, $0xb8;
	[tilespmem:$0x1C800] =	vst v63  }
0xb5: {  	_ =	swait.ge [sflag:s20], $0x4000  }
0xb6: {  	[sflag:s20] =	ssyncset.done $0x0  }
0xb7: {  	[sflag:s20] =	ssyncadd.s32 $0xFFFFC000  }
0xb8: {  	_ =	swait.ge [sflag:s25], $0x4000  }
0xb9: {  	[sflag:s25] =	ssyncset.done $0x0  }
0xba: {  	[sflag:s25] =	ssyncadd.s32 $0xFFFFC000  }
0xbb: {  	[tilespmem:s19], [sflag:$0x1] =	stream.indirect.gather [hbm4b:s4+s22], $0x80, s31, s22, $0xb8;
	[tilespmem:$0x1C800] =	vst v63  }
0xbc: {  	_ = 	snop  }
0xbd: {  	[spmem:s1] =	stream.indirect.scatter.add.f32 [tilespmem:s24], [sflag:$0x3], $0x80, s2, s22, $0xb8;
	[tilespmem:$0x1C800] =	vst v63  }
0xbe: {  	_ =	swait.ge [sflag:s20], $0x4000  }
0xbf: {  	[sflag:s20] =	ssyncset.done $0x0  }
0xc0: {  	[sflag:s20] =	ssyncadd.s32 $0xFFFFC000  }
0xc1: {  	_ =	swait.ge [sflag:s23], $0x4000  }
0xc2: {  	[sflag:s23] =	ssyncset.done $0x0  }
0xc3: {  	[sflag:s23] =	ssyncadd.s32 $0xFFFFC000  }
0xc4: {  	[tilespmem:s24], [sflag:$0x2] =	stream.indirect.gather [hbm4b:s4+s22], $0x80, s0, s22, $0xb8;
	[tilespmem:$0x1C800] =	vst v63  }
0xc5: {  	_ = 	snop  }
0xc6: {  	[spmem:s1] =	stream.indirect.scatter.add.f32 [tilespmem:s19], [sflag:$0x3], $0x80, s11, s22, $0xb8;
	[tilespmem:$0x1C800] =	vst v63  }
0xc7: {  	_ =	swait.ge [sflag:s20], $0x4000  }
0xc8: {  	[sflag:s20] =	ssyncset.done $0x0  }
0xc9: {  	[sflag:s20] =	ssyncadd.s32 $0xFFFFC000  }
0xca: {  	_ =	swait.ge [sflag:s25], $0x4000  }
0xcb: {  	[sflag:s25] =	ssyncset.done $0x0  }
0xcc: {  	[sflag:s25] =	ssyncadd.s32 $0xFFFFC000  }
0xcd: {  	[tilespmem:s19], [sflag:$0x1] =	stream.indirect.gather [hbm4b:s4+s22], $0x80, s12, s22, $0xb8;
	[tilespmem:$0x1C800] =	vst v63  }
0xce: {  	_ = 	snop  }
0xcf: {  	[spmem:s1] =	stream.indirect.scatter.add.f32 [tilespmem:s24], [sflag:$0x3], $0x80, s13, s22, $0xb8;
	[tilespmem:$0x1C800] =	vst v63  }
0xd0: {  	_ =	swait.ge [sflag:s20], $0x4000  }
0xd1: {  	[sflag:s20] =	ssyncset.done $0x0  }
0xd2: {  	[sflag:s20] =	ssyncadd.s32 $0xFFFFC000  }
0xd3: {  	_ =	swait.ge [sflag:s23], $0x4000  }
0xd4: {  	[sflag:s23] =	ssyncset.done $0x0  }
0xd5: {  	[sflag:s23] =	ssyncadd.s32 $0xFFFFC000  }
0xd6: {  	[tilespmem:s24], [sflag:$0x2] =	stream.indirect.gather [hbm4b:s4+s22], $0x80, s14, s22, $0xb8;
	[tilespmem:$0x1C800] =	vst v63  }
0xd7: {  	_ = 	snop  }
0xd8: {  	[spmem:s1] =	stream.indirect.scatter.add.f32 [tilespmem:s19], [sflag:$0x3], $0x80, s15, s22, $0xb8;
	[tilespmem:$0x1C800] =	vst v63  }
0xd9: {  	_ =	swait.ge [sflag:s20], $0x4000  }
0xda: {  	[sflag:s20] =	ssyncset.done $0x0  }
0xdb: {  	[sflag:s20] =	ssyncadd.s32 $0xFFFFC000  }
0xdc: {  	_ =	swait.ge [sflag:s25], $0x4000  }
.Ltmp2:
0xdd: {  	[sflag:s25] =	ssyncset.done $0x0;
	(pc) =	sbr.rel @p0 .LBB2_4-.Ltmp2, $4  }
0xde: {  	[sflag:s25] =	ssyncadd.s32 $0xFFFFC000  }
0xdf: {  	[spmem:s1] =	stream.indirect.scatter.add.f32 [tilespmem:s24], [sflag:$0x3], $0x80, s16, s22, $0xb8;
	[tilespmem:$0x1C800] =	vst v63  }
0xe0: {  	_ =	swait.ge [sflag:s20], $0x4000  }
0xe1: {  	[sflag:s20] =	ssyncset.done $0x0  }
.LBB2_5:
0xe2: {  	[sflag:s20] =	ssyncadd.s32 $0xFFFFC000  }
0xe3: {  	[bflag:$0x0] =	sbarrier.arrive $0xFFFF  }
0xe4: {  	[tilespmem:s19], [sflag:$0x3] =	stream.linear.gather [spmem:s9], $0x4000, $0x38;
	[tilespmem:$0x1C800] =	vst v63  }
0xe5: {  	_ =	swait.ge [sflag:s20], $0x4000  }
0xe6: {  	[sflag:s20] =	ssyncset.done $0x0  }
0xe7: {  	s6 =	rddreg [dreg:$0x8];
	[sflag:s20] =	ssyncadd.s32 $0xFFFFC000  }
0xe8: {  	[hbm4b:s6+s3] =	stream.linear.scatter [tilespmem:s19], [sflag:$0x3], $0x4000, $0x38;
	[tilespmem:$0x1C800] =	vst v63  }
0xe9: {  	_ =	swait.ge [sflag:s20], $0x4000  }
0xea: {  	[sflag:s20] =	ssyncset.done $0x0  }
0xeb: {  	s17 =	rddreg [dreg:$0x4];
	[sflag:s20] =	ssyncadd.s32 $0xFFFFC000  }
0xec: {  	[tilespmem:s19], [sflag:$0x3] =	stream.linear.gather [spmem:s17], $0x4000, $0x38;
	[tilespmem:$0x1C800] =	vst v63  }
0xed: {  	_ =	swait.ge [sflag:s20], $0x4000  }
0xee: {  	[sflag:s20] =	ssyncset.done $0x0  }
0xef: {  	s18 =	smov.u32 s9;
	s9 =	rddreg [dreg:$0x9];
	[sflag:s20] =	ssyncadd.s32 $0xFFFFC000  }
0xf0: {  	[hbm4b:s9+s3] =	stream.linear.scatter [tilespmem:s19], [sflag:$0x3], $0x4000, $0x38;
	[tilespmem:$0x1C800] =	vst v63  }
0xf1: {  	_ =	swait.ge [sflag:s20], $0x4000  }
0xf2: {  	[sflag:s20] =	ssyncset.done $0x0  }
0xf3: {  	s17 =	rddreg [dreg:$0x5];
	[sflag:s20] =	ssyncadd.s32 $0xFFFFC000  }
0xf4: {  	[tilespmem:s19], [sflag:$0x3] =	stream.linear.gather [spmem:s17], $0x4000, $0x38;
	[tilespmem:$0x1C800] =	vst v63  }
0xf5: {  	_ =	swait.ge [sflag:s20], $0x4000  }
0xf6: {  	[sflag:s20] =	ssyncset.done $0x0  }
0xf7: {  	s9 =	rddreg [dreg:$0xa];
	[sflag:s20] =	ssyncadd.s32 $0xFFFFC000  }
0xf8: {  	[hbm4b:s9+s3] =	stream.linear.scatter [tilespmem:s19], [sflag:$0x3], $0x4000, $0x38;
	[tilespmem:$0x1C800] =	vst v63  }
0xf9: {  	_ =	swait.ge [sflag:s20], $0x4000  }
0xfa: {  	[sflag:s20] =	ssyncset.done $0x0  }
0xfb: {  	s17 =	rddreg [dreg:$0x6];
	[sflag:s20] =	ssyncadd.s32 $0xFFFFC000  }
0xfc: {  	[tilespmem:s19], [sflag:$0x3] =	stream.linear.gather [spmem:s17], $0x4000, $0x38;
	[tilespmem:$0x1C800] =	vst v63  }
0xfd: {  	_ =	swait.ge [sflag:s20], $0x4000  }
0xfe: {  	[sflag:s20] =	ssyncset.done $0x0  }
0xff: {  	s9 =	rddreg [dreg:$0xb];
	[sflag:s20] =	ssyncadd.s32 $0xFFFFC000  }
0x100: {  	[hbm4b:s9+s3] =	stream.linear.scatter [tilespmem:s19], [sflag:$0x3], $0x4000, $0x38;
	[tilespmem:$0x1C800] =	vst v63  }
0x101: {  	_ =	swait.ge [sflag:s20], $0x4000  }
0x102: {  	[sflag:s20] =	ssyncset.done $0x0  }
0x103: {  	s17 =	rddreg [dreg:$0x7];
	[sflag:s20] =	ssyncadd.s32 $0xFFFFC000  }
0x104: {  	[tilespmem:s19], [sflag:$0x3] =	stream.linear.gather [spmem:s17], $0x4000, $0x38;
	[tilespmem:$0x1C800] =	vst v63  }
0x105: {  	_ =	swait.ge [sflag:s20], $0x4000  }
0x106: {  	[sflag:s20] =	ssyncset.done $0x0  }
0x107: {  	s9 =	rddreg [dreg:$0xc];
	[sflag:s20] =	ssyncadd.s32 $0xFFFFC000  }
0x108: {  	[hbm4b:s9+s3] =	stream.linear.scatter [tilespmem:s19], [sflag:$0x3], $0x4000, $0x38;
	[tilespmem:$0x1C800] =	vst v63  }
0x109: {  	_ =	swait.ge [sflag:s20], $0x4000  }
0x10a: {  	s5 =	sadd.s32 $0x1, s5;
	s17 =	rddreg [dreg:$0xd]  }
0x10b: {  	p0 =	sne.s32 s5, s17  }
.Ltmp3:
0x10c: {  	_ = 	snop;
	(pc) =	sbr.rel @p0 .LBB2_1-.Ltmp3, $3  }
0x10d: {  	_ =	sdelay $0x1  }
0x10e: {  	[sflag:s20] =	ssyncset.done $0x0  }
0x10f: {  	[sflag:s20] =	ssyncadd.s32 $0xFFFFC000  }
0x110: {  	_ =	sfence.sel $0x180000  }
0x111: {  	[bflag:$0x0] =	sbarrier.arrive $0xFFFF  }
0x112: {  	_ =	strace $0x9000004D  }
0x113: {  	s0 =	stileid.u32;
	[bflag:$0x2] =	sbarrier.arrive $0xFFFF  }
0x114: {  	p0 =	sne.s32 s0, $0x0;
	s0 =	rddreg [dreg:$0x3]  }
0x115: {  	s0 =	sadd.s32 @!p0 $0x100000, s0  }
0x116: {  	[sflag:s0] =	ssyncadd.tile.s32 @!p0 $0x1;
	_ =	shalt  }
.Lfunc_end2:
_tile_overlayer_lowered:
.L_overlay_start_2:
0x117: {  	(tag) =	ssettag $0x2  }
0x118: {  	s0 =	rddreg [dreg:$0x0];
	s2 =	stileid.u32  }
0x119: {  	s1 =	rddreg [dreg:$0x1];
	p0 =	sne.s32 s2, $0x0  }
0x11a: {  	s3 =	rddreg [dreg:$0x2];
	[bflag:$0x3] =	sbarrier.arrive $0xFFFF;
	s2 =	simm.s32 @!p0 $0x1C03  }
0x11b: {  	[timem:s3], [sflag:s2] =	dma.local @!p0 [hbm:s0], s1  }
0x11c: {  	s0 =	simm.s32 @!p0 $0x3  }
0x11d: {  	_ =	swait.ge @!p0 [sflag:s0], s1  }
0x11e: {  	s1 =	ssub.s32 @!p0 $0x0, s1;
	[sflag:s0] =	ssyncset.done @!p0 $0x0  }
0x11f: {  	[sflag:s0] =	ssyncadd.s32 @!p0 s1  }
0x120: {  	[bflag:$0x3] =	sbarrier.arrive $0xFFFF  }
0x121: {  	_ =	shalt  }

// kernel: kernel.8.cloned.1.call-start
scs
__scs_entry_jumppad:
0x0: {  	(pc) =	sbr.rel $0x88, $3  }
0x1: {  	(tag) =	ssettag $0x0;
	lr =	simm.s32 $0x1  }
0x2: {  	[smem:$0x3F97] =	sst lr;
	_ =	strace $0xD0000000  }
0x3: {  	_ = 	snop  }
0x4: {  	_ = 	snop  }
0x5: {  	_ = 	snop  }
0x6: {  	_ = 	snop  }
0x7: {  	_ = 	snop  }
__scs_overlays_trampoline_lowered:
0x8: {  	[smem:$0x3FA6] =	sst s0  }
0x9: {  	[smem:$0x3FA7] =	sst s1  }
0xa: {  	[smem:$0x3FA8] =	sst s2  }
0xb: {  	[smem:$0x3FA9] =	sst s3  }
0xc: {  	[smem:$0x3FAA] =	sst s4  }
0xd: {  	[smem:$0x3FAB] =	sst s5  }
0xe: {  	[smem:$0x3FAC] =	sst s6  }
0xf: {  	[smem:$0x3FAD] =	sst s7  }
0x10: {  	[smem:$0x3FAE] =	sst s8  }
0x11: {  	[smem:$0x3FAF] =	sst s9;
	s0 =	simm.s32 @!p0 $0x0  }
0x12: {  	s1 =	sld [smem:$0x3F95];
	s0 =	simm.s32 @p0 $0x1  }
0x13: {  	[smem:$0x3FB0] =	sst s0;
	s0 =	simm.s32 @!p1 $0x0  }
0x14: {  	s2 =	sld [smem:$0x3F94];
	s0 =	simm.s32 @p1 $0x1  }
0x15: {  	[smem:$0x3FB1] =	sst s0;
	s0 =	simm.s32 @!p2 $0x0  }
0x16: {  	s3 =	sld [smem:$0x3FDB];
	s0 =	simm.s32 @p2 $0x1  }
0x17: {  	s4 =	simm.s32 $0x1BF5;
	[smem:$0x3FB3] =	sst s0  }
0x18: {  	s0 =	sld [smem:$0x3F96];
	_ =	swait.ge [sflag:s4], $0x0  }
0x19: {  	s7 =	sld [smem:$0x3F97]  }
0x1a: {  	s8 =	sadd.s32 $0xFFFFE003, lr  }
0x1b: {  	s9 =	sadd.s32 $0xFFFFFEF7, lr;
	s5 =	simm.s32 $0xFFFFFFFF;
	p2 =	slt.u32 s8, $0xFFFFF086  }
0x1c: {  	p1 =	slt.u32 s9, $0xF7A;
	s5 =	simm.s32 @!p2 $0x0  }
0x1d: {  	s5 =	simm.s32 @p1 $0x1;
	p0 =	seq.s32 s7, s2  }
0x1e: {  	s7 =	smul.u32 @!p0 $0xF7A, s2;
	p2 =	seq.s32 @!p0 s5, $0x0  }
0x1f: {  	s9 =	smul.u32 $0xF7A, s1;
	s8 =	simm.s32 @!p0 $0x1BF5;
	p2 =	por !p2, p0  }
0x20: {  	[sflag:s8] =	ssyncset.s32 @!p0 $0xFFFFF086;
	s6 =	sadd.s32 @!p0 s3, s7;
	s7 =	simm.s32 @!p0 $0x108  }
0x21: {  	s3 =	sadd.s32 s3, s9;
	s6 =	sadd.s32 @!p0 $0x88, s6;
	s7 =	simm.s32 @p2 $0x1082  }
0x22: {  	[simem:s7], [sflag:s8] =	dma.local @!p0 [hbm:s6], $0xF7A  }
0x23: {  	s9 =	sor.u32 $0xD0000000, s2;
	s6 =	simm.s32 $0x108;
	_ =	swait.ge @!p0 [sflag:s8], $0x0  }
0x24: {  	s3 =	sadd.s32 $0x88, s3;
	s6 =	simm.s32 @!p1 $0x1082;
	[sflag:s4] =	ssyncset.s32 $0xFFFFF086  }
0x25: {  	[simem:s6], [sflag:s4] =	dma.local [hbm:s3], $0xF7A  }
0x26: {  	[smem:$0x3F97] =	sst s1;
	(tag) =	ssettag s2;
	_ =	strace s9  }
0x27: {  	s1 =	sld [smem:$0x3FA7]  }
0x28: {  	s2 =	sld [smem:$0x3FA8]  }
0x29: {  	s4 =	sld [smem:$0x3FAA]  }
0x2a: {  	p0 =	seq.s32 s5, $0x0;
	s5 =	sld [smem:$0x3FAB]  }
0x2b: {  	s6 =	sld [smem:$0x3FAC]  }
0x2c: {  	s7 =	sld [smem:$0x3FAD]  }
0x2d: {  	s3 =	simm.s32 $0x108;
	s8 =	sld [smem:$0x3FAE]  }
0x2e: {  	s3 =	simm.s32 @!p0 $0x1082;
	s9 =	sld [smem:$0x3FAF]  }
0x2f: {  	lr =	sadd.s32 s0, s3;
	s0 =	sld [smem:$0x3FA6]  }
0x30: {  	s3 =	sld [smem:$0x3FA9]  }
0x31: {  	[smem:$0x3FB2] =	sst s10  }
0x32: {  	s10 =	sld [smem:$0x3FB0];
	_ =	sdelay $0x3  }
0x33: {  	p0 =	seq.s32 s10, $0x1;
	s10 =	sld [smem:$0x3FB2];
	_ =	sdelay $0x3  }
0x34: {  	[smem:$0x3FB2] =	sst s10  }
0x35: {  	s10 =	sld [smem:$0x3FB1];
	_ =	sdelay $0x3  }
0x36: {  	p1 =	seq.s32 s10, $0x1;
	s10 =	sld [smem:$0x3FB2];
	_ =	sdelay $0x3  }
0x37: {  	[smem:$0x3FB2] =	sst s10  }
0x38: {  	s10 =	sld [smem:$0x3FB3]  }
0x39: {  	_ = 	snop;
	(pc) =	sbr.ind lr, $3  }
0x3a: {  	_ = 	snop  }
0x3b: {  	_ = 	snop  }
0x3c: {  	p2 =	seq.s32 s10, $0x1;
	s10 =	sld [smem:$0x3FB2]  }
0x3d: {  	_ =	shalt  }
0x3e: {  	_ =	shalt  }
0x3f: {  	_ =	shalt  }
0x40: {  	_ =	shalt  }
0x41: {  	_ =	shalt  }
0x42: {  	_ =	shalt  }
0x43: {  	_ =	shalt  }
0x44: {  	_ =	shalt  }
0x45: {  	_ =	shalt  }
0x46: {  	_ =	shalt  }
0x47: {  	_ =	shalt  }
0x48: {  	_ =	shalt  }
0x49: {  	_ =	shalt  }
0x4a: {  	_ =	shalt  }
0x4b: {  	_ =	shalt  }
0x4c: {  	_ =	shalt  }
0x4d: {  	_ =	shalt  }
0x4e: {  	_ =	shalt  }
0x4f: {  	_ =	shalt  }
0x50: {  	_ =	shalt  }
0x51: {  	_ =	shalt  }
0x52: {  	_ =	shalt  }
0x53: {  	_ =	shalt  }
0x54: {  	_ =	shalt  }
0x55: {  	_ =	shalt  }
0x56: {  	_ =	shalt  }
0x57: {  	_ =	shalt  }
0x58: {  	_ =	shalt  }
0x59: {  	_ =	shalt  }
0x5a: {  	_ =	shalt  }
0x5b: {  	_ =	shalt  }
0x5c: {  	_ =	shalt  }
0x5d: {  	_ =	shalt  }
0x5e: {  	_ =	shalt  }
0x5f: {  	_ =	shalt  }
0x60: {  	_ =	shalt  }
0x61: {  	_ =	shalt  }
0x62: {  	_ =	shalt  }
0x63: {  	_ =	shalt  }
0x64: {  	_ =	shalt  }
0x65: {  	_ =	shalt  }
0x66: {  	_ =	shalt  }
0x67: {  	_ =	shalt  }
0x68: {  	_ =	shalt  }
0x69: {  	_ =	shalt  }
0x6a: {  	_ =	shalt  }
0x6b: {  	_ =	shalt  }
0x6c: {  	_ =	shalt  }
0x6d: {  	_ =	shalt  }
0x6e: {  	_ =	shalt  }
0x6f: {  	_ =	shalt  }
0x70: {  	_ =	shalt  }
0x71: {  	_ =	shalt  }
0x72: {  	_ =	shalt  }
0x73: {  	_ =	shalt  }
0x74: {  	_ =	shalt  }
0x75: {  	_ =	shalt  }
0x76: {  	_ =	shalt  }
0x77: {  	_ =	shalt  }
0x78: {  	_ =	shalt  }
0x79: {  	_ =	shalt  }
0x7a: {  	_ =	shalt  }
0x7b: {  	_ =	shalt  }
0x7c: {  	_ =	shalt  }
0x7d: {  	_ =	shalt  }
0x7e: {  	_ =	shalt  }
0x7f: {  	_ =	shalt  }
0x80: {  	_ =	shalt  }
0x81: {  	_ =	shalt  }
0x82: {  	_ =	shalt  }
0x83: {  	_ =	shalt  }
0x84: {  	_ =	shalt  }
0x85: {  	_ =	shalt  }
0x86: {  	_ =	shalt  }
0x87: {  	_ =	shalt  }
.Lfunc_end0:
.L_simem_size_0:
called_computation_lowered:
.L_overlay_start_0:
0x88: {  	s2 =	sld [smem:$0x3FD9]  }
0x89: {  	s3 =	sld [smem:$0x3FFE];
	_ =	sdelay $0x1  }
0x8a: {  	s1 =	srdreg.scid  }
0x8b: {  	s0 =	sand.u32 $0x1, s1  }
0x8c: {  	s16 =	sshll.u32 s0, $0xA;
	s2 =	sadd.s32 s3, s2  }
0x8d: {  	s2 =	sadd.s32 s2, s16  }
0x8e: {  	[smem:$0x3FBE] =	sst s2  }
0x8f: {  	_ = 	snop  }
0x90: {  	(tm) =	ssettm $0x1  }
0x91: {  	s17 =	sld [smem:$0x3FFB];
	_ =	sdelay $0x3  }
0x92: {  	_ =	strace s17  }
0x93: {  	s2 =	sld [smem:$0x3FFC];
	_ =	sdelay $0x3  }
0x94: {  	_ =	strace s2  }
0x95: {  	s2 =	sld [smem:$0x3FFD];
	_ =	sdelay $0x3  }
0x96: {  	_ =	strace s2  }
0x97: {  	_ =	strace $0x8FFFFFFF  }
0x98: {  	s18 =	sld [smem:$0x3FDB];
	_ =	sdelay $0x1  }
0x99: {  	s19 =	simm.s32 $_scs_section_size  }
0x9a: {  	s4 =	simm.s32 $_size__tile_overlayer_lowered;
	s5 =	simm.s32 $_tile_overlayer_lowered  }
0x9b: {  	s22 =	simm.s32 $0x1BFF;
	s21 =	sshll.u32 s5, $0x1;
	s2 =	sadd.s32 s19, s18  }
0x9c: {  	s6 =	simm.s32 $0x0;
	s20 =	sshll.u32 s4, $0x1;
	s4 =	sadd.s32 s21, s2  }
0x9d: {  	[timem:s6], [sflag:s22] =	dma.local [hbm:s4], s20  }
0x9e: {  	_ =	swait.ge [sflag:s22], s20  }
0x9f: {  	s3 =	ssub.s32 $0x0, s20;
	[sflag:s22] =	ssyncset.done $0x0  }
0xa0: {  	[sflag:s22] =	ssyncadd.s32 s3;
	_ =	sdelay $0x1  }
0xa1: {  	s23 =	simm.s32 $0x1B8B  }
0xa2: {  	_ =	swait.ge [sflag:s23], $0x1  }
0xa3: {  	[sflag:s23] =	ssyncset.done $0x0  }
0xa4: {  	s25 =	simm.s32 $0x1B8E;
	s24 =	sld [smem:$0x3FFE];
	[sflag:s23] =	ssyncadd.s32 $0xFFFFFFFF  }
0xa5: {  	s26 =	simm.s32 $execute0_lowered;
	[smem:$0x3FD2] =	sst s25  }
0xa6: {  	s4 =	sshll.u32 s26, $0x1;
	_ =	strace $0x80000046;
	[dreg:$0x1] =	wrdreg $0xFFFFFFFF  }
0xa7: {  	s28 =	simm.s32 $_size_execute0_lowered;
	s2 =	sadd.s32 s2, s4;
	[dreg:$0x0] =	wrdreg $0x0  }
0xa8: {  	s4 =	sshll.u32 s28, $0x1;
	[dreg:$0x2] =	wrdreg s2  }
0xa9: {  	[dreg:$0x3] =	wrdreg s4  }
0xaa: {  	[dreg:$0x4] =	wrdreg $0xC0  }
0xab: {  	_ =	task [dreg:s6], $0x5FFFF  }
0xac: {  	[dreg:$0x1] =	wrdreg $0xFFFFFFFF  }
0xad: {  	[dreg:$0x0] =	wrdreg $0x60  }
0xae: {  	[dreg:$0x2] =	wrdreg s24  }
0xaf: {  	[dreg:$0x3] =	wrdreg $0x9  }
0xb0: {  	_ =	task.clear_ibuf [dreg:s6], $0x4FFFF;
	_ =	strace $0x90000046  }
0xb1: {  	s29 =	simm.s32 $0x9;
	_ =	strace $0x80000048  }
0xb2: {  	_ =	swait.ge [sflag:s29], $0x1  }
0xb3: {  	[sflag:s29] =	ssyncadd.s32 $0xFFFFFFFF  }
0xb4: {  	_ =	strace $0x90000048  }
0xb5: {  	_ =	sfence  }
0xb6: {  	s30 =	sld [smem:$0x0];
	_ =	sdelay $0x2  }
0xb7: {  	s31 =	sshll.u32 s1, $0xD;
	s1 =	sshrl.u32 s1, $0x2  }
0xb8: {  	s3 =	sand.u32 $0x4000, s31;
	s1 =	sadd.s32 s1, s30  }
0xb9: {  	s0 =	sor.u32 s3, s0;
	s1 =	sshll.u32 s1, $0x11  }
0xba: {  	s0 =	sor.u32 s1, s0  }
0xbb: {  	s0 =	sadd.s32 $0x8F2B, s0  }
0xbc: {  	[sflag:s0] =	ssyncadd.remote.s32 $0x1  }
0xbd: {  	_ =	sfence.sel $0xFFFF  }
0xbe: {  	[dreg:$0x0] =	wrdreg $0xFFFFFFFF;
	(pc) =	sbr.abs _section_cstart, $3  }
0xbf: {  	[dreg:$0x1] =	wrdreg $0xFFFFFFFF  }
0xc0: {  	_ =	task.clear_ibuf [dreg:s6], $0x2FFFF;
	_ =	strace $0x9FFFFFFF  }
0xc1: {  	(tm) =	ssettm $0x7FFFFFFF  }
tec
execute0_lowered:
.L_overlay_start_1:
0x0: {  	(tag) =	ssettag $0x1  }
0x1: {  	s0 =	srdreg.scid  }
0x2: {  	s5 =	rddreg [dreg:$0x0];
	s3 =	sand.u32 $0x1, s0  }
0x3: {  	s2 =	simm.s32 $0x0;
	s0 =	stileid.u32;
	s1 =	sshll.u32 s3, $0x4  }
0x4: {  	s8 =	simm.s32 $0x80;
	s9 =	simm.s32 $0x400;
	s4 =	sor.u32 s0, s1  }
0x5: {  	s10 =	simm.s32 $0x0;
	[smem:$0x7FF] =	sst s2;
	s1 =	sshrl.u32 s4, $0x3  }
0x6: {  	s7 =	sshll.u32 s0, $0x7;
	s3 =	ssub.s32 $0x2, s3;
	s6 =	smul.u32 $0x14000, s1  }
0x7: {  	s7 =	sand.u32 $0x380, s7;
	s31 =	sshrl.u32 s3, $0x1;
	s4 =	smul.u32 $0x500, s4  }
0x8: {  	s1 =	rddreg [dreg:$0x1];
	_ =	strace $0x80000047;
	s6 =	sor.u32 s7, s6  }
0x9: {  	s4 =	sadd.s32 s4, s5;
	s7 =	simm.s32 $0x2800;
	s6 =	sshrl.u32 s6, $0x3  }
0xa: {  	s5 =	sadd.s32 s6, s5;
	s6 =	ssub.s32 s3, s31;
	s3 =	sadd.s32 $0x3000, s4  }
0xb: {  	v0 =	vimm.f32 $0.0e+00;
	v1 =	vimm.f32 $1.000000000e+00;
	s4 =	sadd.s32 $0xD000, s5;
	s5 =	smax.u32 s6, $0x1;
	s6 =	simm.s32 $0x1  }
.LBB2_1:
0xc: {  	[tilespmem:s2], [sflag:$0x1] =	stream.linear.gather [hbm4b:s3+s2], $0x2800, $0x38;
	[tilespmem:$0x5000] =	vst v63  }
0xd: {  	_ =	swait.ge [sflag:s6], $0x2800  }
0xe: {  	[sflag:s6] =	ssyncset.done $0x0  }
0xf: {  	s11 =	simm.s32 $0x0;
	[sflag:s6] =	ssyncadd.s32 $0xFFFFD800  }
.LBB2_2:
0x10: {  	p0 =	sne.s32 s11, $0x9FC0  }
.Ltmp0:
0x11: {  	_ = 	snop;
	(pc) =	sbr.rel @p0 .LBB2_2-.Ltmp0, $3  }
0x12: {  	_ =	sdelay $0x1  }
0x13: {  	s12 =	sshra.s32 s11, $0x2  }
0x14: {  	s11 =	sadd.s32 $0x40, s11;
	[tilespmem:s12+$0x2800] =	vst v0  }
0x15: {  	s11 =	simm.s32 $0x0  }
.LBB2_4:
0x16: {  	s12 =	sshra.s32 s11, $0x2  }
0x17: {  	v2 =	vld [tilespmem:s12+$0x0];
	_ =	sdelay $0x7  }
0x18: {  	[tilespmem:v2+s7+$0x0] =	vst.idx.add.f32.msk $0xffff, v1  }
0x19: {  	v2 =	vld [tilespmem:s12+$0x10];
	_ =	sdelay $0x7  }
0x1a: {  	[tilespmem:v2+s7+$0x0] =	vst.idx.add.f32.msk $0xffff, v1  }
0x1b: {  	v2 =	vld [tilespmem:s12+$0x20];
	_ =	sdelay $0x7  }
0x1c: {  	[tilespmem:v2+s7+$0x0] =	vst.idx.add.f32.msk $0xffff, v1  }
0x1d: {  	v2 =	vld [tilespmem:s12+$0x30];
	_ =	sdelay $0x7  }
0x1e: {  	[tilespmem:v2+s7+$0x0] =	vst.idx.add.f32.msk $0xffff, v1  }
0x1f: {  	v2 =	vld [tilespmem:s12+$0x40];
	_ =	sdelay $0x7  }
0x20: {  	[tilespmem:v2+s7+$0x0] =	vst.idx.add.f32.msk $0xffff, v1  }
0x21: {  	v2 =	vld [tilespmem:s12+$0x50];
	_ =	sdelay $0x7  }
0x22: {  	[tilespmem:v2+s7+$0x0] =	vst.idx.add.f32.msk $0xffff, v1  }
0x23: {  	v2 =	vld [tilespmem:s12+$0x60];
	_ =	sdelay $0x7  }
0x24: {  	[tilespmem:v2+s7+$0x0] =	vst.idx.add.f32.msk $0xffff, v1  }
0x25: {  	v2 =	vld [tilespmem:s12+$0x70];
	_ =	sdelay $0x2  }
0x26: {  	p0 =	sne.s32 s11, $0x9E00  }
.Ltmp1:
0x27: {  	_ = 	snop;
	(pc) =	sbr.rel @p0 .LBB2_4-.Ltmp1, $2  }
0x28: {  	_ =	sdelay $0x2  }
0x29: {  	s11 =	sadd.s32 $0x200, s11;
	[tilespmem:v2+s7+$0x0] =	vst.idx.add.f32.msk $0xffff, v1  }
0x2a: {  	s10 =	sadd.s32 $0x1, s10  }
0x2b: {  	p0 =	sne.s32 s10, s5  }
.Ltmp2:
0x2c: {  	_ = 	snop;
	(pc) =	sbr.rel @p0 .LBB2_1-.Ltmp2, $4  }
0x2d: {  	[hbm4b:s4+s8] =	stream.strided.scatter [tilespmem:s7], [sflag:$0x1], $0x2800, s9, s8, $0x38;
	[tilespmem:$0x5000] =	vst v63  }
0x2e: {  	_ =	swait.ge [sflag:s6], $0x2800  }
0x2f: {  	[sflag:s6] =	ssyncset.done $0x0  }
0x30: {  	[sflag:s6] =	ssyncadd.s32 $0xFFFFD800  }
0x31: {  	_ =	sfence.sel $0x180000  }
0x32: {  	[bflag:$0x0] =	sbarrier.arrive $0xFFFF  }
0x33: {  	p0 =	sne.s32 s0, $0x0;
	_ =	strace $0x90000047  }
0x34: {  	s0 =	sadd.s32 @!p0 $0x100000, s1;
	[bflag:$0x2] =	sbarrier.arrive $0xFFFF  }
0x35: {  	[sflag:s0] =	ssyncadd.tile.s32 @!p0 $0x1;
	_ =	shalt  }
.Lfunc_end2:
_tile_overlayer_lowered:
.L_overlay_start_2:
0x36: {  	(tag) =	ssettag $0x2  }
0x37: {  	s0 =	rddreg [dreg:$0x0];
	s2 =	stileid.u32  }
0x38: {  	s1 =	rddreg [dreg:$0x1];
	p0 =	sne.s32 s2, $0x0  }
0x39: {  	s3 =	rddreg [dreg:$0x2];
	[bflag:$0x3] =	sbarrier.arrive $0xFFFF;
	s2 =	simm.s32 @!p0 $0x1C01  }
0x3a: {  	[timem:s3], [sflag:s2] =	dma.local @!p0 [hbm:s0], s1  }
0x3b: {  	s0 =	simm.s32 @!p0 $0x1  }
0x3c: {  	_ =	swait.ge @!p0 [sflag:s0], s1  }
0x3d: {  	s1 =	ssub.s32 @!p0 $0x0, s1;
	[sflag:s0] =	ssyncset.done @!p0 $0x0  }
0x3e: {  	[sflag:s0] =	ssyncadd.s32 @!p0 s1  }
0x3f: {  	[bflag:$0x3] =	sbarrier.arrive $0xFFFF  }
0x40: {  	_ =	shalt  }

</sc_bundles>
